<compile_context>
chip_gen: v7x
topology: tpu7x:2x2x1
jax: 0.10.2.dev20260603
libtpu: 0.0.44.dev20260713+nightly
codegen_flags: <defaults>
</compile_context>

<pallas_src>
import functools

import jax
import jax.numpy as jnp
from jax import lax
from jax.experimental import pallas as pl
from jax.experimental.pallas import tpu as pltpu
from jax.experimental.pallas import tpu_sc as plsc

N = 10000
E = 320000
D_IN = 128
D_OUT = 64
D_HID = 2 * D_OUT

NC = 2
NS = 16
NW = NC * NS
EW = E // NW
CH = 80
NB = 128
EWP = NB * CH
BLK = 32
NBLK = NB // BLK
PCH = 80
PNB = EW // PCH
PK = 3
PGRP = PNB // PK - 1
NP = 10112
RPT = NP // NS

ROWS_B = 10
RB = N // ROWS_B


_MESH = plsc.VectorSubcoreMesh(core_axis_name="c", subcore_axis_name="s")


def _make_sc_deg():

    @functools.partial(
        pl.kernel,
        out_type=[jax.ShapeDtypeStruct((NP, 16), jnp.float32),
                  jax.ShapeDtypeStruct((NP, 16), jnp.float32)],
        mesh=_MESH,
        scratch_types=[
            pltpu.VMEM((BLK, CH), jnp.int32),
            pltpu.VMEM((BLK, CH), jnp.int32),
            pltpu.VMEM((CH, 16), jnp.float32),
            pltpu.VMEM_SHARED((NP, 16), jnp.float32),
            pltpu.SemaphoreType.DMA,
            pltpu.SemaphoreType.DMA,
        ],
    )
    def sc_deg(dst_hbm, t_hbm, outA, outB, didxA, didxB, rows0, acc, sems, semi):
        c = lax.axis_index("c")
        s = lax.axis_index("s")
        wid = s * NC + c
        dbufs = [didxA, didxB]
        pltpu.sync_copy(t_hbm.at[pl.ds(s * RPT, RPT)], acc.at[pl.ds(s * RPT, RPT)])

        def wait_s():
            pltpu.make_async_copy(rows0, acc.at[didxA.at[0]], sems).wait()

        def load_idx_block(blk, k):
            pltpu.async_copy(dst_hbm.at[wid, pl.ds(blk * BLK, BLK)],
                             dbufs[k], semi)

        def wait_idx_block(k):
            pltpu.make_async_copy(dst_hbm.at[wid, pl.ds(0, BLK)],
                                  dbufs[k], semi).wait()

        load_idx_block(0, 0)

        def fill(j, carry):
            rows0[j, :] = jnp.full((16,), 1.0, jnp.float32)
            return carry
        lax.fori_loop(0, CH, fill, 0)
        plsc.subcore_barrier()
        wait_idx_block(0)

        for blk in range(NBLK):
            k = blk % 2
            didx = dbufs[k]
            if blk + 1 < NBLK:
                load_idx_block(blk + 1, 1 - k)

            def body(i, carry, didx=didx):
                pltpu.async_copy(rows0, acc.at[didx.at[i]], sems, add=True)

                @pl.when(i >= 2)
                def _():
                    wait_s()
                return carry

            lax.fori_loop(0, BLK, body, 0)
            wait_s()
            wait_s()
            if blk + 1 < NBLK:
                wait_idx_block(1 - k)

        plsc.subcore_barrier()

        @pl.when(c == 0)
        def _():
            pltpu.sync_copy(acc.at[pl.ds(s * RPT, RPT)],
                            outA.at[pl.ds(s * RPT, RPT)])

        @pl.when(c == 1)
        def _():
            pltpu.sync_copy(acc.at[pl.ds(s * RPT, RPT)],
                            outB.at[pl.ds(s * RPT, RPT)])

    return sc_deg


def _make_sc_prop(D):

    @functools.partial(
        pl.kernel,
        out_type=[jax.ShapeDtypeStruct((NP, D), jnp.float32),
                  jax.ShapeDtypeStruct((NP, D), jnp.float32)],
        mesh=_MESH,
        scratch_types=[
            [pltpu.VMEM((PCH,), jnp.int32) for _ in range(PK)],
            [pltpu.VMEM((PCH,), jnp.int32) for _ in range(PK)],
            [pltpu.VMEM((PCH, D), jnp.float32) for _ in range(PK)],
            pltpu.VMEM_SHARED((NP, D), jnp.float32),
            pltpu.SemaphoreType.DMA,
            pltpu.SemaphoreType.DMA,
            pltpu.SemaphoreType.DMA,
        ],
    )
    def sc_prop(src_hbm, dst_hbm, t_hbm, outA, outB,
                sidx, didx, rows, acc, semg, sems, semi):
        c = lax.axis_index("c")
        s = lax.axis_index("s")
        wid = s * NC + c
        base = wid * EW
        pltpu.sync_copy(t_hbm.at[pl.ds(s * RPT, RPT)], acc.at[pl.ds(s * RPT, RPT)])
        plsc.subcore_barrier()

        def wait_g():
            pltpu.make_async_copy(t_hbm.at[sidx[0]], rows[0], semg).wait()

        def wait_s():
            pltpu.make_async_copy(rows[0], acc.at[didx[0]], sems).wait()

        def wait_i():
            pltpu.make_async_copy(src_hbm.at[pl.ds(0, PCH)], sidx[0],
                                  semi).wait()
            pltpu.make_async_copy(dst_hbm.at[pl.ds(0, PCH)], didx[0],
                                  semi).wait()

        def prefetch_idx(i, p):
            off = base + i * PCH
            pltpu.async_copy(src_hbm.at[pl.ds(off, PCH)], sidx[p], semi)
            pltpu.async_copy(dst_hbm.at[pl.ds(off, PCH)], didx[p], semi)

        def gather(i, p):
            pltpu.async_copy(t_hbm.at[sidx[p]], rows[p], semg)

        def scatter(p):
            pltpu.async_copy(rows[p], acc.at[didx[p]], sems, add=True)

        pltpu.sync_copy(src_hbm.at[pl.ds(base, PCH)], sidx[0])
        pltpu.sync_copy(dst_hbm.at[pl.ds(base, PCH)], didx[0])

        def group(g, carry):
            for p in range(PK):
                i = PK * g + p

                @pl.when(i >= PK - 1)
                def _():
                    wait_s()
                prefetch_idx(i + 1, (p + 1) % PK)

                @pl.when(i >= 1)
                def _():
                    wait_i()
                gather(i, p)
                if p == 0:
                    @pl.when(g >= 1)
                    def _():
                        wait_g()
                        scatter(PK - 1)
                else:
                    wait_g()
                    scatter(p - 1)
            return carry

        lax.fori_loop(0, PGRP + 1, group, 0)
        done = PK * (PGRP + 1)
        for e in range(PNB - done):
            j = done + e
            p = j % PK
            wait_s()
            if j + 1 < PNB:
                prefetch_idx(j + 1, (p + 1) % PK)
            wait_i()
            gather(j, p)
            wait_g()
            scatter((j - 1) % PK)
        wait_g()
        scatter((PNB - 1) % PK)
        for _ in range(PK - 1):
            wait_s()

        plsc.subcore_barrier()

        @pl.when(c == 0)
        def _():
            pltpu.sync_copy(acc.at[pl.ds(s * RPT, RPT)],
                            outA.at[pl.ds(s * RPT, RPT)])

        @pl.when(c == 1)
        def _():
            pltpu.sync_copy(acc.at[pl.ds(s * RPT, RPT)],
                            outB.at[pl.ds(s * RPT, RPT)])

    return sc_prop


_sc_deg = _make_sc_deg()
_sc_prop = _make_sc_prop(D_IN)


def _tc_stage1(x, W1, dp0, dp1):

    def body(x_ref, w_ref, d0_ref, d1_ref, t1_ref, dis_ref):
        deg = d0_ref[...][:, :1] + d1_ref[...][:, :1] - 1.0
        dis = lax.rsqrt(deg)
        m = jnp.dot(x_ref[...], w_ref[...], preferred_element_type=jnp.float32)
        t1_ref[...] = m * dis
        dis_ref[...] = dis

    return pl.pallas_call(
        body,
        grid=(ROWS_B,),
        in_specs=[
            pl.BlockSpec((RB, D_IN), lambda i: (i, 0)),
            pl.BlockSpec((D_IN, D_HID), lambda i: (0, 0)),
            pl.BlockSpec((RB, 16), lambda i: (i, 0)),
            pl.BlockSpec((RB, 16), lambda i: (i, 0)),
        ],
        out_specs=[
            pl.BlockSpec((RB, D_HID), lambda i: (i, 0)),
            pl.BlockSpec((RB, 1), lambda i: (i, 0)),
        ],
        out_shape=[
            jax.ShapeDtypeStruct((NP, D_HID), jnp.float32),
            jax.ShapeDtypeStruct((N, 1), jnp.float32),
        ],
    )(x, W1, dp0, dp1)


def _tc_stage2(pa, pb, t1, dis, b1, Wc):

    def body(pa_ref, pb_ref, t1_ref, dis_ref, b_ref, w_ref, t2_ref):
        s = pa_ref[...] + pb_ref[...] - t1_ref[...]
        h = jnp.maximum(s * dis_ref[...] + b_ref[...], 0.0)
        m = jnp.dot(h, w_ref[...], preferred_element_type=jnp.float32)
        t2_ref[...] = m * dis_ref[...]

    return pl.pallas_call(
        body,
        grid=(ROWS_B,),
        in_specs=[
            pl.BlockSpec((RB, D_HID), lambda i: (i, 0)),
            pl.BlockSpec((RB, D_HID), lambda i: (i, 0)),
            pl.BlockSpec((RB, D_HID), lambda i: (i, 0)),
            pl.BlockSpec((RB, 1), lambda i: (i, 0)),
            pl.BlockSpec((1, D_HID), lambda i: (0, 0)),
            pl.BlockSpec((D_HID, 2 * D_OUT), lambda i: (0, 0)),
        ],
        out_specs=pl.BlockSpec((RB, 2 * D_OUT), lambda i: (i, 0)),
        out_shape=jax.ShapeDtypeStruct((NP, 2 * D_OUT), jnp.float32),
    )(pa, pb, t1, dis, b1, Wc)


def _tc_stage3(pa, pb, t2, dis, bmu, bls):

    def body(pa_ref, pb_ref, t2_ref, dis_ref, bm_ref, bl_ref, mu_ref, ls_ref):
        p = (pa_ref[...] + pb_ref[...] - t2_ref[...]) * dis_ref[...]
        mu_ref[...] = p[:, :D_OUT] + bm_ref[...]
        ls_ref[...] = p[:, D_OUT:] + bl_ref[...]

    return pl.pallas_call(
        body,
        grid=(ROWS_B,),
        in_specs=[
            pl.BlockSpec((RB, 2 * D_OUT), lambda i: (i, 0)),
            pl.BlockSpec((RB, 2 * D_OUT), lambda i: (i, 0)),
            pl.BlockSpec((RB, 2 * D_OUT), lambda i: (i, 0)),
            pl.BlockSpec((RB, 1), lambda i: (i, 0)),
            pl.BlockSpec((1, D_OUT), lambda i: (0, 0)),
            pl.BlockSpec((1, D_OUT), lambda i: (0, 0)),
        ],
        out_specs=[
            pl.BlockSpec((RB, D_OUT), lambda i: (i, 0)),
            pl.BlockSpec((RB, D_OUT), lambda i: (i, 0)),
        ],
        out_shape=[
            jax.ShapeDtypeStruct((N, D_OUT), jnp.float32),
            jax.ShapeDtypeStruct((N, D_OUT), jnp.float32),
        ],
    )(pa, pb, t2, dis, bmu, bls)


def kernel(x, edge_index, W1, b1, Wmu, bmu, Wls, bls):
    src = edge_index[0]
    dst = edge_index[1]
    ones16 = jnp.ones((NP, 16), jnp.float32)
    Wc = jnp.concatenate([Wmu, Wls], axis=1)
    dst3 = jnp.pad(dst.reshape(NW, EW), ((0, 0), (0, EWP - EW)),
                   constant_values=NP - 1).reshape(NW, NB, CH)

    dpA, dpB = _sc_deg(dst3, ones16)

    t1, dis = _tc_stage1(x, W1, dpA, dpB)

    s1a, s1b = _sc_prop(src, dst, t1)
    t2 = _tc_stage2(s1a, s1b, t1, dis, b1.reshape(1, -1), Wc)

    s2a, s2b = _sc_prop(src, dst, t2)
    mu, ls = _tc_stage3(s2a, s2b, t2, dis,
                        bmu.reshape(1, -1), bls.reshape(1, -1))
    return (mu, ls)

# --- scband reference (transcript-rebuilt; emitter-appended) ---
"""Pipeline reference for scband-variational-gcnencoder-3470333575320 (READ-ONLY COPY).

The authoritative reference and input builder live on the scoring server;
editing this copy changes nothing except your own understanding.
"""

import jax, jax.numpy as jnp
import numpy as np

N = 10000
E = 320000
D_IN = 128
D_OUT = 64
D_HID = 2 * D_OUT


def gcn_conv(x, edge_index, W, b):
    n = x.shape[0]
    self_loops = jnp.arange(n, dtype=edge_index.dtype)
    src = jnp.concatenate([edge_index[0], self_loops])
    dst = jnp.concatenate([edge_index[1], self_loops])
    # symmetric normalization with self-loops (PyG GCNConv default)
    deg = jnp.zeros((n,), dtype=x.dtype).at[dst].add(1.0)
    dis = jnp.where(deg > 0, 1.0 / jnp.sqrt(deg), 0.0)
    norm = dis[src] * dis[dst]
    h = x @ W
    msg = h[src] * norm[:, None]
    out = jnp.zeros((n, W.shape[1]), dtype=x.dtype).at[dst].add(msg)
    return out + b


def setup_inputs(seed: int = 0):
    key = jax.random.key(seed)
    ks = jax.random.split(key, 8)
    x = jax.random.normal(ks[0], (N, D_IN), dtype=jnp.float32)
    edge_index = jax.random.randint(ks[1], (2, E), 0, N, dtype=jnp.int32)
    W1 = jax.random.normal(ks[2], (D_IN, D_HID), dtype=jnp.float32) * (1.0 / np.sqrt(D_IN))
    b1 = jnp.zeros((D_HID,), dtype=jnp.float32)
    Wmu = jax.random.normal(ks[3], (D_HID, D_OUT), dtype=jnp.float32) * (1.0 / np.sqrt(D_HID))
    bmu = jnp.zeros((D_OUT,), dtype=jnp.float32)
    Wls = jax.random.normal(ks[4], (D_HID, D_OUT), dtype=jnp.float32) * (1.0 / np.sqrt(D_HID))
    bls = jnp.zeros((D_OUT,), dtype=jnp.float32)
    return {"x": x, "edge_index": edge_index, "W1": W1, "b1": b1,
            "Wmu": Wmu, "bmu": bmu, "Wls": Wls, "bls": bls}


def reference(x, edge_index, W1, b1, Wmu, bmu, Wls, bls):
    h = jax.nn.relu(gcn_conv(x, edge_index, W1, b1))
    mu = gcn_conv(h, edge_index, Wmu, bmu)
    logstd = gcn_conv(h, edge_index, Wls, bls)
    return (mu, logstd)

if __name__ == "__main__":
    import jax
    _d = setup_inputs()
    print(jax.jit(kernel)(*tuple(_d.values())))

</pallas_src>

<mosaic_0001>
#map = affine_map<(d0, d1) -> (0, 0, 0)>
#map1 = affine_map<(d0, d1) -> (0, 0)>
module attributes {stable_mosaic.version = 14 : i64} {
  func.func @sc_deg(%arg0: i32, %arg1: i32, %arg2: memref<32x128x80xi32, #tpu.memory_space<hbm>>, %arg3: memref<10112x16xf32, #tpu.memory_space<hbm>>, %arg4: memref<10112x16xf32, #tpu.memory_space<hbm>>, %arg5: memref<10112x16xf32, #tpu.memory_space<hbm>>, %arg6: memref<32x80xi32, #tpu.memory_space<vmem>>, %arg7: memref<32x80xi32, #tpu.memory_space<vmem>>, %arg8: memref<80x16xf32, #tpu.memory_space<vmem>>, %arg9: memref<10112x16xf32, #tpu.memory_space<vmem_shared>>, %arg10: memref<!tpu.dma_semaphore, #tpu.memory_space<semaphore_mem>>, %arg11: memref<!tpu.dma_semaphore, #tpu.memory_space<semaphore_mem>>) attributes {dimension_semantics = [#tpu.dimension_semantics<core_parallel>, #tpu.dimension_semantics<subcore_parallel>], iteration_bounds = array<i64: 2, 16>, scalar_prefetch = 0 : i64, scratch_operands = 6 : i64, tpu.core_type = #tpu.core_type<sc_vector_subcore>, window_params = [{transform_indices = #map}, {transform_indices = #map1}, {transform_indices = #map1}, {transform_indices = #map1}]} {
    %mul3A = arith.constant 2 : i32
    %mul3A_0 = arith.muli %arg1, %mul3A : i32
    %add3A = arith.addi %mul3A_0, %arg0 : i32
    %mul3A_1 = arith.constant 632 : i32
    %mul3A_2 = arith.muli %arg1, %mul3A_1 : i32
    %mul3A_3 = arith.constant 632 : i32
    %mul3A_4 = arith.muli %arg1, %mul3A_3 : i32
    "tpu.region"() ({
      %run_scoped3A = tpu.sem_alloc : memref<!tpu.dma_semaphore, #tpu.memory_space<semaphore_mem>>
      %dma_start3A_160 = arith.constant 0 : i32
      %dma_start3A_161 = tpu.memref_slice %arg9[%mul3A_4, %dma_start3A_160] : memref<10112x16xf32, #tpu.memory_space<vmem_shared>> -> memref<632x16xf32, #tpu.memory_space<vmem_shared>>
      %dma_start3A_162 = arith.constant 0 : i32
      %dma_start3A_163 = tpu.memref_slice %arg3[%mul3A_2, %dma_start3A_162] : memref<10112x16xf32, #tpu.memory_space<hbm>> -> memref<632x16xf32, #tpu.memory_space<hbm>>
      tpu.enqueue_dma source(%dma_start3A_163 : memref<632x16xf32, #tpu.memory_space<hbm>>) target(%dma_start3A_161 : memref<632x16xf32, #tpu.memory_space<vmem_shared>>) target_semaphore(%run_scoped3A : memref<!tpu.dma_semaphore, #tpu.memory_space<semaphore_mem>>)
      %dma_wait3A_164 = arith.constant 0 : i32
      %dma_wait3A_165 = tpu.memref_slice %arg9[%mul3A_4, %dma_wait3A_164] : memref<10112x16xf32, #tpu.memory_space<vmem_shared>> -> memref<632x16xf32, #tpu.memory_space<vmem_shared>>
      %dma_wait3A_166 = arith.constant 0 : i32
      %dma_wait3A_167 = tpu.memref_slice %arg3[%mul3A_2, %dma_wait3A_166] : memref<10112x16xf32, #tpu.memory_space<hbm>> -> memref<632x16xf32, #tpu.memory_space<hbm>>
      tpu.wait_dma2 semaphore(%run_scoped3A : memref<!tpu.dma_semaphore, #tpu.memory_space<semaphore_mem>>) src(%dma_wait3A_167 : memref<632x16xf32, #tpu.memory_space<hbm>>) dst(%dma_wait3A_165 : memref<632x16xf32, #tpu.memory_space<vmem_shared>>)
      tpu.yield
    }) : () -> ()
    %dma_start3A = arith.constant 0 : i32
    %dma_start3A_5 = arith.constant 0 : i32
    %dma_start3A_6 = tpu.memref_slice %arg2[%add3A, %dma_start3A, %dma_start3A_5] : memref<32x128x80xi32, #tpu.memory_space<hbm>> -> memref<1x32x80xi32, #tpu.memory_space<hbm>>
    %dma_start3A_7 = tpu.memref_squeeze %dma_start3A_6 : memref<1x32x80xi32, #tpu.memory_space<hbm>> -> memref<32x80xi32, #tpu.memory_space<hbm>>
    %dma_start3A_8 = arith.constant 0 : i32
    %dma_start3A_9 = arith.constant 0 : i32
    %dma_start3A_10 = tpu.memref_slice %arg2[%add3A, %dma_start3A_8, %dma_start3A_9] : memref<32x128x80xi32, #tpu.memory_space<hbm>> -> memref<1x32x80xi32, #tpu.memory_space<hbm>>
    %dma_start3A_11 = tpu.memref_squeeze %dma_start3A_10 : memref<1x32x80xi32, #tpu.memory_space<hbm>> -> memref<32x80xi32, #tpu.memory_space<hbm>>
    tpu.enqueue_dma source(%dma_start3A_11 : memref<32x80xi32, #tpu.memory_space<hbm>>) target(%arg6 : memref<32x80xi32, #tpu.memory_space<vmem>>) target_semaphore(%arg11 : memref<!tpu.dma_semaphore, #tpu.memory_space<semaphore_mem>>)
    %scan3A = arith.constant 0 : i32
    %scan3A_12 = arith.constant 0 : i32
    %scan3A_13 = arith.constant 80 : i32
    %scan3A_14 = arith.addi %scan3A_12, %scan3A_13 : i32
    %scan3A_15 = arith.constant 1 : i32
    scf.for %scan3A_160 = %scan3A_12 to %scan3A_14 step %scan3A_15  : i32 {
      %broadcast_in_dim3A = arith.constant 1.000000e+00 : f32
      %broadcast_in_dim3A_161 = vector.broadcast %broadcast_in_dim3A : f32 to vector<16xf32>
      %swap3A = arith.index_cast %scan3A_160 : i32 to index
      %swap3A_162 = arith.constant 0 : index
      %swap3A_163 = tpu.vector_load %arg8[%swap3A, %swap3A_162] {strides = array<i32>} : memref<80x16xf32, #tpu.memory_space<vmem>>, vector<1x16xf32>,
      %swap3A_164 = vector.shape_cast %swap3A_163 : vector<1x16xf32> to vector<16xf32>
      %swap3A_165 = vector.shape_cast %broadcast_in_dim3A_161 : vector<16xf32> to vector<1x16xf32>
      tpu.vector_store %arg8[%swap3A, %swap3A_162], %swap3A_165 {strides = array<i32>} : memref<80x16xf32, #tpu.memory_space<vmem>>, vector<1x16xf32>,
    }
    %scan3A_16 = arith.constant 80 : i32
    %barrier3A = arith.constant 0 : index
    tpu.barrier barrier_id(%barrier3A)
    %dma_wait3A = arith.constant 0 : i32
    %dma_wait3A_17 = arith.constant 0 : i32
    %dma_wait3A_18 = tpu.memref_slice %arg2[%add3A, %dma_wait3A, %dma_wait3A_17] : memref<32x128x80xi32, #tpu.memory_space<hbm>> -> memref<1x32x80xi32, #tpu.memory_space<hbm>>
    %dma_wait3A_19 = tpu.memref_squeeze %dma_wait3A_18 : memref<1x32x80xi32, #tpu.memory_space<hbm>> -> memref<32x80xi32, #tpu.memory_space<hbm>>
    %dma_wait3A_20 = arith.constant 0 : i32
    %dma_wait3A_21 = arith.constant 0 : i32
    %dma_wait3A_22 = tpu.memref_slice %arg2[%add3A, %dma_wait3A_20, %dma_wait3A_21] : memref<32x128x80xi32, #tpu.memory_space<hbm>> -> memref<1x32x80xi32, #tpu.memory_space<hbm>>
    %dma_wait3A_23 = tpu.memref_squeeze %dma_wait3A_22 : memref<1x32x80xi32, #tpu.memory_space<hbm>> -> memref<32x80xi32, #tpu.memory_space<hbm>>
    tpu.wait_dma2 semaphore(%arg11 : memref<!tpu.dma_semaphore, #tpu.memory_space<semaphore_mem>>) src(%dma_wait3A_23 : memref<32x80xi32, #tpu.memory_space<hbm>>) dst(%arg6 : memref<32x80xi32, #tpu.memory_space<vmem>>)
    %dma_start3A_24 = arith.constant 32 : i32
    %dma_start3A_25 = arith.constant 0 : i32
    %dma_start3A_26 = tpu.memref_slice %arg2[%add3A, %dma_start3A_24, %dma_start3A_25] : memref<32x128x80xi32, #tpu.memory_space<hbm>> -> memref<1x32x80xi32, #tpu.memory_space<hbm>>
    %dma_start3A_27 = tpu.memref_squeeze %dma_start3A_26 : memref<1x32x80xi32, #tpu.memory_space<hbm>> -> memref<32x80xi32, #tpu.memory_space<hbm>>
    %dma_start3A_28 = arith.constant 32 : i32
    %dma_start3A_29 = arith.constant 0 : i32
    %dma_start3A_30 = tpu.memref_slice %arg2[%add3A, %dma_start3A_28, %dma_start3A_29] : memref<32x128x80xi32, #tpu.memory_space<hbm>> -> memref<1x32x80xi32, #tpu.memory_space<hbm>>
    %dma_start3A_31 = tpu.memref_squeeze %dma_start3A_30 : memref<1x32x80xi32, #tpu.memory_space<hbm>> -> memref<32x80xi32, #tpu.memory_space<hbm>>
    tpu.enqueue_dma source(%dma_start3A_31 : memref<32x80xi32, #tpu.memory_space<hbm>>) target(%arg7 : memref<32x80xi32, #tpu.memory_space<vmem>>) target_semaphore(%arg11 : memref<!tpu.dma_semaphore, #tpu.memory_space<semaphore_mem>>)
    %scan3A_32 = arith.constant 0 : i32
    %scan3A_33 = arith.constant 0 : i32
    %scan3A_34 = arith.constant 32 : i32
    %scan3A_35 = arith.addi %scan3A_33, %scan3A_34 : i32
    %scan3A_36 = arith.constant 1 : i32
    scf.for %scan3A_160 = %scan3A_33 to %scan3A_35 step %scan3A_36  : i32 {
      %dma_start3A_161 = arith.constant 0 : i32
      %dma_start3A_162 = tpu.memref_slice %arg6[%scan3A_160, %dma_start3A_161] : memref<32x80xi32, #tpu.memory_space<vmem>> -> memref<1x80xi32, #tpu.memory_space<vmem>>
      %dma_start3A_163 = tpu.memref_squeeze %dma_start3A_162 : memref<1x80xi32, #tpu.memory_space<vmem>> -> memref<80xi32, #tpu.memory_space<vmem>>
      %dma_start3A_164 = arith.constant 0 : i32
      %dma_start3A_165 = arith.constant 0 : i32
      %dma_start3A_166 = tpu.memref_slice %arg9[%dma_start3A_164, %dma_start3A_165] : memref<10112x16xf32, #tpu.memory_space<vmem_shared>> -> memref<10112x16xf32, #tpu.memory_space<vmem_shared>>
      tpu.enqueue_indirect_dma source(%arg8 : memref<80x16xf32, #tpu.memory_space<vmem>>) target(%dma_start3A_166 : memref<10112x16xf32, #tpu.memory_space<vmem_shared>>) offsets(%dma_start3A_163 : memref<80xi32, #tpu.memory_space<vmem>>) semaphore(%arg10 : memref<!tpu.dma_semaphore, #tpu.memory_space<semaphore_mem>>) {add = true}
      %ge3A = arith.constant 2 : i32
      %ge3A_167 = arith.cmpi sge, %scan3A_160, %ge3A : i32
      %convert_element_type3A_168 = arith.extui %ge3A_167 : i1 to i32
      %cond3A_169 = arith.constant 0 : i32
      %cond3A_170 = arith.cmpi ne, %convert_element_type3A_168, %cond3A_169 : i32
      scf.if %cond3A_170 {
        %dma_wait3A_171 = arith.constant 0 : i32
        %dma_wait3A_172 = arith.constant 0 : i32
        %dma_wait3A_173 = tpu.memref_slice %arg6[%dma_wait3A_171, %dma_wait3A_172] : memref<32x80xi32, #tpu.memory_space<vmem>> -> memref<1x80xi32, #tpu.memory_space<vmem>>
        %dma_wait3A_174 = tpu.memref_squeeze %dma_wait3A_173 : memref<1x80xi32, #tpu.memory_space<vmem>> -> memref<80xi32, #tpu.memory_space<vmem>>
        %dma_wait3A_175 = arith.constant 0 : i32
        %dma_wait3A_176 = arith.constant 0 : i32
        %dma_wait3A_177 = tpu.memref_slice %arg9[%dma_wait3A_175, %dma_wait3A_176] : memref<10112x16xf32, #tpu.memory_space<vmem_shared>> -> memref<10112x16xf32, #tpu.memory_space<vmem_shared>>
        tpu.wait_indirect_dma semaphore(%arg10 : memref<!tpu.dma_semaphore, #tpu.memory_space<semaphore_mem>>) src(%arg8 : memref<80x16xf32, #tpu.memory_space<vmem>>) dst(%dma_wait3A_177 : memref<10112x16xf32, #tpu.memory_space<vmem_shared>>)
      } else {
      }
    }
    %scan3A_37 = arith.constant 32 : i32
    %dma_wait3A_38 = arith.constant 0 : i32
    %dma_wait3A_39 = arith.constant 0 : i32
    %dma_wait3A_40 = tpu.memref_slice %arg6[%dma_wait3A_38, %dma_wait3A_39] : memref<32x80xi32, #tpu.memory_space<vmem>> -> memref<1x80xi32, #tpu.memory_space<vmem>>
    %dma_wait3A_41 = tpu.memref_squeeze %dma_wait3A_40 : memref<1x80xi32, #tpu.memory_space<vmem>> -> memref<80xi32, #tpu.memory_space<vmem>>
    %dma_wait3A_42 = arith.constant 0 : i32
    %dma_wait3A_43 = arith.constant 0 : i32
    %dma_wait3A_44 = tpu.memref_slice %arg9[%dma_wait3A_42, %dma_wait3A_43] : memref<10112x16xf32, #tpu.memory_space<vmem_shared>> -> memref<10112x16xf32, #tpu.memory_space<vmem_shared>>
    tpu.wait_indirect_dma semaphore(%arg10 : memref<!tpu.dma_semaphore, #tpu.memory_space<semaphore_mem>>) src(%arg8 : memref<80x16xf32, #tpu.memory_space<vmem>>) dst(%dma_wait3A_44 : memref<10112x16xf32, #tpu.memory_space<vmem_shared>>)
    %dma_wait3A_45 = arith.constant 0 : i32
    %dma_wait3A_46 = arith.constant 0 : i32
    %dma_wait3A_47 = tpu.memref_slice %arg6[%dma_wait3A_45, %dma_wait3A_46] : memref<32x80xi32, #tpu.memory_space<vmem>> -> memref<1x80xi32, #tpu.memory_space<vmem>>
    %dma_wait3A_48 = tpu.memref_squeeze %dma_wait3A_47 : memref<1x80xi32, #tpu.memory_space<vmem>> -> memref<80xi32, #tpu.memory_space<vmem>>
    %dma_wait3A_49 = arith.constant 0 : i32
    %dma_wait3A_50 = arith.constant 0 : i32
    %dma_wait3A_51 = tpu.memref_slice %arg9[%dma_wait3A_49, %dma_wait3A_50] : memref<10112x16xf32, #tpu.memory_space<vmem_shared>> -> memref<10112x16xf32, #tpu.memory_space<vmem_shared>>
    tpu.wait_indirect_dma semaphore(%arg10 : memref<!tpu.dma_semaphore, #tpu.memory_space<semaphore_mem>>) src(%arg8 : memref<80x16xf32, #tpu.memory_space<vmem>>) dst(%dma_wait3A_51 : memref<10112x16xf32, #tpu.memory_space<vmem_shared>>)
    %dma_wait3A_52 = arith.constant 0 : i32
    %dma_wait3A_53 = arith.constant 0 : i32
    %dma_wait3A_54 = tpu.memref_slice %arg2[%add3A, %dma_wait3A_52, %dma_wait3A_53] : memref<32x128x80xi32, #tpu.memory_space<hbm>> -> memref<1x32x80xi32, #tpu.memory_space<hbm>>
    %dma_wait3A_55 = tpu.memref_squeeze %dma_wait3A_54 : memref<1x32x80xi32, #tpu.memory_space<hbm>> -> memref<32x80xi32, #tpu.memory_space<hbm>>
    %dma_wait3A_56 = arith.constant 0 : i32
    %dma_wait3A_57 = arith.constant 0 : i32
    %dma_wait3A_58 = tpu.memref_slice %arg2[%add3A, %dma_wait3A_56, %dma_wait3A_57] : memref<32x128x80xi32, #tpu.memory_space<hbm>> -> memref<1x32x80xi32, #tpu.memory_space<hbm>>
    %dma_wait3A_59 = tpu.memref_squeeze %dma_wait3A_58 : memref<1x32x80xi32, #tpu.memory_space<hbm>> -> memref<32x80xi32, #tpu.memory_space<hbm>>
    tpu.wait_dma2 semaphore(%arg11 : memref<!tpu.dma_semaphore, #tpu.memory_space<semaphore_mem>>) src(%dma_wait3A_59 : memref<32x80xi32, #tpu.memory_space<hbm>>) dst(%arg7 : memref<32x80xi32, #tpu.memory_space<vmem>>)
    %dma_start3A_60 = arith.constant 64 : i32
    %dma_start3A_61 = arith.constant 0 : i32
    %dma_start3A_62 = tpu.memref_slice %arg2[%add3A, %dma_start3A_60, %dma_start3A_61] : memref<32x128x80xi32, #tpu.memory_space<hbm>> -> memref<1x32x80xi32, #tpu.memory_space<hbm>>
    %dma_start3A_63 = tpu.memref_squeeze %dma_start3A_62 : memref<1x32x80xi32, #tpu.memory_space<hbm>> -> memref<32x80xi32, #tpu.memory_space<hbm>>
    %dma_start3A_64 = arith.constant 64 : i32
    %dma_start3A_65 = arith.constant 0 : i32
    %dma_start3A_66 = tpu.memref_slice %arg2[%add3A, %dma_start3A_64, %dma_start3A_65] : memref<32x128x80xi32, #tpu.memory_space<hbm>> -> memref<1x32x80xi32, #tpu.memory_space<hbm>>
    %dma_start3A_67 = tpu.memref_squeeze %dma_start3A_66 : memref<1x32x80xi32, #tpu.memory_space<hbm>> -> memref<32x80xi32, #tpu.memory_space<hbm>>
    tpu.enqueue_dma source(%dma_start3A_67 : memref<32x80xi32, #tpu.memory_space<hbm>>) target(%arg6 : memref<32x80xi32, #tpu.memory_space<vmem>>) target_semaphore(%arg11 : memref<!tpu.dma_semaphore, #tpu.memory_space<semaphore_mem>>)
    %scan3A_68 = arith.constant 0 : i32
    %scan3A_69 = arith.constant 0 : i32
    %scan3A_70 = arith.constant 32 : i32
    %scan3A_71 = arith.addi %scan3A_69, %scan3A_70 : i32
    %scan3A_72 = arith.constant 1 : i32
    scf.for %scan3A_160 = %scan3A_69 to %scan3A_71 step %scan3A_72  : i32 {
      %dma_start3A_161 = arith.constant 0 : i32
      %dma_start3A_162 = tpu.memref_slice %arg7[%scan3A_160, %dma_start3A_161] : memref<32x80xi32, #tpu.memory_space<vmem>> -> memref<1x80xi32, #tpu.memory_space<vmem>>
      %dma_start3A_163 = tpu.memref_squeeze %dma_start3A_162 : memref<1x80xi32, #tpu.memory_space<vmem>> -> memref<80xi32, #tpu.memory_space<vmem>>
      %dma_start3A_164 = arith.constant 0 : i32
      %dma_start3A_165 = arith.constant 0 : i32
      %dma_start3A_166 = tpu.memref_slice %arg9[%dma_start3A_164, %dma_start3A_165] : memref<10112x16xf32, #tpu.memory_space<vmem_shared>> -> memref<10112x16xf32, #tpu.memory_space<vmem_shared>>
      tpu.enqueue_indirect_dma source(%arg8 : memref<80x16xf32, #tpu.memory_space<vmem>>) target(%dma_start3A_166 : memref<10112x16xf32, #tpu.memory_space<vmem_shared>>) offsets(%dma_start3A_163 : memref<80xi32, #tpu.memory_space<vmem>>) semaphore(%arg10 : memref<!tpu.dma_semaphore, #tpu.memory_space<semaphore_mem>>) {add = true}
      %ge3A = arith.constant 2 : i32
      %ge3A_167 = arith.cmpi sge, %scan3A_160, %ge3A : i32
      %convert_element_type3A_168 = arith.extui %ge3A_167 : i1 to i32
      %cond3A_169 = arith.constant 0 : i32
      %cond3A_170 = arith.cmpi ne, %convert_element_type3A_168, %cond3A_169 : i32
      scf.if %cond3A_170 {
        %dma_wait3A_171 = arith.constant 0 : i32
        %dma_wait3A_172 = arith.constant 0 : i32
        %dma_wait3A_173 = tpu.memref_slice %arg6[%dma_wait3A_171, %dma_wait3A_172] : memref<32x80xi32, #tpu.memory_space<vmem>> -> memref<1x80xi32, #tpu.memory_space<vmem>>
        %dma_wait3A_174 = tpu.memref_squeeze %dma_wait3A_173 : memref<1x80xi32, #tpu.memory_space<vmem>> -> memref<80xi32, #tpu.memory_space<vmem>>
        %dma_wait3A_175 = arith.constant 0 : i32
        %dma_wait3A_176 = arith.constant 0 : i32
        %dma_wait3A_177 = tpu.memref_slice %arg9[%dma_wait3A_175, %dma_wait3A_176] : memref<10112x16xf32, #tpu.memory_space<vmem_shared>> -> memref<10112x16xf32, #tpu.memory_space<vmem_shared>>
        tpu.wait_indirect_dma semaphore(%arg10 : memref<!tpu.dma_semaphore, #tpu.memory_space<semaphore_mem>>) src(%arg8 : memref<80x16xf32, #tpu.memory_space<vmem>>) dst(%dma_wait3A_177 : memref<10112x16xf32, #tpu.memory_space<vmem_shared>>)
      } else {
      }
    }
    %scan3A_73 = arith.constant 32 : i32
    %dma_wait3A_74 = arith.constant 0 : i32
    %dma_wait3A_75 = arith.constant 0 : i32
    %dma_wait3A_76 = tpu.memref_slice %arg6[%dma_wait3A_74, %dma_wait3A_75] : memref<32x80xi32, #tpu.memory_space<vmem>> -> memref<1x80xi32, #tpu.memory_space<vmem>>
    %dma_wait3A_77 = tpu.memref_squeeze %dma_wait3A_76 : memref<1x80xi32, #tpu.memory_space<vmem>> -> memref<80xi32, #tpu.memory_space<vmem>>
    %dma_wait3A_78 = arith.constant 0 : i32
    %dma_wait3A_79 = arith.constant 0 : i32
    %dma_wait3A_80 = tpu.memref_slice %arg9[%dma_wait3A_78, %dma_wait3A_79] : memref<10112x16xf32, #tpu.memory_space<vmem_shared>> -> memref<10112x16xf32, #tpu.memory_space<vmem_shared>>
    tpu.wait_indirect_dma semaphore(%arg10 : memref<!tpu.dma_semaphore, #tpu.memory_space<semaphore_mem>>) src(%arg8 : memref<80x16xf32, #tpu.memory_space<vmem>>) dst(%dma_wait3A_80 : memref<10112x16xf32, #tpu.memory_space<vmem_shared>>)
    %dma_wait3A_81 = arith.constant 0 : i32
    %dma_wait3A_82 = arith.constant 0 : i32
    %dma_wait3A_83 = tpu.memref_slice %arg6[%dma_wait3A_81, %dma_wait3A_82] : memref<32x80xi32, #tpu.memory_space<vmem>> -> memref<1x80xi32, #tpu.memory_space<vmem>>
    %dma_wait3A_84 = tpu.memref_squeeze %dma_wait3A_83 : memref<1x80xi32, #tpu.memory_space<vmem>> -> memref<80xi32, #tpu.memory_space<vmem>>
    %dma_wait3A_85 = arith.constant 0 : i32
    %dma_wait3A_86 = arith.constant 0 : i32
    %dma_wait3A_87 = tpu.memref_slice %arg9[%dma_wait3A_85, %dma_wait3A_86] : memref<10112x16xf32, #tpu.memory_space<vmem_shared>> -> memref<10112x16xf32, #tpu.memory_space<vmem_shared>>
    tpu.wait_indirect_dma semaphore(%arg10 : memref<!tpu.dma_semaphore, #tpu.memory_space<semaphore_mem>>) src(%arg8 : memref<80x16xf32, #tpu.memory_space<vmem>>) dst(%dma_wait3A_87 : memref<10112x16xf32, #tpu.memory_space<vmem_shared>>)
    %dma_wait3A_88 = arith.constant 0 : i32
    %dma_wait3A_89 = arith.constant 0 : i32
    %dma_wait3A_90 = tpu.memref_slice %arg2[%add3A, %dma_wait3A_88, %dma_wait3A_89] : memref<32x128x80xi32, #tpu.memory_space<hbm>> -> memref<1x32x80xi32, #tpu.memory_space<hbm>>
    %dma_wait3A_91 = tpu.memref_squeeze %dma_wait3A_90 : memref<1x32x80xi32, #tpu.memory_space<hbm>> -> memref<32x80xi32, #tpu.memory_space<hbm>>
    %dma_wait3A_92 = arith.constant 0 : i32
    %dma_wait3A_93 = arith.constant 0 : i32
    %dma_wait3A_94 = tpu.memref_slice %arg2[%add3A, %dma_wait3A_92, %dma_wait3A_93] : memref<32x128x80xi32, #tpu.memory_space<hbm>> -> memref<1x32x80xi32, #tpu.memory_space<hbm>>
    %dma_wait3A_95 = tpu.memref_squeeze %dma_wait3A_94 : memref<1x32x80xi32, #tpu.memory_space<hbm>> -> memref<32x80xi32, #tpu.memory_space<hbm>>
    tpu.wait_dma2 semaphore(%arg11 : memref<!tpu.dma_semaphore, #tpu.memory_space<semaphore_mem>>) src(%dma_wait3A_95 : memref<32x80xi32, #tpu.memory_space<hbm>>) dst(%arg6 : memref<32x80xi32, #tpu.memory_space<vmem>>)
    %dma_start3A_96 = arith.constant 96 : i32
    %dma_start3A_97 = arith.constant 0 : i32
    %dma_start3A_98 = tpu.memref_slice %arg2[%add3A, %dma_start3A_96, %dma_start3A_97] : memref<32x128x80xi32, #tpu.memory_space<hbm>> -> memref<1x32x80xi32, #tpu.memory_space<hbm>>
    %dma_start3A_99 = tpu.memref_squeeze %dma_start3A_98 : memref<1x32x80xi32, #tpu.memory_space<hbm>> -> memref<32x80xi32, #tpu.memory_space<hbm>>
    %dma_start3A_100 = arith.constant 96 : i32
    %dma_start3A_101 = arith.constant 0 : i32
    %dma_start3A_102 = tpu.memref_slice %arg2[%add3A, %dma_start3A_100, %dma_start3A_101] : memref<32x128x80xi32, #tpu.memory_space<hbm>> -> memref<1x32x80xi32, #tpu.memory_space<hbm>>
    %dma_start3A_103 = tpu.memref_squeeze %dma_start3A_102 : memref<1x32x80xi32, #tpu.memory_space<hbm>> -> memref<32x80xi32, #tpu.memory_space<hbm>>
    tpu.enqueue_dma source(%dma_start3A_103 : memref<32x80xi32, #tpu.memory_space<hbm>>) target(%arg7 : memref<32x80xi32, #tpu.memory_space<vmem>>) target_semaphore(%arg11 : memref<!tpu.dma_semaphore, #tpu.memory_space<semaphore_mem>>)
    %scan3A_104 = arith.constant 0 : i32
    %scan3A_105 = arith.constant 0 : i32
    %scan3A_106 = arith.constant 32 : i32
    %scan3A_107 = arith.addi %scan3A_105, %scan3A_106 : i32
    %scan3A_108 = arith.constant 1 : i32
    scf.for %scan3A_160 = %scan3A_105 to %scan3A_107 step %scan3A_108  : i32 {
      %dma_start3A_161 = arith.constant 0 : i32
      %dma_start3A_162 = tpu.memref_slice %arg6[%scan3A_160, %dma_start3A_161] : memref<32x80xi32, #tpu.memory_space<vmem>> -> memref<1x80xi32, #tpu.memory_space<vmem>>
      %dma_start3A_163 = tpu.memref_squeeze %dma_start3A_162 : memref<1x80xi32, #tpu.memory_space<vmem>> -> memref<80xi32, #tpu.memory_space<vmem>>
      %dma_start3A_164 = arith.constant 0 : i32
      %dma_start3A_165 = arith.constant 0 : i32
      %dma_start3A_166 = tpu.memref_slice %arg9[%dma_start3A_164, %dma_start3A_165] : memref<10112x16xf32, #tpu.memory_space<vmem_shared>> -> memref<10112x16xf32, #tpu.memory_space<vmem_shared>>
      tpu.enqueue_indirect_dma source(%arg8 : memref<80x16xf32, #tpu.memory_space<vmem>>) target(%dma_start3A_166 : memref<10112x16xf32, #tpu.memory_space<vmem_shared>>) offsets(%dma_start3A_163 : memref<80xi32, #tpu.memory_space<vmem>>) semaphore(%arg10 : memref<!tpu.dma_semaphore, #tpu.memory_space<semaphore_mem>>) {add = true}
      %ge3A = arith.constant 2 : i32
      %ge3A_167 = arith.cmpi sge, %scan3A_160, %ge3A : i32
      %convert_element_type3A_168 = arith.extui %ge3A_167 : i1 to i32
      %cond3A_169 = arith.constant 0 : i32
      %cond3A_170 = arith.cmpi ne, %convert_element_type3A_168, %cond3A_169 : i32
      scf.if %cond3A_170 {
        %dma_wait3A_171 = arith.constant 0 : i32
        %dma_wait3A_172 = arith.constant 0 : i32
        %dma_wait3A_173 = tpu.memref_slice %arg6[%dma_wait3A_171, %dma_wait3A_172] : memref<32x80xi32, #tpu.memory_space<vmem>> -> memref<1x80xi32, #tpu.memory_space<vmem>>
        %dma_wait3A_174 = tpu.memref_squeeze %dma_wait3A_173 : memref<1x80xi32, #tpu.memory_space<vmem>> -> memref<80xi32, #tpu.memory_space<vmem>>
        %dma_wait3A_175 = arith.constant 0 : i32
        %dma_wait3A_176 = arith.constant 0 : i32
        %dma_wait3A_177 = tpu.memref_slice %arg9[%dma_wait3A_175, %dma_wait3A_176] : memref<10112x16xf32, #tpu.memory_space<vmem_shared>> -> memref<10112x16xf32, #tpu.memory_space<vmem_shared>>
        tpu.wait_indirect_dma semaphore(%arg10 : memref<!tpu.dma_semaphore, #tpu.memory_space<semaphore_mem>>) src(%arg8 : memref<80x16xf32, #tpu.memory_space<vmem>>) dst(%dma_wait3A_177 : memref<10112x16xf32, #tpu.memory_space<vmem_shared>>)
      } else {
      }
    }
    %scan3A_109 = arith.constant 32 : i32
    %dma_wait3A_110 = arith.constant 0 : i32
    %dma_wait3A_111 = arith.constant 0 : i32
    %dma_wait3A_112 = tpu.memref_slice %arg6[%dma_wait3A_110, %dma_wait3A_111] : memref<32x80xi32, #tpu.memory_space<vmem>> -> memref<1x80xi32, #tpu.memory_space<vmem>>
    %dma_wait3A_113 = tpu.memref_squeeze %dma_wait3A_112 : memref<1x80xi32, #tpu.memory_space<vmem>> -> memref<80xi32, #tpu.memory_space<vmem>>
    %dma_wait3A_114 = arith.constant 0 : i32
    %dma_wait3A_115 = arith.constant 0 : i32
    %dma_wait3A_116 = tpu.memref_slice %arg9[%dma_wait3A_114, %dma_wait3A_115] : memref<10112x16xf32, #tpu.memory_space<vmem_shared>> -> memref<10112x16xf32, #tpu.memory_space<vmem_shared>>
    tpu.wait_indirect_dma semaphore(%arg10 : memref<!tpu.dma_semaphore, #tpu.memory_space<semaphore_mem>>) src(%arg8 : memref<80x16xf32, #tpu.memory_space<vmem>>) dst(%dma_wait3A_116 : memref<10112x16xf32, #tpu.memory_space<vmem_shared>>)
    %dma_wait3A_117 = arith.constant 0 : i32
    %dma_wait3A_118 = arith.constant 0 : i32
    %dma_wait3A_119 = tpu.memref_slice %arg6[%dma_wait3A_117, %dma_wait3A_118] : memref<32x80xi32, #tpu.memory_space<vmem>> -> memref<1x80xi32, #tpu.memory_space<vmem>>
    %dma_wait3A_120 = tpu.memref_squeeze %dma_wait3A_119 : memref<1x80xi32, #tpu.memory_space<vmem>> -> memref<80xi32, #tpu.memory_space<vmem>>
    %dma_wait3A_121 = arith.constant 0 : i32
    %dma_wait3A_122 = arith.constant 0 : i32
    %dma_wait3A_123 = tpu.memref_slice %arg9[%dma_wait3A_121, %dma_wait3A_122] : memref<10112x16xf32, #tpu.memory_space<vmem_shared>> -> memref<10112x16xf32, #tpu.memory_space<vmem_shared>>
    tpu.wait_indirect_dma semaphore(%arg10 : memref<!tpu.dma_semaphore, #tpu.memory_space<semaphore_mem>>) src(%arg8 : memref<80x16xf32, #tpu.memory_space<vmem>>) dst(%dma_wait3A_123 : memref<10112x16xf32, #tpu.memory_space<vmem_shared>>)
    %dma_wait3A_124 = arith.constant 0 : i32
    %dma_wait3A_125 = arith.constant 0 : i32
    %dma_wait3A_126 = tpu.memref_slice %arg2[%add3A, %dma_wait3A_124, %dma_wait3A_125] : memref<32x128x80xi32, #tpu.memory_space<hbm>> -> memref<1x32x80xi32, #tpu.memory_space<hbm>>
    %dma_wait3A_127 = tpu.memref_squeeze %dma_wait3A_126 : memref<1x32x80xi32, #tpu.memory_space<hbm>> -> memref<32x80xi32, #tpu.memory_space<hbm>>
    %dma_wait3A_128 = arith.constant 0 : i32
    %dma_wait3A_129 = arith.constant 0 : i32
    %dma_wait3A_130 = tpu.memref_slice %arg2[%add3A, %dma_wait3A_128, %dma_wait3A_129] : memref<32x128x80xi32, #tpu.memory_space<hbm>> -> memref<1x32x80xi32, #tpu.memory_space<hbm>>
    %dma_wait3A_131 = tpu.memref_squeeze %dma_wait3A_130 : memref<1x32x80xi32, #tpu.memory_space<hbm>> -> memref<32x80xi32, #tpu.memory_space<hbm>>
    tpu.wait_dma2 semaphore(%arg11 : memref<!tpu.dma_semaphore, #tpu.memory_space<semaphore_mem>>) src(%dma_wait3A_131 : memref<32x80xi32, #tpu.memory_space<hbm>>) dst(%arg7 : memref<32x80xi32, #tpu.memory_space<vmem>>)
    %scan3A_132 = arith.constant 0 : i32
    %scan3A_133 = arith.constant 0 : i32
    %scan3A_134 = arith.constant 32 : i32
    %scan3A_135 = arith.addi %scan3A_133, %scan3A_134 : i32
    %scan3A_136 = arith.constant 1 : i32
    scf.for %scan3A_160 = %scan3A_133 to %scan3A_135 step %scan3A_136  : i32 {
      %dma_start3A_161 = arith.constant 0 : i32
      %dma_start3A_162 = tpu.memref_slice %arg7[%scan3A_160, %dma_start3A_161] : memref<32x80xi32, #tpu.memory_space<vmem>> -> memref<1x80xi32, #tpu.memory_space<vmem>>
      %dma_start3A_163 = tpu.memref_squeeze %dma_start3A_162 : memref<1x80xi32, #tpu.memory_space<vmem>> -> memref<80xi32, #tpu.memory_space<vmem>>
      %dma_start3A_164 = arith.constant 0 : i32
      %dma_start3A_165 = arith.constant 0 : i32
      %dma_start3A_166 = tpu.memref_slice %arg9[%dma_start3A_164, %dma_start3A_165] : memref<10112x16xf32, #tpu.memory_space<vmem_shared>> -> memref<10112x16xf32, #tpu.memory_space<vmem_shared>>
      tpu.enqueue_indirect_dma source(%arg8 : memref<80x16xf32, #tpu.memory_space<vmem>>) target(%dma_start3A_166 : memref<10112x16xf32, #tpu.memory_space<vmem_shared>>) offsets(%dma_start3A_163 : memref<80xi32, #tpu.memory_space<vmem>>) semaphore(%arg10 : memref<!tpu.dma_semaphore, #tpu.memory_space<semaphore_mem>>) {add = true}
      %ge3A = arith.constant 2 : i32
      %ge3A_167 = arith.cmpi sge, %scan3A_160, %ge3A : i32
      %convert_element_type3A_168 = arith.extui %ge3A_167 : i1 to i32
      %cond3A_169 = arith.constant 0 : i32
      %cond3A_170 = arith.cmpi ne, %convert_element_type3A_168, %cond3A_169 : i32
      scf.if %cond3A_170 {
        %dma_wait3A_171 = arith.constant 0 : i32
        %dma_wait3A_172 = arith.constant 0 : i32
        %dma_wait3A_173 = tpu.memref_slice %arg6[%dma_wait3A_171, %dma_wait3A_172] : memref<32x80xi32, #tpu.memory_space<vmem>> -> memref<1x80xi32, #tpu.memory_space<vmem>>
        %dma_wait3A_174 = tpu.memref_squeeze %dma_wait3A_173 : memref<1x80xi32, #tpu.memory_space<vmem>> -> memref<80xi32, #tpu.memory_space<vmem>>
        %dma_wait3A_175 = arith.constant 0 : i32
        %dma_wait3A_176 = arith.constant 0 : i32
        %dma_wait3A_177 = tpu.memref_slice %arg9[%dma_wait3A_175, %dma_wait3A_176] : memref<10112x16xf32, #tpu.memory_space<vmem_shared>> -> memref<10112x16xf32, #tpu.memory_space<vmem_shared>>
        tpu.wait_indirect_dma semaphore(%arg10 : memref<!tpu.dma_semaphore, #tpu.memory_space<semaphore_mem>>) src(%arg8 : memref<80x16xf32, #tpu.memory_space<vmem>>) dst(%dma_wait3A_177 : memref<10112x16xf32, #tpu.memory_space<vmem_shared>>)
      } else {
      }
    }
    %scan3A_137 = arith.constant 32 : i32
    %dma_wait3A_138 = arith.constant 0 : i32
    %dma_wait3A_139 = arith.constant 0 : i32
    %dma_wait3A_140 = tpu.memref_slice %arg6[%dma_wait3A_138, %dma_wait3A_139] : memref<32x80xi32, #tpu.memory_space<vmem>> -> memref<1x80xi32, #tpu.memory_space<vmem>>
    %dma_wait3A_141 = tpu.memref_squeeze %dma_wait3A_140 : memref<1x80xi32, #tpu.memory_space<vmem>> -> memref<80xi32, #tpu.memory_space<vmem>>
    %dma_wait3A_142 = arith.constant 0 : i32
    %dma_wait3A_143 = arith.constant 0 : i32
    %dma_wait3A_144 = tpu.memref_slice %arg9[%dma_wait3A_142, %dma_wait3A_143] : memref<10112x16xf32, #tpu.memory_space<vmem_shared>> -> memref<10112x16xf32, #tpu.memory_space<vmem_shared>>
    tpu.wait_indirect_dma semaphore(%arg10 : memref<!tpu.dma_semaphore, #tpu.memory_space<semaphore_mem>>) src(%arg8 : memref<80x16xf32, #tpu.memory_space<vmem>>) dst(%dma_wait3A_144 : memref<10112x16xf32, #tpu.memory_space<vmem_shared>>)
    %dma_wait3A_145 = arith.constant 0 : i32
    %dma_wait3A_146 = arith.constant 0 : i32
    %dma_wait3A_147 = tpu.memref_slice %arg6[%dma_wait3A_145, %dma_wait3A_146] : memref<32x80xi32, #tpu.memory_space<vmem>> -> memref<1x80xi32, #tpu.memory_space<vmem>>
    %dma_wait3A_148 = tpu.memref_squeeze %dma_wait3A_147 : memref<1x80xi32, #tpu.memory_space<vmem>> -> memref<80xi32, #tpu.memory_space<vmem>>
    %dma_wait3A_149 = arith.constant 0 : i32
    %dma_wait3A_150 = arith.constant 0 : i32
    %dma_wait3A_151 = tpu.memref_slice %arg9[%dma_wait3A_149, %dma_wait3A_150] : memref<10112x16xf32, #tpu.memory_space<vmem_shared>> -> memref<10112x16xf32, #tpu.memory_space<vmem_shared>>
    tpu.wait_indirect_dma semaphore(%arg10 : memref<!tpu.dma_semaphore, #tpu.memory_space<semaphore_mem>>) src(%arg8 : memref<80x16xf32, #tpu.memory_space<vmem>>) dst(%dma_wait3A_151 : memref<10112x16xf32, #tpu.memory_space<vmem_shared>>)
    %barrier3A_152 = arith.constant 0 : index
    tpu.barrier barrier_id(%barrier3A_152)
    %eq3A = arith.constant 0 : i32
    %eq3A_153 = arith.cmpi eq, %arg0, %eq3A : i32
    %convert_element_type3A = arith.extui %eq3A_153 : i1 to i32
    %cond3A = arith.constant 0 : i32
    %cond3A_154 = arith.cmpi ne, %convert_element_type3A, %cond3A : i32
    scf.if %cond3A_154 {
      %mul3A_160 = arith.constant 632 : i32
      %mul3A_161 = arith.muli %arg1, %mul3A_160 : i32
      %mul3A_162 = arith.constant 632 : i32
      %mul3A_163 = arith.muli %arg1, %mul3A_162 : i32
      "tpu.region"() ({
        %run_scoped3A = tpu.sem_alloc : memref<!tpu.dma_semaphore, #tpu.memory_space<semaphore_mem>>
        %dma_start3A_164 = arith.constant 0 : i32
        %dma_start3A_165 = tpu.memref_slice %arg4[%mul3A_163, %dma_start3A_164] : memref<10112x16xf32, #tpu.memory_space<hbm>> -> memref<632x16xf32, #tpu.memory_space<hbm>>
        %dma_start3A_166 = arith.constant 0 : i32
        %dma_start3A_167 = tpu.memref_slice %arg9[%mul3A_161, %dma_start3A_166] : memref<10112x16xf32, #tpu.memory_space<vmem_shared>> -> memref<632x16xf32, #tpu.memory_space<vmem_shared>>
        tpu.enqueue_dma source(%dma_start3A_167 : memref<632x16xf32, #tpu.memory_space<vmem_shared>>) target(%dma_start3A_165 : memref<632x16xf32, #tpu.memory_space<hbm>>) target_semaphore(%run_scoped3A : memref<!tpu.dma_semaphore, #tpu.memory_space<semaphore_mem>>)
        %dma_wait3A_168 = arith.constant 0 : i32
        %dma_wait3A_169 = tpu.memref_slice %arg4[%mul3A_163, %dma_wait3A_168] : memref<10112x16xf32, #tpu.memory_space<hbm>> -> memref<632x16xf32, #tpu.memory_space<hbm>>
        %dma_wait3A_170 = arith.constant 0 : i32
        %dma_wait3A_171 = tpu.memref_slice %arg9[%mul3A_161, %dma_wait3A_170] : memref<10112x16xf32, #tpu.memory_space<vmem_shared>> -> memref<632x16xf32, #tpu.memory_space<vmem_shared>>
        tpu.wait_dma2 semaphore(%run_scoped3A : memref<!tpu.dma_semaphore, #tpu.memory_space<semaphore_mem>>) src(%dma_wait3A_171 : memref<632x16xf32, #tpu.memory_space<vmem_shared>>) dst(%dma_wait3A_169 : memref<632x16xf32, #tpu.memory_space<hbm>>)
        tpu.yield
      }) : () -> ()
    } else {
    }
    %eq3A_155 = arith.constant 1 : i32
    %eq3A_156 = arith.cmpi eq, %arg0, %eq3A_155 : i32
    %convert_element_type3A_157 = arith.extui %eq3A_156 : i1 to i32
    %cond3A_158 = arith.constant 0 : i32
    %cond3A_159 = arith.cmpi ne, %convert_element_type3A_157, %cond3A_158 : i32
    scf.if %cond3A_159 {
      %mul3A_160 = arith.constant 632 : i32
      %mul3A_161 = arith.muli %arg1, %mul3A_160 : i32
      %mul3A_162 = arith.constant 632 : i32
      %mul3A_163 = arith.muli %arg1, %mul3A_162 : i32
      "tpu.region"() ({
        %run_scoped3A = tpu.sem_alloc : memref<!tpu.dma_semaphore, #tpu.memory_space<semaphore_mem>>
        %dma_start3A_164 = arith.constant 0 : i32
        %dma_start3A_165 = tpu.memref_slice %arg5[%mul3A_163, %dma_start3A_164] : memref<10112x16xf32, #tpu.memory_space<hbm>> -> memref<632x16xf32, #tpu.memory_space<hbm>>
        %dma_start3A_166 = arith.constant 0 : i32
        %dma_start3A_167 = tpu.memref_slice %arg9[%mul3A_161, %dma_start3A_166] : memref<10112x16xf32, #tpu.memory_space<vmem_shared>> -> memref<632x16xf32, #tpu.memory_space<vmem_shared>>
        tpu.enqueue_dma source(%dma_start3A_167 : memref<632x16xf32, #tpu.memory_space<vmem_shared>>) target(%dma_start3A_165 : memref<632x16xf32, #tpu.memory_space<hbm>>) target_semaphore(%run_scoped3A : memref<!tpu.dma_semaphore, #tpu.memory_space<semaphore_mem>>)
        %dma_wait3A_168 = arith.constant 0 : i32
        %dma_wait3A_169 = tpu.memref_slice %arg5[%mul3A_163, %dma_wait3A_168] : memref<10112x16xf32, #tpu.memory_space<hbm>> -> memref<632x16xf32, #tpu.memory_space<hbm>>
        %dma_wait3A_170 = arith.constant 0 : i32
        %dma_wait3A_171 = tpu.memref_slice %arg9[%mul3A_161, %dma_wait3A_170] : memref<10112x16xf32, #tpu.memory_space<vmem_shared>> -> memref<632x16xf32, #tpu.memory_space<vmem_shared>>
        tpu.wait_dma2 semaphore(%run_scoped3A : memref<!tpu.dma_semaphore, #tpu.memory_space<semaphore_mem>>) src(%dma_wait3A_171 : memref<632x16xf32, #tpu.memory_space<vmem_shared>>) dst(%dma_wait3A_169 : memref<632x16xf32, #tpu.memory_space<hbm>>)
        tpu.yield
      }) : () -> ()
    } else {
    }
    return
  }
}

#map = affine_map<(d0, d1) -> (0)>
#map1 = affine_map<(d0, d1) -> (0, 0)>
module attributes {stable_mosaic.version = 14 : i64} {
  func.func @sc_prop(%arg0: i32, %arg1: i32, %arg2: memref<320000xi32, #tpu.memory_space<hbm>>, %arg3: memref<320000xi32, #tpu.memory_space<hbm>>, %arg4: memref<10112x128xf32, #tpu.memory_space<hbm>>, %arg5: memref<10112x128xf32, #tpu.memory_space<hbm>>, %arg6: memref<10112x128xf32, #tpu.memory_space<hbm>>, %arg7: memref<80xi32, #tpu.memory_space<vmem>>, %arg8: memref<80xi32, #tpu.memory_space<vmem>>, %arg9: memref<80xi32, #tpu.memory_space<vmem>>, %arg10: memref<80xi32, #tpu.memory_space<vmem>>, %arg11: memref<80xi32, #tpu.memory_space<vmem>>, %arg12: memref<80xi32, #tpu.memory_space<vmem>>, %arg13: memref<80x128xf32, #tpu.memory_space<vmem>>, %arg14: memref<80x128xf32, #tpu.memory_space<vmem>>, %arg15: memref<80x128xf32, #tpu.memory_space<vmem>>, %arg16: memref<10112x128xf32, #tpu.memory_space<vmem_shared>>, %arg17: memref<!tpu.dma_semaphore, #tpu.memory_space<semaphore_mem>>, %arg18: memref<!tpu.dma_semaphore, #tpu.memory_space<semaphore_mem>>, %arg19: memref<!tpu.dma_semaphore, #tpu.memory_space<semaphore_mem>>) attributes {dimension_semantics = [#tpu.dimension_semantics<core_parallel>, #tpu.dimension_semantics<subcore_parallel>], iteration_bounds = array<i64: 2, 16>, scalar_prefetch = 0 : i64, scratch_operands = 13 : i64, tpu.core_type = #tpu.core_type<sc_vector_subcore>, window_params = [{transform_indices = #map}, {transform_indices = #map}, {transform_indices = #map1}, {transform_indices = #map1}, {transform_indices = #map1}]} {
    %mul3A = arith.constant 2 : i32
    %mul3A_0 = arith.muli %arg1, %mul3A : i32
    %add3A = arith.addi %mul3A_0, %arg0 : i32
    %mul3A_1 = arith.constant 10000 : i32
    %mul3A_2 = arith.muli %add3A, %mul3A_1 : i32
    %mul3A_3 = arith.constant 632 : i32
    %mul3A_4 = arith.muli %arg1, %mul3A_3 : i32
    %mul3A_5 = arith.constant 632 : i32
    %mul3A_6 = arith.muli %arg1, %mul3A_5 : i32
    "tpu.region"() ({
      %run_scoped3A = tpu.sem_alloc : memref<!tpu.dma_semaphore, #tpu.memory_space<semaphore_mem>>
      %dma_start3A_76 = arith.constant 0 : i32
      %dma_start3A_77 = tpu.memref_slice %arg16[%mul3A_6, %dma_start3A_76] : memref<10112x128xf32, #tpu.memory_space<vmem_shared>> -> memref<632x128xf32, #tpu.memory_space<vmem_shared>>
      %dma_start3A_78 = arith.constant 0 : i32
      %dma_start3A_79 = tpu.memref_slice %arg4[%mul3A_4, %dma_start3A_78] : memref<10112x128xf32, #tpu.memory_space<hbm>> -> memref<632x128xf32, #tpu.memory_space<hbm>>
      tpu.enqueue_dma source(%dma_start3A_79 : memref<632x128xf32, #tpu.memory_space<hbm>>) target(%dma_start3A_77 : memref<632x128xf32, #tpu.memory_space<vmem_shared>>) target_semaphore(%run_scoped3A : memref<!tpu.dma_semaphore, #tpu.memory_space<semaphore_mem>>)
      %dma_wait3A_80 = arith.constant 0 : i32
      %dma_wait3A_81 = tpu.memref_slice %arg16[%mul3A_6, %dma_wait3A_80] : memref<10112x128xf32, #tpu.memory_space<vmem_shared>> -> memref<632x128xf32, #tpu.memory_space<vmem_shared>>
      %dma_wait3A_82 = arith.constant 0 : i32
      %dma_wait3A_83 = tpu.memref_slice %arg4[%mul3A_4, %dma_wait3A_82] : memref<10112x128xf32, #tpu.memory_space<hbm>> -> memref<632x128xf32, #tpu.memory_space<hbm>>
      tpu.wait_dma2 semaphore(%run_scoped3A : memref<!tpu.dma_semaphore, #tpu.memory_space<semaphore_mem>>) src(%dma_wait3A_83 : memref<632x128xf32, #tpu.memory_space<hbm>>) dst(%dma_wait3A_81 : memref<632x128xf32, #tpu.memory_space<vmem_shared>>)
      tpu.yield
    }) : () -> ()
    %barrier3A = arith.constant 0 : index
    tpu.barrier barrier_id(%barrier3A)
    "tpu.region"() ({
      %run_scoped3A = tpu.sem_alloc : memref<!tpu.dma_semaphore, #tpu.memory_space<semaphore_mem>>
      %dma_start3A_76 = tpu.memref_slice %arg2[%mul3A_2] : memref<320000xi32, #tpu.memory_space<hbm>> -> memref<80xi32, #tpu.memory_space<hbm>>
      %dma_start3A_77 = tpu.memref_slice %arg2[%mul3A_2] : memref<320000xi32, #tpu.memory_space<hbm>> -> memref<80xi32, #tpu.memory_space<hbm>>
      tpu.enqueue_dma source(%dma_start3A_77 : memref<80xi32, #tpu.memory_space<hbm>>) target(%arg7 : memref<80xi32, #tpu.memory_space<vmem>>) target_semaphore(%run_scoped3A : memref<!tpu.dma_semaphore, #tpu.memory_space<semaphore_mem>>)
      %dma_wait3A_78 = tpu.memref_slice %arg2[%mul3A_2] : memref<320000xi32, #tpu.memory_space<hbm>> -> memref<80xi32, #tpu.memory_space<hbm>>
      %dma_wait3A_79 = tpu.memref_slice %arg2[%mul3A_2] : memref<320000xi32, #tpu.memory_space<hbm>> -> memref<80xi32, #tpu.memory_space<hbm>>
      tpu.wait_dma2 semaphore(%run_scoped3A : memref<!tpu.dma_semaphore, #tpu.memory_space<semaphore_mem>>) src(%dma_wait3A_79 : memref<80xi32, #tpu.memory_space<hbm>>) dst(%arg7 : memref<80xi32, #tpu.memory_space<vmem>>)
      tpu.yield
    }) : () -> ()
    "tpu.region"() ({
      %run_scoped3A = tpu.sem_alloc : memref<!tpu.dma_semaphore, #tpu.memory_space<semaphore_mem>>
      %dma_start3A_76 = tpu.memref_slice %arg3[%mul3A_2] : memref<320000xi32, #tpu.memory_space<hbm>> -> memref<80xi32, #tpu.memory_space<hbm>>
      %dma_start3A_77 = tpu.memref_slice %arg3[%mul3A_2] : memref<320000xi32, #tpu.memory_space<hbm>> -> memref<80xi32, #tpu.memory_space<hbm>>
      tpu.enqueue_dma source(%dma_start3A_77 : memref<80xi32, #tpu.memory_space<hbm>>) target(%arg10 : memref<80xi32, #tpu.memory_space<vmem>>) target_semaphore(%run_scoped3A : memref<!tpu.dma_semaphore, #tpu.memory_space<semaphore_mem>>)
      %dma_wait3A_78 = tpu.memref_slice %arg3[%mul3A_2] : memref<320000xi32, #tpu.memory_space<hbm>> -> memref<80xi32, #tpu.memory_space<hbm>>
      %dma_wait3A_79 = tpu.memref_slice %arg3[%mul3A_2] : memref<320000xi32, #tpu.memory_space<hbm>> -> memref<80xi32, #tpu.memory_space<hbm>>
      tpu.wait_dma2 semaphore(%run_scoped3A : memref<!tpu.dma_semaphore, #tpu.memory_space<semaphore_mem>>) src(%dma_wait3A_79 : memref<80xi32, #tpu.memory_space<hbm>>) dst(%arg10 : memref<80xi32, #tpu.memory_space<vmem>>)
      tpu.yield
    }) : () -> ()
    %scan3A = arith.constant 0 : i32
    %scan3A_7 = arith.constant 0 : i32
    %scan3A_8 = arith.constant 41 : i32
    %scan3A_9 = arith.addi %scan3A_7, %scan3A_8 : i32
    %scan3A_10 = arith.constant 1 : i32
    scf.for %scan3A_76 = %scan3A_7 to %scan3A_9 step %scan3A_10  : i32 {
      %mul3A_77 = arith.constant 3 : i32
      %mul3A_78 = arith.muli %mul3A_77, %scan3A_76 : i32
      %add3A_79 = arith.constant 0 : i32
      %add3A_80 = arith.addi %mul3A_78, %add3A_79 : i32
      %ge3A = arith.constant 2 : i32
      %ge3A_81 = arith.cmpi sge, %add3A_80, %ge3A : i32
      %convert_element_type3A_82 = arith.extui %ge3A_81 : i1 to i32
      %cond3A_83 = arith.constant 0 : i32
      %cond3A_84 = arith.cmpi ne, %convert_element_type3A_82, %cond3A_83 : i32
      scf.if %cond3A_84 {
        %dma_wait3A_171 = arith.constant 0 : i32
        %dma_wait3A_172 = arith.constant 0 : i32
        %dma_wait3A_173 = tpu.memref_slice %arg16[%dma_wait3A_171, %dma_wait3A_172] : memref<10112x128xf32, #tpu.memory_space<vmem_shared>> -> memref<10112x128xf32, #tpu.memory_space<vmem_shared>>
        tpu.wait_indirect_dma semaphore(%arg18 : memref<!tpu.dma_semaphore, #tpu.memory_space<semaphore_mem>>) src(%arg13 : memref<80x128xf32, #tpu.memory_space<vmem>>) dst(%dma_wait3A_173 : memref<10112x128xf32, #tpu.memory_space<vmem_shared>>)
      } else {
      }
      %add3A_85 = arith.constant 1 : i32
      %add3A_86 = arith.addi %add3A_80, %add3A_85 : i32
      %mul3A_87 = arith.constant 80 : i32
      %mul3A_88 = arith.muli %add3A_86, %mul3A_87 : i32
      %add3A_89 = arith.addi %mul3A_2, %mul3A_88 : i32
      %dma_start3A_90 = tpu.memref_slice %arg2[%add3A_89] : memref<320000xi32, #tpu.memory_space<hbm>> -> memref<80xi32, #tpu.memory_space<hbm>>
      %dma_start3A_91 = tpu.memref_slice %arg2[%add3A_89] : memref<320000xi32, #tpu.memory_space<hbm>> -> memref<80xi32, #tpu.memory_space<hbm>>
      tpu.enqueue_dma source(%dma_start3A_91 : memref<80xi32, #tpu.memory_space<hbm>>) target(%arg8 : memref<80xi32, #tpu.memory_space<vmem>>) target_semaphore(%arg19 : memref<!tpu.dma_semaphore, #tpu.memory_space<semaphore_mem>>)
      %dma_start3A_92 = tpu.memref_slice %arg3[%add3A_89] : memref<320000xi32, #tpu.memory_space<hbm>> -> memref<80xi32, #tpu.memory_space<hbm>>
      %dma_start3A_93 = tpu.memref_slice %arg3[%add3A_89] : memref<320000xi32, #tpu.memory_space<hbm>> -> memref<80xi32, #tpu.memory_space<hbm>>
      tpu.enqueue_dma source(%dma_start3A_93 : memref<80xi32, #tpu.memory_space<hbm>>) target(%arg11 : memref<80xi32, #tpu.memory_space<vmem>>) target_semaphore(%arg19 : memref<!tpu.dma_semaphore, #tpu.memory_space<semaphore_mem>>)
      %ge3A_94 = arith.constant 1 : i32
      %ge3A_95 = arith.cmpi sge, %add3A_80, %ge3A_94 : i32
      %convert_element_type3A_96 = arith.extui %ge3A_95 : i1 to i32
      %cond3A_97 = arith.constant 0 : i32
      %cond3A_98 = arith.cmpi ne, %convert_element_type3A_96, %cond3A_97 : i32
      scf.if %cond3A_98 {
        %dma_wait3A_171 = arith.constant 0 : i32
        %dma_wait3A_172 = tpu.memref_slice %arg2[%dma_wait3A_171] : memref<320000xi32, #tpu.memory_space<hbm>> -> memref<80xi32, #tpu.memory_space<hbm>>
        %dma_wait3A_173 = arith.constant 0 : i32
        %dma_wait3A_174 = tpu.memref_slice %arg2[%dma_wait3A_173] : memref<320000xi32, #tpu.memory_space<hbm>> -> memref<80xi32, #tpu.memory_space<hbm>>
        tpu.wait_dma2 semaphore(%arg19 : memref<!tpu.dma_semaphore, #tpu.memory_space<semaphore_mem>>) src(%dma_wait3A_174 : memref<80xi32, #tpu.memory_space<hbm>>) dst(%arg7 : memref<80xi32, #tpu.memory_space<vmem>>)
        %dma_wait3A_175 = arith.constant 0 : i32
        %dma_wait3A_176 = tpu.memref_slice %arg3[%dma_wait3A_175] : memref<320000xi32, #tpu.memory_space<hbm>> -> memref<80xi32, #tpu.memory_space<hbm>>
        %dma_wait3A_177 = arith.constant 0 : i32
        %dma_wait3A_178 = tpu.memref_slice %arg3[%dma_wait3A_177] : memref<320000xi32, #tpu.memory_space<hbm>> -> memref<80xi32, #tpu.memory_space<hbm>>
        tpu.wait_dma2 semaphore(%arg19 : memref<!tpu.dma_semaphore, #tpu.memory_space<semaphore_mem>>) src(%dma_wait3A_178 : memref<80xi32, #tpu.memory_space<hbm>>) dst(%arg10 : memref<80xi32, #tpu.memory_space<vmem>>)
      } else {
      }
      %dma_start3A_99 = arith.constant 0 : i32
      %dma_start3A_100 = arith.constant 0 : i32
      %dma_start3A_101 = tpu.memref_slice %arg4[%dma_start3A_99, %dma_start3A_100] : memref<10112x128xf32, #tpu.memory_space<hbm>> -> memref<10112x128xf32, #tpu.memory_space<hbm>>
      tpu.enqueue_indirect_dma source(%dma_start3A_101 : memref<10112x128xf32, #tpu.memory_space<hbm>>) target(%arg13 : memref<80x128xf32, #tpu.memory_space<vmem>>) offsets(%arg7 : memref<80xi32, #tpu.memory_space<vmem>>) semaphore(%arg17 : memref<!tpu.dma_semaphore, #tpu.memory_space<semaphore_mem>>)
      %ge3A_102 = arith.constant 1 : i32
      %ge3A_103 = arith.cmpi sge, %scan3A_76, %ge3A_102 : i32
      %convert_element_type3A_104 = arith.extui %ge3A_103 : i1 to i32
      %cond3A_105 = arith.constant 0 : i32
      %cond3A_106 = arith.cmpi ne, %convert_element_type3A_104, %cond3A_105 : i32
      scf.if %cond3A_106 {
        %dma_wait3A_171 = arith.constant 0 : i32
        %dma_wait3A_172 = arith.constant 0 : i32
        %dma_wait3A_173 = tpu.memref_slice %arg4[%dma_wait3A_171, %dma_wait3A_172] : memref<10112x128xf32, #tpu.memory_space<hbm>> -> memref<10112x128xf32, #tpu.memory_space<hbm>>
        tpu.wait_indirect_dma semaphore(%arg17 : memref<!tpu.dma_semaphore, #tpu.memory_space<semaphore_mem>>) src(%dma_wait3A_173 : memref<10112x128xf32, #tpu.memory_space<hbm>>) dst(%arg13 : memref<80x128xf32, #tpu.memory_space<vmem>>)
        %dma_start3A_174 = arith.constant 0 : i32
        %dma_start3A_175 = arith.constant 0 : i32
        %dma_start3A_176 = tpu.memref_slice %arg16[%dma_start3A_174, %dma_start3A_175] : memref<10112x128xf32, #tpu.memory_space<vmem_shared>> -> memref<10112x128xf32, #tpu.memory_space<vmem_shared>>
        tpu.enqueue_indirect_dma source(%arg15 : memref<80x128xf32, #tpu.memory_space<vmem>>) target(%dma_start3A_176 : memref<10112x128xf32, #tpu.memory_space<vmem_shared>>) offsets(%arg12 : memref<80xi32, #tpu.memory_space<vmem>>) semaphore(%arg18 : memref<!tpu.dma_semaphore, #tpu.memory_space<semaphore_mem>>) {add = true}
      } else {
      }
      %mul3A_107 = arith.constant 3 : i32
      %mul3A_108 = arith.muli %mul3A_107, %scan3A_76 : i32
      %add3A_109 = arith.constant 1 : i32
      %add3A_110 = arith.addi %mul3A_108, %add3A_109 : i32
      %ge3A_111 = arith.constant 2 : i32
      %ge3A_112 = arith.cmpi sge, %add3A_110, %ge3A_111 : i32
      %convert_element_type3A_113 = arith.extui %ge3A_112 : i1 to i32
      %cond3A_114 = arith.constant 0 : i32
      %cond3A_115 = arith.cmpi ne, %convert_element_type3A_113, %cond3A_114 : i32
      scf.if %cond3A_115 {
        %dma_wait3A_171 = arith.constant 0 : i32
        %dma_wait3A_172 = arith.constant 0 : i32
        %dma_wait3A_173 = tpu.memref_slice %arg16[%dma_wait3A_171, %dma_wait3A_172] : memref<10112x128xf32, #tpu.memory_space<vmem_shared>> -> memref<10112x128xf32, #tpu.memory_space<vmem_shared>>
        tpu.wait_indirect_dma semaphore(%arg18 : memref<!tpu.dma_semaphore, #tpu.memory_space<semaphore_mem>>) src(%arg13 : memref<80x128xf32, #tpu.memory_space<vmem>>) dst(%dma_wait3A_173 : memref<10112x128xf32, #tpu.memory_space<vmem_shared>>)
      } else {
      }
      %add3A_116 = arith.constant 1 : i32
      %add3A_117 = arith.addi %add3A_110, %add3A_116 : i32
      %mul3A_118 = arith.constant 80 : i32
      %mul3A_119 = arith.muli %add3A_117, %mul3A_118 : i32
      %add3A_120 = arith.addi %mul3A_2, %mul3A_119 : i32
      %dma_start3A_121 = tpu.memref_slice %arg2[%add3A_120] : memref<320000xi32, #tpu.memory_space<hbm>> -> memref<80xi32, #tpu.memory_space<hbm>>
      %dma_start3A_122 = tpu.memref_slice %arg2[%add3A_120] : memref<320000xi32, #tpu.memory_space<hbm>> -> memref<80xi32, #tpu.memory_space<hbm>>
      tpu.enqueue_dma source(%dma_start3A_122 : memref<80xi32, #tpu.memory_space<hbm>>) target(%arg9 : memref<80xi32, #tpu.memory_space<vmem>>) target_semaphore(%arg19 : memref<!tpu.dma_semaphore, #tpu.memory_space<semaphore_mem>>)
      %dma_start3A_123 = tpu.memref_slice %arg3[%add3A_120] : memref<320000xi32, #tpu.memory_space<hbm>> -> memref<80xi32, #tpu.memory_space<hbm>>
      %dma_start3A_124 = tpu.memref_slice %arg3[%add3A_120] : memref<320000xi32, #tpu.memory_space<hbm>> -> memref<80xi32, #tpu.memory_space<hbm>>
      tpu.enqueue_dma source(%dma_start3A_124 : memref<80xi32, #tpu.memory_space<hbm>>) target(%arg12 : memref<80xi32, #tpu.memory_space<vmem>>) target_semaphore(%arg19 : memref<!tpu.dma_semaphore, #tpu.memory_space<semaphore_mem>>)
      %ge3A_125 = arith.constant 1 : i32
      %ge3A_126 = arith.cmpi sge, %add3A_110, %ge3A_125 : i32
      %convert_element_type3A_127 = arith.extui %ge3A_126 : i1 to i32
      %cond3A_128 = arith.constant 0 : i32
      %cond3A_129 = arith.cmpi ne, %convert_element_type3A_127, %cond3A_128 : i32
      scf.if %cond3A_129 {
        %dma_wait3A_171 = arith.constant 0 : i32
        %dma_wait3A_172 = tpu.memref_slice %arg2[%dma_wait3A_171] : memref<320000xi32, #tpu.memory_space<hbm>> -> memref<80xi32, #tpu.memory_space<hbm>>
        %dma_wait3A_173 = arith.constant 0 : i32
        %dma_wait3A_174 = tpu.memref_slice %arg2[%dma_wait3A_173] : memref<320000xi32, #tpu.memory_space<hbm>> -> memref<80xi32, #tpu.memory_space<hbm>>
        tpu.wait_dma2 semaphore(%arg19 : memref<!tpu.dma_semaphore, #tpu.memory_space<semaphore_mem>>) src(%dma_wait3A_174 : memref<80xi32, #tpu.memory_space<hbm>>) dst(%arg7 : memref<80xi32, #tpu.memory_space<vmem>>)
        %dma_wait3A_175 = arith.constant 0 : i32
        %dma_wait3A_176 = tpu.memref_slice %arg3[%dma_wait3A_175] : memref<320000xi32, #tpu.memory_space<hbm>> -> memref<80xi32, #tpu.memory_space<hbm>>
        %dma_wait3A_177 = arith.constant 0 : i32
        %dma_wait3A_178 = tpu.memref_slice %arg3[%dma_wait3A_177] : memref<320000xi32, #tpu.memory_space<hbm>> -> memref<80xi32, #tpu.memory_space<hbm>>
        tpu.wait_dma2 semaphore(%arg19 : memref<!tpu.dma_semaphore, #tpu.memory_space<semaphore_mem>>) src(%dma_wait3A_178 : memref<80xi32, #tpu.memory_space<hbm>>) dst(%arg10 : memref<80xi32, #tpu.memory_space<vmem>>)
      } else {
      }
      %dma_start3A_130 = arith.constant 0 : i32
      %dma_start3A_131 = arith.constant 0 : i32
      %dma_start3A_132 = tpu.memref_slice %arg4[%dma_start3A_130, %dma_start3A_131] : memref<10112x128xf32, #tpu.memory_space<hbm>> -> memref<10112x128xf32, #tpu.memory_space<hbm>>
      tpu.enqueue_indirect_dma source(%dma_start3A_132 : memref<10112x128xf32, #tpu.memory_space<hbm>>) target(%arg14 : memref<80x128xf32, #tpu.memory_space<vmem>>) offsets(%arg8 : memref<80xi32, #tpu.memory_space<vmem>>) semaphore(%arg17 : memref<!tpu.dma_semaphore, #tpu.memory_space<semaphore_mem>>)
      %dma_wait3A_133 = arith.constant 0 : i32
      %dma_wait3A_134 = arith.constant 0 : i32
      %dma_wait3A_135 = tpu.memref_slice %arg4[%dma_wait3A_133, %dma_wait3A_134] : memref<10112x128xf32, #tpu.memory_space<hbm>> -> memref<10112x128xf32, #tpu.memory_space<hbm>>
      tpu.wait_indirect_dma semaphore(%arg17 : memref<!tpu.dma_semaphore, #tpu.memory_space<semaphore_mem>>) src(%dma_wait3A_135 : memref<10112x128xf32, #tpu.memory_space<hbm>>) dst(%arg13 : memref<80x128xf32, #tpu.memory_space<vmem>>)
      %dma_start3A_136 = arith.constant 0 : i32
      %dma_start3A_137 = arith.constant 0 : i32
      %dma_start3A_138 = tpu.memref_slice %arg16[%dma_start3A_136, %dma_start3A_137] : memref<10112x128xf32, #tpu.memory_space<vmem_shared>> -> memref<10112x128xf32, #tpu.memory_space<vmem_shared>>
      tpu.enqueue_indirect_dma source(%arg13 : memref<80x128xf32, #tpu.memory_space<vmem>>) target(%dma_start3A_138 : memref<10112x128xf32, #tpu.memory_space<vmem_shared>>) offsets(%arg10 : memref<80xi32, #tpu.memory_space<vmem>>) semaphore(%arg18 : memref<!tpu.dma_semaphore, #tpu.memory_space<semaphore_mem>>) {add = true}
      %mul3A_139 = arith.constant 3 : i32
      %mul3A_140 = arith.muli %mul3A_139, %scan3A_76 : i32
      %add3A_141 = arith.constant 2 : i32
      %add3A_142 = arith.addi %mul3A_140, %add3A_141 : i32
      %ge3A_143 = arith.constant 2 : i32
      %ge3A_144 = arith.cmpi sge, %add3A_142, %ge3A_143 : i32
      %convert_element_type3A_145 = arith.extui %ge3A_144 : i1 to i32
      %cond3A_146 = arith.constant 0 : i32
      %cond3A_147 = arith.cmpi ne, %convert_element_type3A_145, %cond3A_146 : i32
      scf.if %cond3A_147 {
        %dma_wait3A_171 = arith.constant 0 : i32
        %dma_wait3A_172 = arith.constant 0 : i32
        %dma_wait3A_173 = tpu.memref_slice %arg16[%dma_wait3A_171, %dma_wait3A_172] : memref<10112x128xf32, #tpu.memory_space<vmem_shared>> -> memref<10112x128xf32, #tpu.memory_space<vmem_shared>>
        tpu.wait_indirect_dma semaphore(%arg18 : memref<!tpu.dma_semaphore, #tpu.memory_space<semaphore_mem>>) src(%arg13 : memref<80x128xf32, #tpu.memory_space<vmem>>) dst(%dma_wait3A_173 : memref<10112x128xf32, #tpu.memory_space<vmem_shared>>)
      } else {
      }
      %add3A_148 = arith.constant 1 : i32
      %add3A_149 = arith.addi %add3A_142, %add3A_148 : i32
      %mul3A_150 = arith.constant 80 : i32
      %mul3A_151 = arith.muli %add3A_149, %mul3A_150 : i32
      %add3A_152 = arith.addi %mul3A_2, %mul3A_151 : i32
      %dma_start3A_153 = tpu.memref_slice %arg2[%add3A_152] : memref<320000xi32, #tpu.memory_space<hbm>> -> memref<80xi32, #tpu.memory_space<hbm>>
      %dma_start3A_154 = tpu.memref_slice %arg2[%add3A_152] : memref<320000xi32, #tpu.memory_space<hbm>> -> memref<80xi32, #tpu.memory_space<hbm>>
      tpu.enqueue_dma source(%dma_start3A_154 : memref<80xi32, #tpu.memory_space<hbm>>) target(%arg7 : memref<80xi32, #tpu.memory_space<vmem>>) target_semaphore(%arg19 : memref<!tpu.dma_semaphore, #tpu.memory_space<semaphore_mem>>)
      %dma_start3A_155 = tpu.memref_slice %arg3[%add3A_152] : memref<320000xi32, #tpu.memory_space<hbm>> -> memref<80xi32, #tpu.memory_space<hbm>>
      %dma_start3A_156 = tpu.memref_slice %arg3[%add3A_152] : memref<320000xi32, #tpu.memory_space<hbm>> -> memref<80xi32, #tpu.memory_space<hbm>>
      tpu.enqueue_dma source(%dma_start3A_156 : memref<80xi32, #tpu.memory_space<hbm>>) target(%arg10 : memref<80xi32, #tpu.memory_space<vmem>>) target_semaphore(%arg19 : memref<!tpu.dma_semaphore, #tpu.memory_space<semaphore_mem>>)
      %ge3A_157 = arith.constant 1 : i32
      %ge3A_158 = arith.cmpi sge, %add3A_142, %ge3A_157 : i32
      %convert_element_type3A_159 = arith.extui %ge3A_158 : i1 to i32
      %cond3A_160 = arith.constant 0 : i32
      %cond3A_161 = arith.cmpi ne, %convert_element_type3A_159, %cond3A_160 : i32
      scf.if %cond3A_161 {
        %dma_wait3A_171 = arith.constant 0 : i32
        %dma_wait3A_172 = tpu.memref_slice %arg2[%dma_wait3A_171] : memref<320000xi32, #tpu.memory_space<hbm>> -> memref<80xi32, #tpu.memory_space<hbm>>
        %dma_wait3A_173 = arith.constant 0 : i32
        %dma_wait3A_174 = tpu.memref_slice %arg2[%dma_wait3A_173] : memref<320000xi32, #tpu.memory_space<hbm>> -> memref<80xi32, #tpu.memory_space<hbm>>
        tpu.wait_dma2 semaphore(%arg19 : memref<!tpu.dma_semaphore, #tpu.memory_space<semaphore_mem>>) src(%dma_wait3A_174 : memref<80xi32, #tpu.memory_space<hbm>>) dst(%arg7 : memref<80xi32, #tpu.memory_space<vmem>>)
        %dma_wait3A_175 = arith.constant 0 : i32
        %dma_wait3A_176 = tpu.memref_slice %arg3[%dma_wait3A_175] : memref<320000xi32, #tpu.memory_space<hbm>> -> memref<80xi32, #tpu.memory_space<hbm>>
        %dma_wait3A_177 = arith.constant 0 : i32
        %dma_wait3A_178 = tpu.memref_slice %arg3[%dma_wait3A_177] : memref<320000xi32, #tpu.memory_space<hbm>> -> memref<80xi32, #tpu.memory_space<hbm>>
        tpu.wait_dma2 semaphore(%arg19 : memref<!tpu.dma_semaphore, #tpu.memory_space<semaphore_mem>>) src(%dma_wait3A_178 : memref<80xi32, #tpu.memory_space<hbm>>) dst(%arg10 : memref<80xi32, #tpu.memory_space<vmem>>)
      } else {
      }
      %dma_start3A_162 = arith.constant 0 : i32
      %dma_start3A_163 = arith.constant 0 : i32
      %dma_start3A_164 = tpu.memref_slice %arg4[%dma_start3A_162, %dma_start3A_163] : memref<10112x128xf32, #tpu.memory_space<hbm>> -> memref<10112x128xf32, #tpu.memory_space<hbm>>
      tpu.enqueue_indirect_dma source(%dma_start3A_164 : memref<10112x128xf32, #tpu.memory_space<hbm>>) target(%arg15 : memref<80x128xf32, #tpu.memory_space<vmem>>) offsets(%arg9 : memref<80xi32, #tpu.memory_space<vmem>>) semaphore(%arg17 : memref<!tpu.dma_semaphore, #tpu.memory_space<semaphore_mem>>)
      %dma_wait3A_165 = arith.constant 0 : i32
      %dma_wait3A_166 = arith.constant 0 : i32
      %dma_wait3A_167 = tpu.memref_slice %arg4[%dma_wait3A_165, %dma_wait3A_166] : memref<10112x128xf32, #tpu.memory_space<hbm>> -> memref<10112x128xf32, #tpu.memory_space<hbm>>
      tpu.wait_indirect_dma semaphore(%arg17 : memref<!tpu.dma_semaphore, #tpu.memory_space<semaphore_mem>>) src(%dma_wait3A_167 : memref<10112x128xf32, #tpu.memory_space<hbm>>) dst(%arg13 : memref<80x128xf32, #tpu.memory_space<vmem>>)
      %dma_start3A_168 = arith.constant 0 : i32
      %dma_start3A_169 = arith.constant 0 : i32
      %dma_start3A_170 = tpu.memref_slice %arg16[%dma_start3A_168, %dma_start3A_169] : memref<10112x128xf32, #tpu.memory_space<vmem_shared>> -> memref<10112x128xf32, #tpu.memory_space<vmem_shared>>
      tpu.enqueue_indirect_dma source(%arg14 : memref<80x128xf32, #tpu.memory_space<vmem>>) target(%dma_start3A_170 : memref<10112x128xf32, #tpu.memory_space<vmem_shared>>) offsets(%arg11 : memref<80xi32, #tpu.memory_space<vmem>>) semaphore(%arg18 : memref<!tpu.dma_semaphore, #tpu.memory_space<semaphore_mem>>) {add = true}
    }
    %scan3A_11 = arith.constant 41 : i32
    %dma_wait3A = arith.constant 0 : i32
    %dma_wait3A_12 = arith.constant 0 : i32
    %dma_wait3A_13 = tpu.memref_slice %arg16[%dma_wait3A, %dma_wait3A_12] : memref<10112x128xf32, #tpu.memory_space<vmem_shared>> -> memref<10112x128xf32, #tpu.memory_space<vmem_shared>>
    tpu.wait_indirect_dma semaphore(%arg18 : memref<!tpu.dma_semaphore, #tpu.memory_space<semaphore_mem>>) src(%arg13 : memref<80x128xf32, #tpu.memory_space<vmem>>) dst(%dma_wait3A_13 : memref<10112x128xf32, #tpu.memory_space<vmem_shared>>)
    %add3A_14 = arith.constant 9920 : i32
    %add3A_15 = arith.addi %mul3A_2, %add3A_14 : i32
    %dma_start3A = tpu.memref_slice %arg2[%add3A_15] : memref<320000xi32, #tpu.memory_space<hbm>> -> memref<80xi32, #tpu.memory_space<hbm>>
    %dma_start3A_16 = tpu.memref_slice %arg2[%add3A_15] : memref<320000xi32, #tpu.memory_space<hbm>> -> memref<80xi32, #tpu.memory_space<hbm>>
    tpu.enqueue_dma source(%dma_start3A_16 : memref<80xi32, #tpu.memory_space<hbm>>) target(%arg8 : memref<80xi32, #tpu.memory_space<vmem>>) target_semaphore(%arg19 : memref<!tpu.dma_semaphore, #tpu.memory_space<semaphore_mem>>)
    %dma_start3A_17 = tpu.memref_slice %arg3[%add3A_15] : memref<320000xi32, #tpu.memory_space<hbm>> -> memref<80xi32, #tpu.memory_space<hbm>>
    %dma_start3A_18 = tpu.memref_slice %arg3[%add3A_15] : memref<320000xi32, #tpu.memory_space<hbm>> -> memref<80xi32, #tpu.memory_space<hbm>>
    tpu.enqueue_dma source(%dma_start3A_18 : memref<80xi32, #tpu.memory_space<hbm>>) target(%arg11 : memref<80xi32, #tpu.memory_space<vmem>>) target_semaphore(%arg19 : memref<!tpu.dma_semaphore, #tpu.memory_space<semaphore_mem>>)
    %dma_wait3A_19 = arith.constant 0 : i32
    %dma_wait3A_20 = tpu.memref_slice %arg2[%dma_wait3A_19] : memref<320000xi32, #tpu.memory_space<hbm>> -> memref<80xi32, #tpu.memory_space<hbm>>
    %dma_wait3A_21 = arith.constant 0 : i32
    %dma_wait3A_22 = tpu.memref_slice %arg2[%dma_wait3A_21] : memref<320000xi32, #tpu.memory_space<hbm>> -> memref<80xi32, #tpu.memory_space<hbm>>
    tpu.wait_dma2 semaphore(%arg19 : memref<!tpu.dma_semaphore, #tpu.memory_space<semaphore_mem>>) src(%dma_wait3A_22 : memref<80xi32, #tpu.memory_space<hbm>>) dst(%arg7 : memref<80xi32, #tpu.memory_space<vmem>>)
    %dma_wait3A_23 = arith.constant 0 : i32
    %dma_wait3A_24 = tpu.memref_slice %arg3[%dma_wait3A_23] : memref<320000xi32, #tpu.memory_space<hbm>> -> memref<80xi32, #tpu.memory_space<hbm>>
    %dma_wait3A_25 = arith.constant 0 : i32
    %dma_wait3A_26 = tpu.memref_slice %arg3[%dma_wait3A_25] : memref<320000xi32, #tpu.memory_space<hbm>> -> memref<80xi32, #tpu.memory_space<hbm>>
    tpu.wait_dma2 semaphore(%arg19 : memref<!tpu.dma_semaphore, #tpu.memory_space<semaphore_mem>>) src(%dma_wait3A_26 : memref<80xi32, #tpu.memory_space<hbm>>) dst(%arg10 : memref<80xi32, #tpu.memory_space<vmem>>)
    %dma_start3A_27 = arith.constant 0 : i32
    %dma_start3A_28 = arith.constant 0 : i32
    %dma_start3A_29 = tpu.memref_slice %arg4[%dma_start3A_27, %dma_start3A_28] : memref<10112x128xf32, #tpu.memory_space<hbm>> -> memref<10112x128xf32, #tpu.memory_space<hbm>>
    tpu.enqueue_indirect_dma source(%dma_start3A_29 : memref<10112x128xf32, #tpu.memory_space<hbm>>) target(%arg13 : memref<80x128xf32, #tpu.memory_space<vmem>>) offsets(%arg7 : memref<80xi32, #tpu.memory_space<vmem>>) semaphore(%arg17 : memref<!tpu.dma_semaphore, #tpu.memory_space<semaphore_mem>>)
    %dma_wait3A_30 = arith.constant 0 : i32
    %dma_wait3A_31 = arith.constant 0 : i32
    %dma_wait3A_32 = tpu.memref_slice %arg4[%dma_wait3A_30, %dma_wait3A_31] : memref<10112x128xf32, #tpu.memory_space<hbm>> -> memref<10112x128xf32, #tpu.memory_space<hbm>>
    tpu.wait_indirect_dma semaphore(%arg17 : memref<!tpu.dma_semaphore, #tpu.memory_space<semaphore_mem>>) src(%dma_wait3A_32 : memref<10112x128xf32, #tpu.memory_space<hbm>>) dst(%arg13 : memref<80x128xf32, #tpu.memory_space<vmem>>)
    %dma_start3A_33 = arith.constant 0 : i32
    %dma_start3A_34 = arith.constant 0 : i32
    %dma_start3A_35 = tpu.memref_slice %arg16[%dma_start3A_33, %dma_start3A_34] : memref<10112x128xf32, #tpu.memory_space<vmem_shared>> -> memref<10112x128xf32, #tpu.memory_space<vmem_shared>>
    tpu.enqueue_indirect_dma source(%arg15 : memref<80x128xf32, #tpu.memory_space<vmem>>) target(%dma_start3A_35 : memref<10112x128xf32, #tpu.memory_space<vmem_shared>>) offsets(%arg12 : memref<80xi32, #tpu.memory_space<vmem>>) semaphore(%arg18 : memref<!tpu.dma_semaphore, #tpu.memory_space<semaphore_mem>>) {add = true}
    %dma_wait3A_36 = arith.constant 0 : i32
    %dma_wait3A_37 = arith.constant 0 : i32
    %dma_wait3A_38 = tpu.memref_slice %arg16[%dma_wait3A_36, %dma_wait3A_37] : memref<10112x128xf32, #tpu.memory_space<vmem_shared>> -> memref<10112x128xf32, #tpu.memory_space<vmem_shared>>
    tpu.wait_indirect_dma semaphore(%arg18 : memref<!tpu.dma_semaphore, #tpu.memory_space<semaphore_mem>>) src(%arg13 : memref<80x128xf32, #tpu.memory_space<vmem>>) dst(%dma_wait3A_38 : memref<10112x128xf32, #tpu.memory_space<vmem_shared>>)
    %dma_wait3A_39 = arith.constant 0 : i32
    %dma_wait3A_40 = tpu.memref_slice %arg2[%dma_wait3A_39] : memref<320000xi32, #tpu.memory_space<hbm>> -> memref<80xi32, #tpu.memory_space<hbm>>
    %dma_wait3A_41 = arith.constant 0 : i32
    %dma_wait3A_42 = tpu.memref_slice %arg2[%dma_wait3A_41] : memref<320000xi32, #tpu.memory_space<hbm>> -> memref<80xi32, #tpu.memory_space<hbm>>
    tpu.wait_dma2 semaphore(%arg19 : memref<!tpu.dma_semaphore, #tpu.memory_space<semaphore_mem>>) src(%dma_wait3A_42 : memref<80xi32, #tpu.memory_space<hbm>>) dst(%arg7 : memref<80xi32, #tpu.memory_space<vmem>>)
    %dma_wait3A_43 = arith.constant 0 : i32
    %dma_wait3A_44 = tpu.memref_slice %arg3[%dma_wait3A_43] : memref<320000xi32, #tpu.memory_space<hbm>> -> memref<80xi32, #tpu.memory_space<hbm>>
    %dma_wait3A_45 = arith.constant 0 : i32
    %dma_wait3A_46 = tpu.memref_slice %arg3[%dma_wait3A_45] : memref<320000xi32, #tpu.memory_space<hbm>> -> memref<80xi32, #tpu.memory_space<hbm>>
    tpu.wait_dma2 semaphore(%arg19 : memref<!tpu.dma_semaphore, #tpu.memory_space<semaphore_mem>>) src(%dma_wait3A_46 : memref<80xi32, #tpu.memory_space<hbm>>) dst(%arg10 : memref<80xi32, #tpu.memory_space<vmem>>)
    %dma_start3A_47 = arith.constant 0 : i32
    %dma_start3A_48 = arith.constant 0 : i32
    %dma_start3A_49 = tpu.memref_slice %arg4[%dma_start3A_47, %dma_start3A_48] : memref<10112x128xf32, #tpu.memory_space<hbm>> -> memref<10112x128xf32, #tpu.memory_space<hbm>>
    tpu.enqueue_indirect_dma source(%dma_start3A_49 : memref<10112x128xf32, #tpu.memory_space<hbm>>) target(%arg14 : memref<80x128xf32, #tpu.memory_space<vmem>>) offsets(%arg8 : memref<80xi32, #tpu.memory_space<vmem>>) semaphore(%arg17 : memref<!tpu.dma_semaphore, #tpu.memory_space<semaphore_mem>>)
    %dma_wait3A_50 = arith.constant 0 : i32
    %dma_wait3A_51 = arith.constant 0 : i32
    %dma_wait3A_52 = tpu.memref_slice %arg4[%dma_wait3A_50, %dma_wait3A_51] : memref<10112x128xf32, #tpu.memory_space<hbm>> -> memref<10112x128xf32, #tpu.memory_space<hbm>>
    tpu.wait_indirect_dma semaphore(%arg17 : memref<!tpu.dma_semaphore, #tpu.memory_space<semaphore_mem>>) src(%dma_wait3A_52 : memref<10112x128xf32, #tpu.memory_space<hbm>>) dst(%arg13 : memref<80x128xf32, #tpu.memory_space<vmem>>)
    %dma_start3A_53 = arith.constant 0 : i32
    %dma_start3A_54 = arith.constant 0 : i32
    %dma_start3A_55 = tpu.memref_slice %arg16[%dma_start3A_53, %dma_start3A_54] : memref<10112x128xf32, #tpu.memory_space<vmem_shared>> -> memref<10112x128xf32, #tpu.memory_space<vmem_shared>>
    tpu.enqueue_indirect_dma source(%arg13 : memref<80x128xf32, #tpu.memory_space<vmem>>) target(%dma_start3A_55 : memref<10112x128xf32, #tpu.memory_space<vmem_shared>>) offsets(%arg10 : memref<80xi32, #tpu.memory_space<vmem>>) semaphore(%arg18 : memref<!tpu.dma_semaphore, #tpu.memory_space<semaphore_mem>>) {add = true}
    %dma_wait3A_56 = arith.constant 0 : i32
    %dma_wait3A_57 = arith.constant 0 : i32
    %dma_wait3A_58 = tpu.memref_slice %arg4[%dma_wait3A_56, %dma_wait3A_57] : memref<10112x128xf32, #tpu.memory_space<hbm>> -> memref<10112x128xf32, #tpu.memory_space<hbm>>
    tpu.wait_indirect_dma semaphore(%arg17 : memref<!tpu.dma_semaphore, #tpu.memory_space<semaphore_mem>>) src(%dma_wait3A_58 : memref<10112x128xf32, #tpu.memory_space<hbm>>) dst(%arg13 : memref<80x128xf32, #tpu.memory_space<vmem>>)
    %dma_start3A_59 = arith.constant 0 : i32
    %dma_start3A_60 = arith.constant 0 : i32
    %dma_start3A_61 = tpu.memref_slice %arg16[%dma_start3A_59, %dma_start3A_60] : memref<10112x128xf32, #tpu.memory_space<vmem_shared>> -> memref<10112x128xf32, #tpu.memory_space<vmem_shared>>
    tpu.enqueue_indirect_dma source(%arg14 : memref<80x128xf32, #tpu.memory_space<vmem>>) target(%dma_start3A_61 : memref<10112x128xf32, #tpu.memory_space<vmem_shared>>) offsets(%arg11 : memref<80xi32, #tpu.memory_space<vmem>>) semaphore(%arg18 : memref<!tpu.dma_semaphore, #tpu.memory_space<semaphore_mem>>) {add = true}
    %dma_wait3A_62 = arith.constant 0 : i32
    %dma_wait3A_63 = arith.constant 0 : i32
    %dma_wait3A_64 = tpu.memref_slice %arg16[%dma_wait3A_62, %dma_wait3A_63] : memref<10112x128xf32, #tpu.memory_space<vmem_shared>> -> memref<10112x128xf32, #tpu.memory_space<vmem_shared>>
    tpu.wait_indirect_dma semaphore(%arg18 : memref<!tpu.dma_semaphore, #tpu.memory_space<semaphore_mem>>) src(%arg13 : memref<80x128xf32, #tpu.memory_space<vmem>>) dst(%dma_wait3A_64 : memref<10112x128xf32, #tpu.memory_space<vmem_shared>>)
    %dma_wait3A_65 = arith.constant 0 : i32
    %dma_wait3A_66 = arith.constant 0 : i32
    %dma_wait3A_67 = tpu.memref_slice %arg16[%dma_wait3A_65, %dma_wait3A_66] : memref<10112x128xf32, #tpu.memory_space<vmem_shared>> -> memref<10112x128xf32, #tpu.memory_space<vmem_shared>>
    tpu.wait_indirect_dma semaphore(%arg18 : memref<!tpu.dma_semaphore, #tpu.memory_space<semaphore_mem>>) src(%arg13 : memref<80x128xf32, #tpu.memory_space<vmem>>) dst(%dma_wait3A_67 : memref<10112x128xf32, #tpu.memory_space<vmem_shared>>)
    %barrier3A_68 = arith.constant 0 : index
    tpu.barrier barrier_id(%barrier3A_68)
    %eq3A = arith.constant 0 : i32
    %eq3A_69 = arith.cmpi eq, %arg0, %eq3A : i32
    %convert_element_type3A = arith.extui %eq3A_69 : i1 to i32
    %cond3A = arith.constant 0 : i32
    %cond3A_70 = arith.cmpi ne, %convert_element_type3A, %cond3A : i32
    scf.if %cond3A_70 {
      %mul3A_76 = arith.constant 632 : i32
      %mul3A_77 = arith.muli %arg1, %mul3A_76 : i32
      %mul3A_78 = arith.constant 632 : i32
      %mul3A_79 = arith.muli %arg1, %mul3A_78 : i32
      "tpu.region"() ({
        %run_scoped3A = tpu.sem_alloc : memref<!tpu.dma_semaphore, #tpu.memory_space<semaphore_mem>>
        %dma_start3A_80 = arith.constant 0 : i32
        %dma_start3A_81 = tpu.memref_slice %arg5[%mul3A_79, %dma_start3A_80] : memref<10112x128xf32, #tpu.memory_space<hbm>> -> memref<632x128xf32, #tpu.memory_space<hbm>>
        %dma_start3A_82 = arith.constant 0 : i32
        %dma_start3A_83 = tpu.memref_slice %arg16[%mul3A_77, %dma_start3A_82] : memref<10112x128xf32, #tpu.memory_space<vmem_shared>> -> memref<632x128xf32, #tpu.memory_space<vmem_shared>>
        tpu.enqueue_dma source(%dma_start3A_83 : memref<632x128xf32, #tpu.memory_space<vmem_shared>>) target(%dma_start3A_81 : memref<632x128xf32, #tpu.memory_space<hbm>>) target_semaphore(%run_scoped3A : memref<!tpu.dma_semaphore, #tpu.memory_space<semaphore_mem>>)
        %dma_wait3A_84 = arith.constant 0 : i32
        %dma_wait3A_85 = tpu.memref_slice %arg5[%mul3A_79, %dma_wait3A_84] : memref<10112x128xf32, #tpu.memory_space<hbm>> -> memref<632x128xf32, #tpu.memory_space<hbm>>
        %dma_wait3A_86 = arith.constant 0 : i32
        %dma_wait3A_87 = tpu.memref_slice %arg16[%mul3A_77, %dma_wait3A_86] : memref<10112x128xf32, #tpu.memory_space<vmem_shared>> -> memref<632x128xf32, #tpu.memory_space<vmem_shared>>
        tpu.wait_dma2 semaphore(%run_scoped3A : memref<!tpu.dma_semaphore, #tpu.memory_space<semaphore_mem>>) src(%dma_wait3A_87 : memref<632x128xf32, #tpu.memory_space<vmem_shared>>) dst(%dma_wait3A_85 : memref<632x128xf32, #tpu.memory_space<hbm>>)
        tpu.yield
      }) : () -> ()
    } else {
    }
    %eq3A_71 = arith.constant 1 : i32
    %eq3A_72 = arith.cmpi eq, %arg0, %eq3A_71 : i32
    %convert_element_type3A_73 = arith.extui %eq3A_72 : i1 to i32
    %cond3A_74 = arith.constant 0 : i32
    %cond3A_75 = arith.cmpi ne, %convert_element_type3A_73, %cond3A_74 : i32
    scf.if %cond3A_75 {
      %mul3A_76 = arith.constant 632 : i32
      %mul3A_77 = arith.muli %arg1, %mul3A_76 : i32
      %mul3A_78 = arith.constant 632 : i32
      %mul3A_79 = arith.muli %arg1, %mul3A_78 : i32
      "tpu.region"() ({
        %run_scoped3A = tpu.sem_alloc : memref<!tpu.dma_semaphore, #tpu.memory_space<semaphore_mem>>
        %dma_start3A_80 = arith.constant 0 : i32
        %dma_start3A_81 = tpu.memref_slice %arg6[%mul3A_79, %dma_start3A_80] : memref<10112x128xf32, #tpu.memory_space<hbm>> -> memref<632x128xf32, #tpu.memory_space<hbm>>
        %dma_start3A_82 = arith.constant 0 : i32
        %dma_start3A_83 = tpu.memref_slice %arg16[%mul3A_77, %dma_start3A_82] : memref<10112x128xf32, #tpu.memory_space<vmem_shared>> -> memref<632x128xf32, #tpu.memory_space<vmem_shared>>
        tpu.enqueue_dma source(%dma_start3A_83 : memref<632x128xf32, #tpu.memory_space<vmem_shared>>) target(%dma_start3A_81 : memref<632x128xf32, #tpu.memory_space<hbm>>) target_semaphore(%run_scoped3A : memref<!tpu.dma_semaphore, #tpu.memory_space<semaphore_mem>>)
        %dma_wait3A_84 = arith.constant 0 : i32
        %dma_wait3A_85 = tpu.memref_slice %arg6[%mul3A_79, %dma_wait3A_84] : memref<10112x128xf32, #tpu.memory_space<hbm>> -> memref<632x128xf32, #tpu.memory_space<hbm>>
        %dma_wait3A_86 = arith.constant 0 : i32
        %dma_wait3A_87 = tpu.memref_slice %arg16[%mul3A_77, %dma_wait3A_86] : memref<10112x128xf32, #tpu.memory_space<vmem_shared>> -> memref<632x128xf32, #tpu.memory_space<vmem_shared>>
        tpu.wait_dma2 semaphore(%run_scoped3A : memref<!tpu.dma_semaphore, #tpu.memory_space<semaphore_mem>>) src(%dma_wait3A_87 : memref<632x128xf32, #tpu.memory_space<vmem_shared>>) dst(%dma_wait3A_85 : memref<632x128xf32, #tpu.memory_space<hbm>>)
        tpu.yield
      }) : () -> ()
    } else {
    }
    return
  }
}

#map = affine_map<(d0, d1) -> (0)>
#map1 = affine_map<(d0, d1) -> (0, 0)>
module attributes {stable_mosaic.version = 14 : i64} {
  func.func @sc_prop(%arg0: i32, %arg1: i32, %arg2: memref<320000xi32, #tpu.memory_space<hbm>>, %arg3: memref<320000xi32, #tpu.memory_space<hbm>>, %arg4: memref<10112x128xf32, #tpu.memory_space<hbm>>, %arg5: memref<10112x128xf32, #tpu.memory_space<hbm>>, %arg6: memref<10112x128xf32, #tpu.memory_space<hbm>>, %arg7: memref<80xi32, #tpu.memory_space<vmem>>, %arg8: memref<80xi32, #tpu.memory_space<vmem>>, %arg9: memref<80xi32, #tpu.memory_space<vmem>>, %arg10: memref<80xi32, #tpu.memory_space<vmem>>, %arg11: memref<80xi32, #tpu.memory_space<vmem>>, %arg12: memref<80xi32, #tpu.memory_space<vmem>>, %arg13: memref<80x128xf32, #tpu.memory_space<vmem>>, %arg14: memref<80x128xf32, #tpu.memory_space<vmem>>, %arg15: memref<80x128xf32, #tpu.memory_space<vmem>>, %arg16: memref<10112x128xf32, #tpu.memory_space<vmem_shared>>, %arg17: memref<!tpu.dma_semaphore, #tpu.memory_space<semaphore_mem>>, %arg18: memref<!tpu.dma_semaphore, #tpu.memory_space<semaphore_mem>>, %arg19: memref<!tpu.dma_semaphore, #tpu.memory_space<semaphore_mem>>) attributes {dimension_semantics = [#tpu.dimension_semantics<core_parallel>, #tpu.dimension_semantics<subcore_parallel>], iteration_bounds = array<i64: 2, 16>, scalar_prefetch = 0 : i64, scratch_operands = 13 : i64, tpu.core_type = #tpu.core_type<sc_vector_subcore>, window_params = [{transform_indices = #map}, {transform_indices = #map}, {transform_indices = #map1}, {transform_indices = #map1}, {transform_indices = #map1}]} {
    %mul3A = arith.constant 2 : i32
    %mul3A_0 = arith.muli %arg1, %mul3A : i32
    %add3A = arith.addi %mul3A_0, %arg0 : i32
    %mul3A_1 = arith.constant 10000 : i32
    %mul3A_2 = arith.muli %add3A, %mul3A_1 : i32
    %mul3A_3 = arith.constant 632 : i32
    %mul3A_4 = arith.muli %arg1, %mul3A_3 : i32
    %mul3A_5 = arith.constant 632 : i32
    %mul3A_6 = arith.muli %arg1, %mul3A_5 : i32
    "tpu.region"() ({
      %run_scoped3A = tpu.sem_alloc : memref<!tpu.dma_semaphore, #tpu.memory_space<semaphore_mem>>
      %dma_start3A_76 = arith.constant 0 : i32
      %dma_start3A_77 = tpu.memref_slice %arg16[%mul3A_6, %dma_start3A_76] : memref<10112x128xf32, #tpu.memory_space<vmem_shared>> -> memref<632x128xf32, #tpu.memory_space<vmem_shared>>
      %dma_start3A_78 = arith.constant 0 : i32
      %dma_start3A_79 = tpu.memref_slice %arg4[%mul3A_4, %dma_start3A_78] : memref<10112x128xf32, #tpu.memory_space<hbm>> -> memref<632x128xf32, #tpu.memory_space<hbm>>
      tpu.enqueue_dma source(%dma_start3A_79 : memref<632x128xf32, #tpu.memory_space<hbm>>) target(%dma_start3A_77 : memref<632x128xf32, #tpu.memory_space<vmem_shared>>) target_semaphore(%run_scoped3A : memref<!tpu.dma_semaphore, #tpu.memory_space<semaphore_mem>>)
      %dma_wait3A_80 = arith.constant 0 : i32
      %dma_wait3A_81 = tpu.memref_slice %arg16[%mul3A_6, %dma_wait3A_80] : memref<10112x128xf32, #tpu.memory_space<vmem_shared>> -> memref<632x128xf32, #tpu.memory_space<vmem_shared>>
      %dma_wait3A_82 = arith.constant 0 : i32
      %dma_wait3A_83 = tpu.memref_slice %arg4[%mul3A_4, %dma_wait3A_82] : memref<10112x128xf32, #tpu.memory_space<hbm>> -> memref<632x128xf32, #tpu.memory_space<hbm>>
      tpu.wait_dma2 semaphore(%run_scoped3A : memref<!tpu.dma_semaphore, #tpu.memory_space<semaphore_mem>>) src(%dma_wait3A_83 : memref<632x128xf32, #tpu.memory_space<hbm>>) dst(%dma_wait3A_81 : memref<632x128xf32, #tpu.memory_space<vmem_shared>>)
      tpu.yield
    }) : () -> ()
    %barrier3A = arith.constant 0 : index
    tpu.barrier barrier_id(%barrier3A)
    "tpu.region"() ({
      %run_scoped3A = tpu.sem_alloc : memref<!tpu.dma_semaphore, #tpu.memory_space<semaphore_mem>>
      %dma_start3A_76 = tpu.memref_slice %arg2[%mul3A_2] : memref<320000xi32, #tpu.memory_space<hbm>> -> memref<80xi32, #tpu.memory_space<hbm>>
      %dma_start3A_77 = tpu.memref_slice %arg2[%mul3A_2] : memref<320000xi32, #tpu.memory_space<hbm>> -> memref<80xi32, #tpu.memory_space<hbm>>
      tpu.enqueue_dma source(%dma_start3A_77 : memref<80xi32, #tpu.memory_space<hbm>>) target(%arg7 : memref<80xi32, #tpu.memory_space<vmem>>) target_semaphore(%run_scoped3A : memref<!tpu.dma_semaphore, #tpu.memory_space<semaphore_mem>>)
      %dma_wait3A_78 = tpu.memref_slice %arg2[%mul3A_2] : memref<320000xi32, #tpu.memory_space<hbm>> -> memref<80xi32, #tpu.memory_space<hbm>>
      %dma_wait3A_79 = tpu.memref_slice %arg2[%mul3A_2] : memref<320000xi32, #tpu.memory_space<hbm>> -> memref<80xi32, #tpu.memory_space<hbm>>
      tpu.wait_dma2 semaphore(%run_scoped3A : memref<!tpu.dma_semaphore, #tpu.memory_space<semaphore_mem>>) src(%dma_wait3A_79 : memref<80xi32, #tpu.memory_space<hbm>>) dst(%arg7 : memref<80xi32, #tpu.memory_space<vmem>>)
      tpu.yield
    }) : () -> ()
    "tpu.region"() ({
      %run_scoped3A = tpu.sem_alloc : memref<!tpu.dma_semaphore, #tpu.memory_space<semaphore_mem>>
      %dma_start3A_76 = tpu.memref_slice %arg3[%mul3A_2] : memref<320000xi32, #tpu.memory_space<hbm>> -> memref<80xi32, #tpu.memory_space<hbm>>
      %dma_start3A_77 = tpu.memref_slice %arg3[%mul3A_2] : memref<320000xi32, #tpu.memory_space<hbm>> -> memref<80xi32, #tpu.memory_space<hbm>>
      tpu.enqueue_dma source(%dma_start3A_77 : memref<80xi32, #tpu.memory_space<hbm>>) target(%arg10 : memref<80xi32, #tpu.memory_space<vmem>>) target_semaphore(%run_scoped3A : memref<!tpu.dma_semaphore, #tpu.memory_space<semaphore_mem>>)
      %dma_wait3A_78 = tpu.memref_slice %arg3[%mul3A_2] : memref<320000xi32, #tpu.memory_space<hbm>> -> memref<80xi32, #tpu.memory_space<hbm>>
      %dma_wait3A_79 = tpu.memref_slice %arg3[%mul3A_2] : memref<320000xi32, #tpu.memory_space<hbm>> -> memref<80xi32, #tpu.memory_space<hbm>>
      tpu.wait_dma2 semaphore(%run_scoped3A : memref<!tpu.dma_semaphore, #tpu.memory_space<semaphore_mem>>) src(%dma_wait3A_79 : memref<80xi32, #tpu.memory_space<hbm>>) dst(%arg10 : memref<80xi32, #tpu.memory_space<vmem>>)
      tpu.yield
    }) : () -> ()
    %scan3A = arith.constant 0 : i32
    %scan3A_7 = arith.constant 0 : i32
    %scan3A_8 = arith.constant 41 : i32
    %scan3A_9 = arith.addi %scan3A_7, %scan3A_8 : i32
    %scan3A_10 = arith.constant 1 : i32
    scf.for %scan3A_76 = %scan3A_7 to %scan3A_9 step %scan3A_10  : i32 {
      %mul3A_77 = arith.constant 3 : i32
      %mul3A_78 = arith.muli %mul3A_77, %scan3A_76 : i32
      %add3A_79 = arith.constant 0 : i32
      %add3A_80 = arith.addi %mul3A_78, %add3A_79 : i32
      %ge3A = arith.constant 2 : i32
      %ge3A_81 = arith.cmpi sge, %add3A_80, %ge3A : i32
      %convert_element_type3A_82 = arith.extui %ge3A_81 : i1 to i32
      %cond3A_83 = arith.constant 0 : i32
      %cond3A_84 = arith.cmpi ne, %convert_element_type3A_82, %cond3A_83 : i32
      scf.if %cond3A_84 {
        %dma_wait3A_171 = arith.constant 0 : i32
        %dma_wait3A_172 = arith.constant 0 : i32
        %dma_wait3A_173 = tpu.memref_slice %arg16[%dma_wait3A_171, %dma_wait3A_172] : memref<10112x128xf32, #tpu.memory_space<vmem_shared>> -> memref<10112x128xf32, #tpu.memory_space<vmem_shared>>
        tpu.wait_indirect_dma semaphore(%arg18 : memref<!tpu.dma_semaphore, #tpu.memory_space<semaphore_mem>>) src(%arg13 : memref<80x128xf32, #tpu.memory_space<vmem>>) dst(%dma_wait3A_173 : memref<10112x128xf32, #tpu.memory_space<vmem_shared>>)
      } else {
      }
      %add3A_85 = arith.constant 1 : i32
      %add3A_86 = arith.addi %add3A_80, %add3A_85 : i32
      %mul3A_87 = arith.constant 80 : i32
      %mul3A_88 = arith.muli %add3A_86, %mul3A_87 : i32
      %add3A_89 = arith.addi %mul3A_2, %mul3A_88 : i32
      %dma_start3A_90 = tpu.memref_slice %arg2[%add3A_89] : memref<320000xi32, #tpu.memory_space<hbm>> -> memref<80xi32, #tpu.memory_space<hbm>>
      %dma_start3A_91 = tpu.memref_slice %arg2[%add3A_89] : memref<320000xi32, #tpu.memory_space<hbm>> -> memref<80xi32, #tpu.memory_space<hbm>>
      tpu.enqueue_dma source(%dma_start3A_91 : memref<80xi32, #tpu.memory_space<hbm>>) target(%arg8 : memref<80xi32, #tpu.memory_space<vmem>>) target_semaphore(%arg19 : memref<!tpu.dma_semaphore, #tpu.memory_space<semaphore_mem>>)
      %dma_start3A_92 = tpu.memref_slice %arg3[%add3A_89] : memref<320000xi32, #tpu.memory_space<hbm>> -> memref<80xi32, #tpu.memory_space<hbm>>
      %dma_start3A_93 = tpu.memref_slice %arg3[%add3A_89] : memref<320000xi32, #tpu.memory_space<hbm>> -> memref<80xi32, #tpu.memory_space<hbm>>
      tpu.enqueue_dma source(%dma_start3A_93 : memref<80xi32, #tpu.memory_space<hbm>>) target(%arg11 : memref<80xi32, #tpu.memory_space<vmem>>) target_semaphore(%arg19 : memref<!tpu.dma_semaphore, #tpu.memory_space<semaphore_mem>>)
      %ge3A_94 = arith.constant 1 : i32
      %ge3A_95 = arith.cmpi sge, %add3A_80, %ge3A_94 : i32
      %convert_element_type3A_96 = arith.extui %ge3A_95 : i1 to i32
      %cond3A_97 = arith.constant 0 : i32
      %cond3A_98 = arith.cmpi ne, %convert_element_type3A_96, %cond3A_97 : i32
      scf.if %cond3A_98 {
        %dma_wait3A_171 = arith.constant 0 : i32
        %dma_wait3A_172 = tpu.memref_slice %arg2[%dma_wait3A_171] : memref<320000xi32, #tpu.memory_space<hbm>> -> memref<80xi32, #tpu.memory_space<hbm>>
        %dma_wait3A_173 = arith.constant 0 : i32
        %dma_wait3A_174 = tpu.memref_slice %arg2[%dma_wait3A_173] : memref<320000xi32, #tpu.memory_space<hbm>> -> memref<80xi32, #tpu.memory_space<hbm>>
        tpu.wait_dma2 semaphore(%arg19 : memref<!tpu.dma_semaphore, #tpu.memory_space<semaphore_mem>>) src(%dma_wait3A_174 : memref<80xi32, #tpu.memory_space<hbm>>) dst(%arg7 : memref<80xi32, #tpu.memory_space<vmem>>)
        %dma_wait3A_175 = arith.constant 0 : i32
        %dma_wait3A_176 = tpu.memref_slice %arg3[%dma_wait3A_175] : memref<320000xi32, #tpu.memory_space<hbm>> -> memref<80xi32, #tpu.memory_space<hbm>>
        %dma_wait3A_177 = arith.constant 0 : i32
        %dma_wait3A_178 = tpu.memref_slice %arg3[%dma_wait3A_177] : memref<320000xi32, #tpu.memory_space<hbm>> -> memref<80xi32, #tpu.memory_space<hbm>>
        tpu.wait_dma2 semaphore(%arg19 : memref<!tpu.dma_semaphore, #tpu.memory_space<semaphore_mem>>) src(%dma_wait3A_178 : memref<80xi32, #tpu.memory_space<hbm>>) dst(%arg10 : memref<80xi32, #tpu.memory_space<vmem>>)
      } else {
      }
      %dma_start3A_99 = arith.constant 0 : i32
      %dma_start3A_100 = arith.constant 0 : i32
      %dma_start3A_101 = tpu.memref_slice %arg4[%dma_start3A_99, %dma_start3A_100] : memref<10112x128xf32, #tpu.memory_space<hbm>> -> memref<10112x128xf32, #tpu.memory_space<hbm>>
      tpu.enqueue_indirect_dma source(%dma_start3A_101 : memref<10112x128xf32, #tpu.memory_space<hbm>>) target(%arg13 : memref<80x128xf32, #tpu.memory_space<vmem>>) offsets(%arg7 : memref<80xi32, #tpu.memory_space<vmem>>) semaphore(%arg17 : memref<!tpu.dma_semaphore, #tpu.memory_space<semaphore_mem>>)
      %ge3A_102 = arith.constant 1 : i32
      %ge3A_103 = arith.cmpi sge, %scan3A_76, %ge3A_102 : i32
      %convert_element_type3A_104 = arith.extui %ge3A_103 : i1 to i32
      %cond3A_105 = arith.constant 0 : i32
      %cond3A_106 = arith.cmpi ne, %convert_element_type3A_104, %cond3A_105 : i32
      scf.if %cond3A_106 {
        %dma_wait3A_171 = arith.constant 0 : i32
        %dma_wait3A_172 = arith.constant 0 : i32
        %dma_wait3A_173 = tpu.memref_slice %arg4[%dma_wait3A_171, %dma_wait3A_172] : memref<10112x128xf32, #tpu.memory_space<hbm>> -> memref<10112x128xf32, #tpu.memory_space<hbm>>
        tpu.wait_indirect_dma semaphore(%arg17 : memref<!tpu.dma_semaphore, #tpu.memory_space<semaphore_mem>>) src(%dma_wait3A_173 : memref<10112x128xf32, #tpu.memory_space<hbm>>) dst(%arg13 : memref<80x128xf32, #tpu.memory_space<vmem>>)
        %dma_start3A_174 = arith.constant 0 : i32
        %dma_start3A_175 = arith.constant 0 : i32
        %dma_start3A_176 = tpu.memref_slice %arg16[%dma_start3A_174, %dma_start3A_175] : memref<10112x128xf32, #tpu.memory_space<vmem_shared>> -> memref<10112x128xf32, #tpu.memory_space<vmem_shared>>
        tpu.enqueue_indirect_dma source(%arg15 : memref<80x128xf32, #tpu.memory_space<vmem>>) target(%dma_start3A_176 : memref<10112x128xf32, #tpu.memory_space<vmem_shared>>) offsets(%arg12 : memref<80xi32, #tpu.memory_space<vmem>>) semaphore(%arg18 : memref<!tpu.dma_semaphore, #tpu.memory_space<semaphore_mem>>) {add = true}
      } else {
      }
      %mul3A_107 = arith.constant 3 : i32
      %mul3A_108 = arith.muli %mul3A_107, %scan3A_76 : i32
      %add3A_109 = arith.constant 1 : i32
      %add3A_110 = arith.addi %mul3A_108, %add3A_109 : i32
      %ge3A_111 = arith.constant 2 : i32
      %ge3A_112 = arith.cmpi sge, %add3A_110, %ge3A_111 : i32
      %convert_element_type3A_113 = arith.extui %ge3A_112 : i1 to i32
      %cond3A_114 = arith.constant 0 : i32
      %cond3A_115 = arith.cmpi ne, %convert_element_type3A_113, %cond3A_114 : i32
      scf.if %cond3A_115 {
        %dma_wait3A_171 = arith.constant 0 : i32
        %dma_wait3A_172 = arith.constant 0 : i32
        %dma_wait3A_173 = tpu.memref_slice %arg16[%dma_wait3A_171, %dma_wait3A_172] : memref<10112x128xf32, #tpu.memory_space<vmem_shared>> -> memref<10112x128xf32, #tpu.memory_space<vmem_shared>>
        tpu.wait_indirect_dma semaphore(%arg18 : memref<!tpu.dma_semaphore, #tpu.memory_space<semaphore_mem>>) src(%arg13 : memref<80x128xf32, #tpu.memory_space<vmem>>) dst(%dma_wait3A_173 : memref<10112x128xf32, #tpu.memory_space<vmem_shared>>)
      } else {
      }
      %add3A_116 = arith.constant 1 : i32
      %add3A_117 = arith.addi %add3A_110, %add3A_116 : i32
      %mul3A_118 = arith.constant 80 : i32
      %mul3A_119 = arith.muli %add3A_117, %mul3A_118 : i32
      %add3A_120 = arith.addi %mul3A_2, %mul3A_119 : i32
      %dma_start3A_121 = tpu.memref_slice %arg2[%add3A_120] : memref<320000xi32, #tpu.memory_space<hbm>> -> memref<80xi32, #tpu.memory_space<hbm>>
      %dma_start3A_122 = tpu.memref_slice %arg2[%add3A_120] : memref<320000xi32, #tpu.memory_space<hbm>> -> memref<80xi32, #tpu.memory_space<hbm>>
      tpu.enqueue_dma source(%dma_start3A_122 : memref<80xi32, #tpu.memory_space<hbm>>) target(%arg9 : memref<80xi32, #tpu.memory_space<vmem>>) target_semaphore(%arg19 : memref<!tpu.dma_semaphore, #tpu.memory_space<semaphore_mem>>)
      %dma_start3A_123 = tpu.memref_slice %arg3[%add3A_120] : memref<320000xi32, #tpu.memory_space<hbm>> -> memref<80xi32, #tpu.memory_space<hbm>>
      %dma_start3A_124 = tpu.memref_slice %arg3[%add3A_120] : memref<320000xi32, #tpu.memory_space<hbm>> -> memref<80xi32, #tpu.memory_space<hbm>>
      tpu.enqueue_dma source(%dma_start3A_124 : memref<80xi32, #tpu.memory_space<hbm>>) target(%arg12 : memref<80xi32, #tpu.memory_space<vmem>>) target_semaphore(%arg19 : memref<!tpu.dma_semaphore, #tpu.memory_space<semaphore_mem>>)
      %ge3A_125 = arith.constant 1 : i32
      %ge3A_126 = arith.cmpi sge, %add3A_110, %ge3A_125 : i32
      %convert_element_type3A_127 = arith.extui %ge3A_126 : i1 to i32
      %cond3A_128 = arith.constant 0 : i32
      %cond3A_129 = arith.cmpi ne, %convert_element_type3A_127, %cond3A_128 : i32
      scf.if %cond3A_129 {
        %dma_wait3A_171 = arith.constant 0 : i32
        %dma_wait3A_172 = tpu.memref_slice %arg2[%dma_wait3A_171] : memref<320000xi32, #tpu.memory_space<hbm>> -> memref<80xi32, #tpu.memory_space<hbm>>
        %dma_wait3A_173 = arith.constant 0 : i32
        %dma_wait3A_174 = tpu.memref_slice %arg2[%dma_wait3A_173] : memref<320000xi32, #tpu.memory_space<hbm>> -> memref<80xi32, #tpu.memory_space<hbm>>
        tpu.wait_dma2 semaphore(%arg19 : memref<!tpu.dma_semaphore, #tpu.memory_space<semaphore_mem>>) src(%dma_wait3A_174 : memref<80xi32, #tpu.memory_space<hbm>>) dst(%arg7 : memref<80xi32, #tpu.memory_space<vmem>>)
        %dma_wait3A_175 = arith.constant 0 : i32
        %dma_wait3A_176 = tpu.memref_slice %arg3[%dma_wait3A_175] : memref<320000xi32, #tpu.memory_space<hbm>> -> memref<80xi32, #tpu.memory_space<hbm>>
        %dma_wait3A_177 = arith.constant 0 : i32
        %dma_wait3A_178 = tpu.memref_slice %arg3[%dma_wait3A_177] : memref<320000xi32, #tpu.memory_space<hbm>> -> memref<80xi32, #tpu.memory_space<hbm>>
        tpu.wait_dma2 semaphore(%arg19 : memref<!tpu.dma_semaphore, #tpu.memory_space<semaphore_mem>>) src(%dma_wait3A_178 : memref<80xi32, #tpu.memory_space<hbm>>) dst(%arg10 : memref<80xi32, #tpu.memory_space<vmem>>)
      } else {
      }
      %dma_start3A_130 = arith.constant 0 : i32
      %dma_start3A_131 = arith.constant 0 : i32
      %dma_start3A_132 = tpu.memref_slice %arg4[%dma_start3A_130, %dma_start3A_131] : memref<10112x128xf32, #tpu.memory_space<hbm>> -> memref<10112x128xf32, #tpu.memory_space<hbm>>
      tpu.enqueue_indirect_dma source(%dma_start3A_132 : memref<10112x128xf32, #tpu.memory_space<hbm>>) target(%arg14 : memref<80x128xf32, #tpu.memory_space<vmem>>) offsets(%arg8 : memref<80xi32, #tpu.memory_space<vmem>>) semaphore(%arg17 : memref<!tpu.dma_semaphore, #tpu.memory_space<semaphore_mem>>)
      %dma_wait3A_133 = arith.constant 0 : i32
      %dma_wait3A_134 = arith.constant 0 : i32
      %dma_wait3A_135 = tpu.memref_slice %arg4[%dma_wait3A_133, %dma_wait3A_134] : memref<10112x128xf32, #tpu.memory_space<hbm>> -> memref<10112x128xf32, #tpu.memory_space<hbm>>
      tpu.wait_indirect_dma semaphore(%arg17 : memref<!tpu.dma_semaphore, #tpu.memory_space<semaphore_mem>>) src(%dma_wait3A_135 : memref<10112x128xf32, #tpu.memory_space<hbm>>) dst(%arg13 : memref<80x128xf32, #tpu.memory_space<vmem>>)
      %dma_start3A_136 = arith.constant 0 : i32
      %dma_start3A_137 = arith.constant 0 : i32
      %dma_start3A_138 = tpu.memref_slice %arg16[%dma_start3A_136, %dma_start3A_137] : memref<10112x128xf32, #tpu.memory_space<vmem_shared>> -> memref<10112x128xf32, #tpu.memory_space<vmem_shared>>
      tpu.enqueue_indirect_dma source(%arg13 : memref<80x128xf32, #tpu.memory_space<vmem>>) target(%dma_start3A_138 : memref<10112x128xf32, #tpu.memory_space<vmem_shared>>) offsets(%arg10 : memref<80xi32, #tpu.memory_space<vmem>>) semaphore(%arg18 : memref<!tpu.dma_semaphore, #tpu.memory_space<semaphore_mem>>) {add = true}
      %mul3A_139 = arith.constant 3 : i32
      %mul3A_140 = arith.muli %mul3A_139, %scan3A_76 : i32
      %add3A_141 = arith.constant 2 : i32
      %add3A_142 = arith.addi %mul3A_140, %add3A_141 : i32
      %ge3A_143 = arith.constant 2 : i32
      %ge3A_144 = arith.cmpi sge, %add3A_142, %ge3A_143 : i32
      %convert_element_type3A_145 = arith.extui %ge3A_144 : i1 to i32
      %cond3A_146 = arith.constant 0 : i32
      %cond3A_147 = arith.cmpi ne, %convert_element_type3A_145, %cond3A_146 : i32
      scf.if %cond3A_147 {
        %dma_wait3A_171 = arith.constant 0 : i32
        %dma_wait3A_172 = arith.constant 0 : i32
        %dma_wait3A_173 = tpu.memref_slice %arg16[%dma_wait3A_171, %dma_wait3A_172] : memref<10112x128xf32, #tpu.memory_space<vmem_shared>> -> memref<10112x128xf32, #tpu.memory_space<vmem_shared>>
        tpu.wait_indirect_dma semaphore(%arg18 : memref<!tpu.dma_semaphore, #tpu.memory_space<semaphore_mem>>) src(%arg13 : memref<80x128xf32, #tpu.memory_space<vmem>>) dst(%dma_wait3A_173 : memref<10112x128xf32, #tpu.memory_space<vmem_shared>>)
      } else {
      }
      %add3A_148 = arith.constant 1 : i32
      %add3A_149 = arith.addi %add3A_142, %add3A_148 : i32
      %mul3A_150 = arith.constant 80 : i32
      %mul3A_151 = arith.muli %add3A_149, %mul3A_150 : i32
      %add3A_152 = arith.addi %mul3A_2, %mul3A_151 : i32
      %dma_start3A_153 = tpu.memref_slice %arg2[%add3A_152] : memref<320000xi32, #tpu.memory_space<hbm>> -> memref<80xi32, #tpu.memory_space<hbm>>
      %dma_start3A_154 = tpu.memref_slice %arg2[%add3A_152] : memref<320000xi32, #tpu.memory_space<hbm>> -> memref<80xi32, #tpu.memory_space<hbm>>
      tpu.enqueue_dma source(%dma_start3A_154 : memref<80xi32, #tpu.memory_space<hbm>>) target(%arg7 : memref<80xi32, #tpu.memory_space<vmem>>) target_semaphore(%arg19 : memref<!tpu.dma_semaphore, #tpu.memory_space<semaphore_mem>>)
      %dma_start3A_155 = tpu.memref_slice %arg3[%add3A_152] : memref<320000xi32, #tpu.memory_space<hbm>> -> memref<80xi32, #tpu.memory_space<hbm>>
      %dma_start3A_156 = tpu.memref_slice %arg3[%add3A_152] : memref<320000xi32, #tpu.memory_space<hbm>> -> memref<80xi32, #tpu.memory_space<hbm>>
      tpu.enqueue_dma source(%dma_start3A_156 : memref<80xi32, #tpu.memory_space<hbm>>) target(%arg10 : memref<80xi32, #tpu.memory_space<vmem>>) target_semaphore(%arg19 : memref<!tpu.dma_semaphore, #tpu.memory_space<semaphore_mem>>)
      %ge3A_157 = arith.constant 1 : i32
      %ge3A_158 = arith.cmpi sge, %add3A_142, %ge3A_157 : i32
      %convert_element_type3A_159 = arith.extui %ge3A_158 : i1 to i32
      %cond3A_160 = arith.constant 0 : i32
      %cond3A_161 = arith.cmpi ne, %convert_element_type3A_159, %cond3A_160 : i32
      scf.if %cond3A_161 {
        %dma_wait3A_171 = arith.constant 0 : i32
        %dma_wait3A_172 = tpu.memref_slice %arg2[%dma_wait3A_171] : memref<320000xi32, #tpu.memory_space<hbm>> -> memref<80xi32, #tpu.memory_space<hbm>>
        %dma_wait3A_173 = arith.constant 0 : i32
        %dma_wait3A_174 = tpu.memref_slice %arg2[%dma_wait3A_173] : memref<320000xi32, #tpu.memory_space<hbm>> -> memref<80xi32, #tpu.memory_space<hbm>>
        tpu.wait_dma2 semaphore(%arg19 : memref<!tpu.dma_semaphore, #tpu.memory_space<semaphore_mem>>) src(%dma_wait3A_174 : memref<80xi32, #tpu.memory_space<hbm>>) dst(%arg7 : memref<80xi32, #tpu.memory_space<vmem>>)
        %dma_wait3A_175 = arith.constant 0 : i32
        %dma_wait3A_176 = tpu.memref_slice %arg3[%dma_wait3A_175] : memref<320000xi32, #tpu.memory_space<hbm>> -> memref<80xi32, #tpu.memory_space<hbm>>
        %dma_wait3A_177 = arith.constant 0 : i32
        %dma_wait3A_178 = tpu.memref_slice %arg3[%dma_wait3A_177] : memref<320000xi32, #tpu.memory_space<hbm>> -> memref<80xi32, #tpu.memory_space<hbm>>
        tpu.wait_dma2 semaphore(%arg19 : memref<!tpu.dma_semaphore, #tpu.memory_space<semaphore_mem>>) src(%dma_wait3A_178 : memref<80xi32, #tpu.memory_space<hbm>>) dst(%arg10 : memref<80xi32, #tpu.memory_space<vmem>>)
      } else {
      }
      %dma_start3A_162 = arith.constant 0 : i32
      %dma_start3A_163 = arith.constant 0 : i32
      %dma_start3A_164 = tpu.memref_slice %arg4[%dma_start3A_162, %dma_start3A_163] : memref<10112x128xf32, #tpu.memory_space<hbm>> -> memref<10112x128xf32, #tpu.memory_space<hbm>>
      tpu.enqueue_indirect_dma source(%dma_start3A_164 : memref<10112x128xf32, #tpu.memory_space<hbm>>) target(%arg15 : memref<80x128xf32, #tpu.memory_space<vmem>>) offsets(%arg9 : memref<80xi32, #tpu.memory_space<vmem>>) semaphore(%arg17 : memref<!tpu.dma_semaphore, #tpu.memory_space<semaphore_mem>>)
      %dma_wait3A_165 = arith.constant 0 : i32
      %dma_wait3A_166 = arith.constant 0 : i32
      %dma_wait3A_167 = tpu.memref_slice %arg4[%dma_wait3A_165, %dma_wait3A_166] : memref<10112x128xf32, #tpu.memory_space<hbm>> -> memref<10112x128xf32, #tpu.memory_space<hbm>>
      tpu.wait_indirect_dma semaphore(%arg17 : memref<!tpu.dma_semaphore, #tpu.memory_space<semaphore_mem>>) src(%dma_wait3A_167 : memref<10112x128xf32, #tpu.memory_space<hbm>>) dst(%arg13 : memref<80x128xf32, #tpu.memory_space<vmem>>)
      %dma_start3A_168 = arith.constant 0 : i32
      %dma_start3A_169 = arith.constant 0 : i32
      %dma_start3A_170 = tpu.memref_slice %arg16[%dma_start3A_168, %dma_start3A_169] : memref<10112x128xf32, #tpu.memory_space<vmem_shared>> -> memref<10112x128xf32, #tpu.memory_space<vmem_shared>>
      tpu.enqueue_indirect_dma source(%arg14 : memref<80x128xf32, #tpu.memory_space<vmem>>) target(%dma_start3A_170 : memref<10112x128xf32, #tpu.memory_space<vmem_shared>>) offsets(%arg11 : memref<80xi32, #tpu.memory_space<vmem>>) semaphore(%arg18 : memref<!tpu.dma_semaphore, #tpu.memory_space<semaphore_mem>>) {add = true}
    }
    %scan3A_11 = arith.constant 41 : i32
    %dma_wait3A = arith.constant 0 : i32
    %dma_wait3A_12 = arith.constant 0 : i32
    %dma_wait3A_13 = tpu.memref_slice %arg16[%dma_wait3A, %dma_wait3A_12] : memref<10112x128xf32, #tpu.memory_space<vmem_shared>> -> memref<10112x128xf32, #tpu.memory_space<vmem_shared>>
    tpu.wait_indirect_dma semaphore(%arg18 : memref<!tpu.dma_semaphore, #tpu.memory_space<semaphore_mem>>) src(%arg13 : memref<80x128xf32, #tpu.memory_space<vmem>>) dst(%dma_wait3A_13 : memref<10112x128xf32, #tpu.memory_space<vmem_shared>>)
    %add3A_14 = arith.constant 9920 : i32
    %add3A_15 = arith.addi %mul3A_2, %add3A_14 : i32
    %dma_start3A = tpu.memref_slice %arg2[%add3A_15] : memref<320000xi32, #tpu.memory_space<hbm>> -> memref<80xi32, #tpu.memory_space<hbm>>
    %dma_start3A_16 = tpu.memref_slice %arg2[%add3A_15] : memref<320000xi32, #tpu.memory_space<hbm>> -> memref<80xi32, #tpu.memory_space<hbm>>
    tpu.enqueue_dma source(%dma_start3A_16 : memref<80xi32, #tpu.memory_space<hbm>>) target(%arg8 : memref<80xi32, #tpu.memory_space<vmem>>) target_semaphore(%arg19 : memref<!tpu.dma_semaphore, #tpu.memory_space<semaphore_mem>>)
    %dma_start3A_17 = tpu.memref_slice %arg3[%add3A_15] : memref<320000xi32, #tpu.memory_space<hbm>> -> memref<80xi32, #tpu.memory_space<hbm>>
    %dma_start3A_18 = tpu.memref_slice %arg3[%add3A_15] : memref<320000xi32, #tpu.memory_space<hbm>> -> memref<80xi32, #tpu.memory_space<hbm>>
    tpu.enqueue_dma source(%dma_start3A_18 : memref<80xi32, #tpu.memory_space<hbm>>) target(%arg11 : memref<80xi32, #tpu.memory_space<vmem>>) target_semaphore(%arg19 : memref<!tpu.dma_semaphore, #tpu.memory_space<semaphore_mem>>)
    %dma_wait3A_19 = arith.constant 0 : i32
    %dma_wait3A_20 = tpu.memref_slice %arg2[%dma_wait3A_19] : memref<320000xi32, #tpu.memory_space<hbm>> -> memref<80xi32, #tpu.memory_space<hbm>>
    %dma_wait3A_21 = arith.constant 0 : i32
    %dma_wait3A_22 = tpu.memref_slice %arg2[%dma_wait3A_21] : memref<320000xi32, #tpu.memory_space<hbm>> -> memref<80xi32, #tpu.memory_space<hbm>>
    tpu.wait_dma2 semaphore(%arg19 : memref<!tpu.dma_semaphore, #tpu.memory_space<semaphore_mem>>) src(%dma_wait3A_22 : memref<80xi32, #tpu.memory_space<hbm>>) dst(%arg7 : memref<80xi32, #tpu.memory_space<vmem>>)
    %dma_wait3A_23 = arith.constant 0 : i32
    %dma_wait3A_24 = tpu.memref_slice %arg3[%dma_wait3A_23] : memref<320000xi32, #tpu.memory_space<hbm>> -> memref<80xi32, #tpu.memory_space<hbm>>
    %dma_wait3A_25 = arith.constant 0 : i32
    %dma_wait3A_26 = tpu.memref_slice %arg3[%dma_wait3A_25] : memref<320000xi32, #tpu.memory_space<hbm>> -> memref<80xi32, #tpu.memory_space<hbm>>
    tpu.wait_dma2 semaphore(%arg19 : memref<!tpu.dma_semaphore, #tpu.memory_space<semaphore_mem>>) src(%dma_wait3A_26 : memref<80xi32, #tpu.memory_space<hbm>>) dst(%arg10 : memref<80xi32, #tpu.memory_space<vmem>>)
    %dma_start3A_27 = arith.constant 0 : i32
    %dma_start3A_28 = arith.constant 0 : i32
    %dma_start3A_29 = tpu.memref_slice %arg4[%dma_start3A_27, %dma_start3A_28] : memref<10112x128xf32, #tpu.memory_space<hbm>> -> memref<10112x128xf32, #tpu.memory_space<hbm>>
    tpu.enqueue_indirect_dma source(%dma_start3A_29 : memref<10112x128xf32, #tpu.memory_space<hbm>>) target(%arg13 : memref<80x128xf32, #tpu.memory_space<vmem>>) offsets(%arg7 : memref<80xi32, #tpu.memory_space<vmem>>) semaphore(%arg17 : memref<!tpu.dma_semaphore, #tpu.memory_space<semaphore_mem>>)
    %dma_wait3A_30 = arith.constant 0 : i32
    %dma_wait3A_31 = arith.constant 0 : i32
    %dma_wait3A_32 = tpu.memref_slice %arg4[%dma_wait3A_30, %dma_wait3A_31] : memref<10112x128xf32, #tpu.memory_space<hbm>> -> memref<10112x128xf32, #tpu.memory_space<hbm>>
    tpu.wait_indirect_dma semaphore(%arg17 : memref<!tpu.dma_semaphore, #tpu.memory_space<semaphore_mem>>) src(%dma_wait3A_32 : memref<10112x128xf32, #tpu.memory_space<hbm>>) dst(%arg13 : memref<80x128xf32, #tpu.memory_space<vmem>>)
    %dma_start3A_33 = arith.constant 0 : i32
    %dma_start3A_34 = arith.constant 0 : i32
    %dma_start3A_35 = tpu.memref_slice %arg16[%dma_start3A_33, %dma_start3A_34] : memref<10112x128xf32, #tpu.memory_space<vmem_shared>> -> memref<10112x128xf32, #tpu.memory_space<vmem_shared>>
    tpu.enqueue_indirect_dma source(%arg15 : memref<80x128xf32, #tpu.memory_space<vmem>>) target(%dma_start3A_35 : memref<10112x128xf32, #tpu.memory_space<vmem_shared>>) offsets(%arg12 : memref<80xi32, #tpu.memory_space<vmem>>) semaphore(%arg18 : memref<!tpu.dma_semaphore, #tpu.memory_space<semaphore_mem>>) {add = true}
    %dma_wait3A_36 = arith.constant 0 : i32
    %dma_wait3A_37 = arith.constant 0 : i32
    %dma_wait3A_38 = tpu.memref_slice %arg16[%dma_wait3A_36, %dma_wait3A_37] : memref<10112x128xf32, #tpu.memory_space<vmem_shared>> -> memref<10112x128xf32, #tpu.memory_space<vmem_shared>>
    tpu.wait_indirect_dma semaphore(%arg18 : memref<!tpu.dma_semaphore, #tpu.memory_space<semaphore_mem>>) src(%arg13 : memref<80x128xf32, #tpu.memory_space<vmem>>) dst(%dma_wait3A_38 : memref<10112x128xf32, #tpu.memory_space<vmem_shared>>)
    %dma_wait3A_39 = arith.constant 0 : i32
    %dma_wait3A_40 = tpu.memref_slice %arg2[%dma_wait3A_39] : memref<320000xi32, #tpu.memory_space<hbm>> -> memref<80xi32, #tpu.memory_space<hbm>>
    %dma_wait3A_41 = arith.constant 0 : i32
    %dma_wait3A_42 = tpu.memref_slice %arg2[%dma_wait3A_41] : memref<320000xi32, #tpu.memory_space<hbm>> -> memref<80xi32, #tpu.memory_space<hbm>>
    tpu.wait_dma2 semaphore(%arg19 : memref<!tpu.dma_semaphore, #tpu.memory_space<semaphore_mem>>) src(%dma_wait3A_42 : memref<80xi32, #tpu.memory_space<hbm>>) dst(%arg7 : memref<80xi32, #tpu.memory_space<vmem>>)
    %dma_wait3A_43 = arith.constant 0 : i32
    %dma_wait3A_44 = tpu.memref_slice %arg3[%dma_wait3A_43] : memref<320000xi32, #tpu.memory_space<hbm>> -> memref<80xi32, #tpu.memory_space<hbm>>
    %dma_wait3A_45 = arith.constant 0 : i32
    %dma_wait3A_46 = tpu.memref_slice %arg3[%dma_wait3A_45] : memref<320000xi32, #tpu.memory_space<hbm>> -> memref<80xi32, #tpu.memory_space<hbm>>
    tpu.wait_dma2 semaphore(%arg19 : memref<!tpu.dma_semaphore, #tpu.memory_space<semaphore_mem>>) src(%dma_wait3A_46 : memref<80xi32, #tpu.memory_space<hbm>>) dst(%arg10 : memref<80xi32, #tpu.memory_space<vmem>>)
    %dma_start3A_47 = arith.constant 0 : i32
    %dma_start3A_48 = arith.constant 0 : i32
    %dma_start3A_49 = tpu.memref_slice %arg4[%dma_start3A_47, %dma_start3A_48] : memref<10112x128xf32, #tpu.memory_space<hbm>> -> memref<10112x128xf32, #tpu.memory_space<hbm>>
    tpu.enqueue_indirect_dma source(%dma_start3A_49 : memref<10112x128xf32, #tpu.memory_space<hbm>>) target(%arg14 : memref<80x128xf32, #tpu.memory_space<vmem>>) offsets(%arg8 : memref<80xi32, #tpu.memory_space<vmem>>) semaphore(%arg17 : memref<!tpu.dma_semaphore, #tpu.memory_space<semaphore_mem>>)
    %dma_wait3A_50 = arith.constant 0 : i32
    %dma_wait3A_51 = arith.constant 0 : i32
    %dma_wait3A_52 = tpu.memref_slice %arg4[%dma_wait3A_50, %dma_wait3A_51] : memref<10112x128xf32, #tpu.memory_space<hbm>> -> memref<10112x128xf32, #tpu.memory_space<hbm>>
    tpu.wait_indirect_dma semaphore(%arg17 : memref<!tpu.dma_semaphore, #tpu.memory_space<semaphore_mem>>) src(%dma_wait3A_52 : memref<10112x128xf32, #tpu.memory_space<hbm>>) dst(%arg13 : memref<80x128xf32, #tpu.memory_space<vmem>>)
    %dma_start3A_53 = arith.constant 0 : i32
    %dma_start3A_54 = arith.constant 0 : i32
    %dma_start3A_55 = tpu.memref_slice %arg16[%dma_start3A_53, %dma_start3A_54] : memref<10112x128xf32, #tpu.memory_space<vmem_shared>> -> memref<10112x128xf32, #tpu.memory_space<vmem_shared>>
    tpu.enqueue_indirect_dma source(%arg13 : memref<80x128xf32, #tpu.memory_space<vmem>>) target(%dma_start3A_55 : memref<10112x128xf32, #tpu.memory_space<vmem_shared>>) offsets(%arg10 : memref<80xi32, #tpu.memory_space<vmem>>) semaphore(%arg18 : memref<!tpu.dma_semaphore, #tpu.memory_space<semaphore_mem>>) {add = true}
    %dma_wait3A_56 = arith.constant 0 : i32
    %dma_wait3A_57 = arith.constant 0 : i32
    %dma_wait3A_58 = tpu.memref_slice %arg4[%dma_wait3A_56, %dma_wait3A_57] : memref<10112x128xf32, #tpu.memory_space<hbm>> -> memref<10112x128xf32, #tpu.memory_space<hbm>>
    tpu.wait_indirect_dma semaphore(%arg17 : memref<!tpu.dma_semaphore, #tpu.memory_space<semaphore_mem>>) src(%dma_wait3A_58 : memref<10112x128xf32, #tpu.memory_space<hbm>>) dst(%arg13 : memref<80x128xf32, #tpu.memory_space<vmem>>)
    %dma_start3A_59 = arith.constant 0 : i32
    %dma_start3A_60 = arith.constant 0 : i32
    %dma_start3A_61 = tpu.memref_slice %arg16[%dma_start3A_59, %dma_start3A_60] : memref<10112x128xf32, #tpu.memory_space<vmem_shared>> -> memref<10112x128xf32, #tpu.memory_space<vmem_shared>>
    tpu.enqueue_indirect_dma source(%arg14 : memref<80x128xf32, #tpu.memory_space<vmem>>) target(%dma_start3A_61 : memref<10112x128xf32, #tpu.memory_space<vmem_shared>>) offsets(%arg11 : memref<80xi32, #tpu.memory_space<vmem>>) semaphore(%arg18 : memref<!tpu.dma_semaphore, #tpu.memory_space<semaphore_mem>>) {add = true}
    %dma_wait3A_62 = arith.constant 0 : i32
    %dma_wait3A_63 = arith.constant 0 : i32
    %dma_wait3A_64 = tpu.memref_slice %arg16[%dma_wait3A_62, %dma_wait3A_63] : memref<10112x128xf32, #tpu.memory_space<vmem_shared>> -> memref<10112x128xf32, #tpu.memory_space<vmem_shared>>
    tpu.wait_indirect_dma semaphore(%arg18 : memref<!tpu.dma_semaphore, #tpu.memory_space<semaphore_mem>>) src(%arg13 : memref<80x128xf32, #tpu.memory_space<vmem>>) dst(%dma_wait3A_64 : memref<10112x128xf32, #tpu.memory_space<vmem_shared>>)
    %dma_wait3A_65 = arith.constant 0 : i32
    %dma_wait3A_66 = arith.constant 0 : i32
    %dma_wait3A_67 = tpu.memref_slice %arg16[%dma_wait3A_65, %dma_wait3A_66] : memref<10112x128xf32, #tpu.memory_space<vmem_shared>> -> memref<10112x128xf32, #tpu.memory_space<vmem_shared>>
    tpu.wait_indirect_dma semaphore(%arg18 : memref<!tpu.dma_semaphore, #tpu.memory_space<semaphore_mem>>) src(%arg13 : memref<80x128xf32, #tpu.memory_space<vmem>>) dst(%dma_wait3A_67 : memref<10112x128xf32, #tpu.memory_space<vmem_shared>>)
    %barrier3A_68 = arith.constant 0 : index
    tpu.barrier barrier_id(%barrier3A_68)
    %eq3A = arith.constant 0 : i32
    %eq3A_69 = arith.cmpi eq, %arg0, %eq3A : i32
    %convert_element_type3A = arith.extui %eq3A_69 : i1 to i32
    %cond3A = arith.constant 0 : i32
    %cond3A_70 = arith.cmpi ne, %convert_element_type3A, %cond3A : i32
    scf.if %cond3A_70 {
      %mul3A_76 = arith.constant 632 : i32
      %mul3A_77 = arith.muli %arg1, %mul3A_76 : i32
      %mul3A_78 = arith.constant 632 : i32
      %mul3A_79 = arith.muli %arg1, %mul3A_78 : i32
      "tpu.region"() ({
        %run_scoped3A = tpu.sem_alloc : memref<!tpu.dma_semaphore, #tpu.memory_space<semaphore_mem>>
        %dma_start3A_80 = arith.constant 0 : i32
        %dma_start3A_81 = tpu.memref_slice %arg5[%mul3A_79, %dma_start3A_80] : memref<10112x128xf32, #tpu.memory_space<hbm>> -> memref<632x128xf32, #tpu.memory_space<hbm>>
        %dma_start3A_82 = arith.constant 0 : i32
        %dma_start3A_83 = tpu.memref_slice %arg16[%mul3A_77, %dma_start3A_82] : memref<10112x128xf32, #tpu.memory_space<vmem_shared>> -> memref<632x128xf32, #tpu.memory_space<vmem_shared>>
        tpu.enqueue_dma source(%dma_start3A_83 : memref<632x128xf32, #tpu.memory_space<vmem_shared>>) target(%dma_start3A_81 : memref<632x128xf32, #tpu.memory_space<hbm>>) target_semaphore(%run_scoped3A : memref<!tpu.dma_semaphore, #tpu.memory_space<semaphore_mem>>)
        %dma_wait3A_84 = arith.constant 0 : i32
        %dma_wait3A_85 = tpu.memref_slice %arg5[%mul3A_79, %dma_wait3A_84] : memref<10112x128xf32, #tpu.memory_space<hbm>> -> memref<632x128xf32, #tpu.memory_space<hbm>>
        %dma_wait3A_86 = arith.constant 0 : i32
        %dma_wait3A_87 = tpu.memref_slice %arg16[%mul3A_77, %dma_wait3A_86] : memref<10112x128xf32, #tpu.memory_space<vmem_shared>> -> memref<632x128xf32, #tpu.memory_space<vmem_shared>>
        tpu.wait_dma2 semaphore(%run_scoped3A : memref<!tpu.dma_semaphore, #tpu.memory_space<semaphore_mem>>) src(%dma_wait3A_87 : memref<632x128xf32, #tpu.memory_space<vmem_shared>>) dst(%dma_wait3A_85 : memref<632x128xf32, #tpu.memory_space<hbm>>)
        tpu.yield
      }) : () -> ()
    } else {
    }
    %eq3A_71 = arith.constant 1 : i32
    %eq3A_72 = arith.cmpi eq, %arg0, %eq3A_71 : i32
    %convert_element_type3A_73 = arith.extui %eq3A_72 : i1 to i32
    %cond3A_74 = arith.constant 0 : i32
    %cond3A_75 = arith.cmpi ne, %convert_element_type3A_73, %cond3A_74 : i32
    scf.if %cond3A_75 {
      %mul3A_76 = arith.constant 632 : i32
      %mul3A_77 = arith.muli %arg1, %mul3A_76 : i32
      %mul3A_78 = arith.constant 632 : i32
      %mul3A_79 = arith.muli %arg1, %mul3A_78 : i32
      "tpu.region"() ({
        %run_scoped3A = tpu.sem_alloc : memref<!tpu.dma_semaphore, #tpu.memory_space<semaphore_mem>>
        %dma_start3A_80 = arith.constant 0 : i32
        %dma_start3A_81 = tpu.memref_slice %arg6[%mul3A_79, %dma_start3A_80] : memref<10112x128xf32, #tpu.memory_space<hbm>> -> memref<632x128xf32, #tpu.memory_space<hbm>>
        %dma_start3A_82 = arith.constant 0 : i32
        %dma_start3A_83 = tpu.memref_slice %arg16[%mul3A_77, %dma_start3A_82] : memref<10112x128xf32, #tpu.memory_space<vmem_shared>> -> memref<632x128xf32, #tpu.memory_space<vmem_shared>>
        tpu.enqueue_dma source(%dma_start3A_83 : memref<632x128xf32, #tpu.memory_space<vmem_shared>>) target(%dma_start3A_81 : memref<632x128xf32, #tpu.memory_space<hbm>>) target_semaphore(%run_scoped3A : memref<!tpu.dma_semaphore, #tpu.memory_space<semaphore_mem>>)
        %dma_wait3A_84 = arith.constant 0 : i32
        %dma_wait3A_85 = tpu.memref_slice %arg6[%mul3A_79, %dma_wait3A_84] : memref<10112x128xf32, #tpu.memory_space<hbm>> -> memref<632x128xf32, #tpu.memory_space<hbm>>
        %dma_wait3A_86 = arith.constant 0 : i32
        %dma_wait3A_87 = tpu.memref_slice %arg16[%mul3A_77, %dma_wait3A_86] : memref<10112x128xf32, #tpu.memory_space<vmem_shared>> -> memref<632x128xf32, #tpu.memory_space<vmem_shared>>
        tpu.wait_dma2 semaphore(%run_scoped3A : memref<!tpu.dma_semaphore, #tpu.memory_space<semaphore_mem>>) src(%dma_wait3A_87 : memref<632x128xf32, #tpu.memory_space<vmem_shared>>) dst(%dma_wait3A_85 : memref<632x128xf32, #tpu.memory_space<hbm>>)
        tpu.yield
      }) : () -> ()
    } else {
    }
    return
  }
}

module attributes {stable_mosaic.version = 14 : i64} {
  func.func @body(%arg0: i32, %arg1: memref<1000x128xf32, #tpu.memory_space<vmem>>, %arg2: memref<128x128xf32, #tpu.memory_space<vmem>>, %arg3: memref<1000x16xf32, #tpu.memory_space<vmem>>, %arg4: memref<1000x16xf32, #tpu.memory_space<vmem>>, %arg5: memref<1000x128xf32, #tpu.memory_space<vmem>>, %arg6: memref<1000x1xf32, #tpu.memory_space<vmem>>) attributes {dimension_semantics = [#tpu.dimension_semantics<arbitrary>], iteration_bounds = array<i64: 10>, scalar_prefetch = 0 : i64, scratch_operands = 0 : i64, tpu.core_type = #tpu.core_type<tc>, window_params = [{transform_indices = @transform_0, window_bounds = array<i64: 1000, 128>}, {pipeline_mode = #tpu.pipeline_mode<synchronous>, transform_indices = @transform_1, window_bounds = array<i64: 128, 128>}, {transform_indices = @transform_2, window_bounds = array<i64: 1000, 16>}, {transform_indices = @transform_3, window_bounds = array<i64: 1000, 16>}, {transform_indices = @transform_4, window_bounds = array<i64: 1000, 128>}, {transform_indices = @transform_5, window_bounds = array<i64: 1000, 1>}]} {
    %get3A = arith.constant 0 : index
    %get3A_0 = arith.constant 0 : index
    %get3A_1 = vector.load %arg3[%get3A, %get3A_0] : memref<1000x16xf32, #tpu.memory_space<vmem>>, vector<1000x16xf32>
    %slice3A = vector.extract_strided_slice %get3A_1 {offsets = [0, 0], sizes = [1000, 1], strides = [1, 1]} : vector<1000x16xf32> to vector<1000x1xf32>
    %get3A_2 = arith.constant 0 : index
    %get3A_3 = arith.constant 0 : index
    %get3A_4 = vector.load %arg4[%get3A_2, %get3A_3] : memref<1000x16xf32, #tpu.memory_space<vmem>>, vector<1000x16xf32>
    %slice3A_5 = vector.extract_strided_slice %get3A_4 {offsets = [0, 0], sizes = [1000, 1], strides = [1, 1]} : vector<1000x16xf32> to vector<1000x1xf32>
    %add3A = arith.addf %slice3A, %slice3A_5 : vector<1000x1xf32>
    %sub3A = arith.constant 1.000000e+00 : f32
    %sub3A_6 = vector.broadcast %sub3A : f32 to vector<1000x1xf32>
    %sub3A_7 = arith.subf %add3A, %sub3A_6 : vector<1000x1xf32>
    %rsqrt3A = math.rsqrt %sub3A_7 : vector<1000x1xf32>
    %get3A_8 = arith.constant 0 : index
    %get3A_9 = arith.constant 0 : index
    %get3A_10 = vector.load %arg1[%get3A_8, %get3A_9] : memref<1000x128xf32, #tpu.memory_space<vmem>>, vector<1000x128xf32>
    %get3A_11 = arith.constant 0 : index
    %get3A_12 = arith.constant 0 : index
    %get3A_13 = vector.load %arg2[%get3A_11, %get3A_12] : memref<128x128xf32, #tpu.memory_space<vmem>>, vector<128x128xf32>
    %dot_general3A = arith.constant dense<0.000000e+00> : vector<1000x128xf32>
    %dot_general3A_14 = tpu.matmul %get3A_10, %get3A_13, %dot_general3A {dimension_numbers = #tpu.dot_dimension_numbers<[1], [0], [0], [1], [0, 0, 1, 1], [], []>, transpose_lhs_hint = false} : vector<1000x128xf32>, vector<128x128xf32>, vector<1000x128xf32> -> vector<1000x128xf32>
    %mul3A = vector.broadcast %rsqrt3A : vector<1000x1xf32> to vector<1000x128xf32>
    %mul3A_15 = arith.mulf %dot_general3A_14, %mul3A : vector<1000x128xf32>
    %swap3A = arith.constant 0 : index
    %swap3A_16 = arith.constant 0 : index
    %swap3A_17 = vector.load %arg5[%swap3A, %swap3A_16] : memref<1000x128xf32, #tpu.memory_space<vmem>>, vector<1000x128xf32>
    tpu.vector_store %arg5[%swap3A, %swap3A_16], %mul3A_15 {strides = array<i32>} : memref<1000x128xf32, #tpu.memory_space<vmem>>, vector<1000x128xf32>,
    %swap3A_18 = arith.constant 0 : index
    %swap3A_19 = arith.constant 0 : index
    %swap3A_20 = vector.load %arg6[%swap3A_18, %swap3A_19] : memref<1000x1xf32, #tpu.memory_space<vmem>>, vector<1000x1xf32>
    tpu.vector_store %arg6[%swap3A_18, %swap3A_19], %rsqrt3A {strides = array<i32>} : memref<1000x1xf32, #tpu.memory_space<vmem>>, vector<1000x1xf32>,
    return
  }
  func.func @transform_0(%arg0: i32) -> (i32, i32) {
    %c0_i32 = arith.constant 0 : i32
    %c0_i32_0 = arith.constant 0 : i32
    return %arg0, %c0_i32 : i32, i32
  }
  func.func @transform_1(%arg0: i32) -> (i32, i32) {
    %c0_i32 = arith.constant 0 : i32
    %c0_i32_0 = arith.constant 0 : i32
    %c0_i32_1 = arith.constant 0 : i32
    return %c0_i32, %c0_i32_0 : i32, i32
  }
  func.func @transform_2(%arg0: i32) -> (i32, i32) {
    %c0_i32 = arith.constant 0 : i32
    %c0_i32_0 = arith.constant 0 : i32
    return %arg0, %c0_i32 : i32, i32
  }
  func.func @transform_3(%arg0: i32) -> (i32, i32) {
    %c0_i32 = arith.constant 0 : i32
    %c0_i32_0 = arith.constant 0 : i32
    return %arg0, %c0_i32 : i32, i32
  }
  func.func @transform_4(%arg0: i32) -> (i32, i32) {
    %c0_i32 = arith.constant 0 : i32
    %c0_i32_0 = arith.constant 0 : i32
    return %arg0, %c0_i32 : i32, i32
  }
  func.func @transform_5(%arg0: i32) -> (i32, i32) {
    %c0_i32 = arith.constant 0 : i32
    %c0_i32_0 = arith.constant 0 : i32
    return %arg0, %c0_i32 : i32, i32
  }
}

module attributes {stable_mosaic.version = 14 : i64} {
  func.func @body(%arg0: i32, %arg1: memref<1000x128xf32, #tpu.memory_space<vmem>>, %arg2: memref<1000x128xf32, #tpu.memory_space<vmem>>, %arg3: memref<1000x128xf32, #tpu.memory_space<vmem>>, %arg4: memref<1000x1xf32, #tpu.memory_space<vmem>>, %arg5: memref<1x128xf32, #tpu.memory_space<vmem>>, %arg6: memref<128x128xf32, #tpu.memory_space<vmem>>, %arg7: memref<1000x128xf32, #tpu.memory_space<vmem>>) attributes {dimension_semantics = [#tpu.dimension_semantics<arbitrary>], iteration_bounds = array<i64: 10>, scalar_prefetch = 0 : i64, scratch_operands = 0 : i64, tpu.core_type = #tpu.core_type<tc>, window_params = [{transform_indices = @transform_0, window_bounds = array<i64: 1000, 128>}, {transform_indices = @transform_1, window_bounds = array<i64: 1000, 128>}, {transform_indices = @transform_2, window_bounds = array<i64: 1000, 128>}, {transform_indices = @transform_3, window_bounds = array<i64: 1000, 1>}, {pipeline_mode = #tpu.pipeline_mode<synchronous>, transform_indices = @transform_4, window_bounds = array<i64: 1, 128>}, {pipeline_mode = #tpu.pipeline_mode<synchronous>, transform_indices = @transform_5, window_bounds = array<i64: 128, 128>}, {transform_indices = @transform_6, window_bounds = array<i64: 1000, 128>}]} {
    %get3A = arith.constant 0 : index
    %get3A_0 = arith.constant 0 : index
    %get3A_1 = vector.load %arg1[%get3A, %get3A_0] : memref<1000x128xf32, #tpu.memory_space<vmem>>, vector<1000x128xf32>
    %get3A_2 = arith.constant 0 : index
    %get3A_3 = arith.constant 0 : index
    %get3A_4 = vector.load %arg2[%get3A_2, %get3A_3] : memref<1000x128xf32, #tpu.memory_space<vmem>>, vector<1000x128xf32>
    %add3A = arith.addf %get3A_1, %get3A_4 : vector<1000x128xf32>
    %get3A_5 = arith.constant 0 : index
    %get3A_6 = arith.constant 0 : index
    %get3A_7 = vector.load %arg3[%get3A_5, %get3A_6] : memref<1000x128xf32, #tpu.memory_space<vmem>>, vector<1000x128xf32>
    %sub3A = arith.subf %add3A, %get3A_7 : vector<1000x128xf32>
    %get3A_8 = arith.constant 0 : index
    %get3A_9 = arith.constant 0 : index
    %get3A_10 = vector.load %arg4[%get3A_8, %get3A_9] : memref<1000x1xf32, #tpu.memory_space<vmem>>, vector<1000x1xf32>
    %mul3A = vector.broadcast %get3A_10 : vector<1000x1xf32> to vector<1000x128xf32>
    %mul3A_11 = arith.mulf %sub3A, %mul3A : vector<1000x128xf32>
    %get3A_12 = arith.constant 0 : index
    %get3A_13 = arith.constant 0 : index
    %get3A_14 = vector.load %arg5[%get3A_12, %get3A_13] : memref<1x128xf32, #tpu.memory_space<vmem>>, vector<1x128xf32>
    %add3A_15 = vector.broadcast %get3A_14 : vector<1x128xf32> to vector<1000x128xf32>
    %add3A_16 = arith.addf %mul3A_11, %add3A_15 : vector<1000x128xf32>
    %max3A = arith.constant 0.000000e+00 : f32
    %max3A_17 = vector.broadcast %max3A : f32 to vector<1000x128xf32>
    %max3A_18 = arith.maximumf %add3A_16, %max3A_17 : vector<1000x128xf32>
    %get3A_19 = arith.constant 0 : index
    %get3A_20 = arith.constant 0 : index
    %get3A_21 = vector.load %arg6[%get3A_19, %get3A_20] : memref<128x128xf32, #tpu.memory_space<vmem>>, vector<128x128xf32>
    %dot_general3A = arith.constant dense<0.000000e+00> : vector<1000x128xf32>
    %dot_general3A_22 = tpu.matmul %max3A_18, %get3A_21, %dot_general3A {dimension_numbers = #tpu.dot_dimension_numbers<[1], [0], [0], [1], [0, 0, 1, 1], [], []>, transpose_lhs_hint = false} : vector<1000x128xf32>, vector<128x128xf32>, vector<1000x128xf32> -> vector<1000x128xf32>
    %get3A_23 = arith.constant 0 : index
    %get3A_24 = arith.constant 0 : index
    %get3A_25 = vector.load %arg4[%get3A_23, %get3A_24] : memref<1000x1xf32, #tpu.memory_space<vmem>>, vector<1000x1xf32>
    %mul3A_26 = vector.broadcast %get3A_25 : vector<1000x1xf32> to vector<1000x128xf32>
    %mul3A_27 = arith.mulf %dot_general3A_22, %mul3A_26 : vector<1000x128xf32>
    %swap3A = arith.constant 0 : index
    %swap3A_28 = arith.constant 0 : index
    %swap3A_29 = vector.load %arg7[%swap3A, %swap3A_28] : memref<1000x128xf32, #tpu.memory_space<vmem>>, vector<1000x128xf32>
    tpu.vector_store %arg7[%swap3A, %swap3A_28], %mul3A_27 {strides = array<i32>} : memref<1000x128xf32, #tpu.memory_space<vmem>>, vector<1000x128xf32>,
    return
  }
  func.func @transform_0(%arg0: i32) -> (i32, i32) {
    %c0_i32 = arith.constant 0 : i32
    %c0_i32_0 = arith.constant 0 : i32
    return %arg0, %c0_i32 : i32, i32
  }
  func.func @transform_1(%arg0: i32) -> (i32, i32) {
    %c0_i32 = arith.constant 0 : i32
    %c0_i32_0 = arith.constant 0 : i32
    return %arg0, %c0_i32 : i32, i32
  }
  func.func @transform_2(%arg0: i32) -> (i32, i32) {
    %c0_i32 = arith.constant 0 : i32
    %c0_i32_0 = arith.constant 0 : i32
    return %arg0, %c0_i32 : i32, i32
  }
  func.func @transform_3(%arg0: i32) -> (i32, i32) {
    %c0_i32 = arith.constant 0 : i32
    %c0_i32_0 = arith.constant 0 : i32
    return %arg0, %c0_i32 : i32, i32
  }
  func.func @transform_4(%arg0: i32) -> (i32, i32) {
    %c0_i32 = arith.constant 0 : i32
    %c0_i32_0 = arith.constant 0 : i32
    %c0_i32_1 = arith.constant 0 : i32
    return %c0_i32, %c0_i32_0 : i32, i32
  }
  func.func @transform_5(%arg0: i32) -> (i32, i32) {
    %c0_i32 = arith.constant 0 : i32
    %c0_i32_0 = arith.constant 0 : i32
    %c0_i32_1 = arith.constant 0 : i32
    return %c0_i32, %c0_i32_0 : i32, i32
  }
  func.func @transform_6(%arg0: i32) -> (i32, i32) {
    %c0_i32 = arith.constant 0 : i32
    %c0_i32_0 = arith.constant 0 : i32
    return %arg0, %c0_i32 : i32, i32
  }
}

module attributes {stable_mosaic.version = 14 : i64} {
  func.func @body(%arg0: i32, %arg1: memref<1000x128xf32, #tpu.memory_space<vmem>>, %arg2: memref<1000x128xf32, #tpu.memory_space<vmem>>, %arg3: memref<1000x128xf32, #tpu.memory_space<vmem>>, %arg4: memref<1000x1xf32, #tpu.memory_space<vmem>>, %arg5: memref<1x64xf32, #tpu.memory_space<vmem>>, %arg6: memref<1x64xf32, #tpu.memory_space<vmem>>, %arg7: memref<1000x64xf32, #tpu.memory_space<vmem>>, %arg8: memref<1000x64xf32, #tpu.memory_space<vmem>>) attributes {dimension_semantics = [#tpu.dimension_semantics<arbitrary>], iteration_bounds = array<i64: 10>, scalar_prefetch = 0 : i64, scratch_operands = 0 : i64, tpu.core_type = #tpu.core_type<tc>, window_params = [{transform_indices = @transform_0, window_bounds = array<i64: 1000, 128>}, {transform_indices = @transform_1, window_bounds = array<i64: 1000, 128>}, {transform_indices = @transform_2, window_bounds = array<i64: 1000, 128>}, {transform_indices = @transform_3, window_bounds = array<i64: 1000, 1>}, {pipeline_mode = #tpu.pipeline_mode<synchronous>, transform_indices = @transform_4, window_bounds = array<i64: 1, 64>}, {pipeline_mode = #tpu.pipeline_mode<synchronous>, transform_indices = @transform_5, window_bounds = array<i64: 1, 64>}, {transform_indices = @transform_6, window_bounds = array<i64: 1000, 64>}, {transform_indices = @transform_7, window_bounds = array<i64: 1000, 64>}]} {
    %get3A = arith.constant 0 : index
    %get3A_0 = arith.constant 0 : index
    %get3A_1 = vector.load %arg1[%get3A, %get3A_0] : memref<1000x128xf32, #tpu.memory_space<vmem>>, vector<1000x128xf32>
    %get3A_2 = arith.constant 0 : index
    %get3A_3 = arith.constant 0 : index
    %get3A_4 = vector.load %arg2[%get3A_2, %get3A_3] : memref<1000x128xf32, #tpu.memory_space<vmem>>, vector<1000x128xf32>
    %add3A = arith.addf %get3A_1, %get3A_4 : vector<1000x128xf32>
    %get3A_5 = arith.constant 0 : index
    %get3A_6 = arith.constant 0 : index
    %get3A_7 = vector.load %arg3[%get3A_5, %get3A_6] : memref<1000x128xf32, #tpu.memory_space<vmem>>, vector<1000x128xf32>
    %sub3A = arith.subf %add3A, %get3A_7 : vector<1000x128xf32>
    %get3A_8 = arith.constant 0 : index
    %get3A_9 = arith.constant 0 : index
    %get3A_10 = vector.load %arg4[%get3A_8, %get3A_9] : memref<1000x1xf32, #tpu.memory_space<vmem>>, vector<1000x1xf32>
    %mul3A = vector.broadcast %get3A_10 : vector<1000x1xf32> to vector<1000x128xf32>
    %mul3A_11 = arith.mulf %sub3A, %mul3A : vector<1000x128xf32>
    %slice3A = vector.extract_strided_slice %mul3A_11 {offsets = [0, 0], sizes = [1000, 64], strides = [1, 1]} : vector<1000x128xf32> to vector<1000x64xf32>
    %get3A_12 = arith.constant 0 : index
    %get3A_13 = arith.constant 0 : index
    %get3A_14 = vector.load %arg5[%get3A_12, %get3A_13] : memref<1x64xf32, #tpu.memory_space<vmem>>, vector<1x64xf32>
    %add3A_15 = vector.broadcast %get3A_14 : vector<1x64xf32> to vector<1000x64xf32>
    %add3A_16 = arith.addf %slice3A, %add3A_15 : vector<1000x64xf32>
    %swap3A = arith.constant 0 : index
    %swap3A_17 = arith.constant 0 : index
    %swap3A_18 = vector.load %arg7[%swap3A, %swap3A_17] : memref<1000x64xf32, #tpu.memory_space<vmem>>, vector<1000x64xf32>
    tpu.vector_store %arg7[%swap3A, %swap3A_17], %add3A_16 {strides = array<i32>} : memref<1000x64xf32, #tpu.memory_space<vmem>>, vector<1000x64xf32>,
    %slice3A_19 = vector.extract_strided_slice %mul3A_11 {offsets = [0, 64], sizes = [1000, 64], strides = [1, 1]} : vector<1000x128xf32> to vector<1000x64xf32>
    %get3A_20 = arith.constant 0 : index
    %get3A_21 = arith.constant 0 : index
    %get3A_22 = vector.load %arg6[%get3A_20, %get3A_21] : memref<1x64xf32, #tpu.memory_space<vmem>>, vector<1x64xf32>
    %add3A_23 = vector.broadcast %get3A_22 : vector<1x64xf32> to vector<1000x64xf32>
    %add3A_24 = arith.addf %slice3A_19, %add3A_23 : vector<1000x64xf32>
    %swap3A_25 = arith.constant 0 : index
    %swap3A_26 = arith.constant 0 : index
    %swap3A_27 = vector.load %arg8[%swap3A_25, %swap3A_26] : memref<1000x64xf32, #tpu.memory_space<vmem>>, vector<1000x64xf32>
    tpu.vector_store %arg8[%swap3A_25, %swap3A_26], %add3A_24 {strides = array<i32>} : memref<1000x64xf32, #tpu.memory_space<vmem>>, vector<1000x64xf32>,
    return
  }
  func.func @transform_0(%arg0: i32) -> (i32, i32) {
    %c0_i32 = arith.constant 0 : i32
    %c0_i32_0 = arith.constant 0 : i32
    return %arg0, %c0_i32 : i32, i32
  }
  func.func @transform_1(%arg0: i32) -> (i32, i32) {
    %c0_i32 = arith.constant 0 : i32
    %c0_i32_0 = arith.constant 0 : i32
    return %arg0, %c0_i32 : i32, i32
  }
  func.func @transform_2(%arg0: i32) -> (i32, i32) {
    %c0_i32 = arith.constant 0 : i32
    %c0_i32_0 = arith.constant 0 : i32
    return %arg0, %c0_i32 : i32, i32
  }
  func.func @transform_3(%arg0: i32) -> (i32, i32) {
    %c0_i32 = arith.constant 0 : i32
    %c0_i32_0 = arith.constant 0 : i32
    return %arg0, %c0_i32 : i32, i32
  }
  func.func @transform_4(%arg0: i32) -> (i32, i32) {
    %c0_i32 = arith.constant 0 : i32
    %c0_i32_0 = arith.constant 0 : i32
    %c0_i32_1 = arith.constant 0 : i32
    return %c0_i32, %c0_i32_0 : i32, i32
  }
  func.func @transform_5(%arg0: i32) -> (i32, i32) {
    %c0_i32 = arith.constant 0 : i32
    %c0_i32_0 = arith.constant 0 : i32
    %c0_i32_1 = arith.constant 0 : i32
    return %c0_i32, %c0_i32_0 : i32, i32
  }
  func.func @transform_6(%arg0: i32) -> (i32, i32) {
    %c0_i32 = arith.constant 0 : i32
    %c0_i32_0 = arith.constant 0 : i32
    return %arg0, %c0_i32 : i32, i32
  }
  func.func @transform_7(%arg0: i32) -> (i32, i32) {
    %c0_i32 = arith.constant 0 : i32
    %c0_i32_0 = arith.constant 0 : i32
    return %arg0, %c0_i32 : i32, i32
  }
}

</mosaic_0001>

<sc_bundles>
// kernel: kernel.11.cloned.1.call-start
scs
__scs_entry_jumppad:
0x0: {  	(pc) =	sbr.rel $0x88, $3  }
0x1: {  	(tag) =	ssettag $0x0;
	lr =	simm.s32 $0x1  }
0x2: {  	[smem:$0x3F99] =	sst lr;
	_ =	strace $0xD0000000  }
0x3: {  	_ = 	snop  }
0x4: {  	_ = 	snop  }
0x5: {  	_ = 	snop  }
0x6: {  	_ = 	snop  }
0x7: {  	_ = 	snop  }
__scs_overlays_trampoline_lowered:
0x8: {  	[smem:$0x3FA8] =	sst s0  }
0x9: {  	[smem:$0x3FA9] =	sst s1  }
0xa: {  	[smem:$0x3FAA] =	sst s2  }
0xb: {  	[smem:$0x3FAB] =	sst s3  }
0xc: {  	[smem:$0x3FAC] =	sst s4  }
0xd: {  	[smem:$0x3FAD] =	sst s5  }
0xe: {  	[smem:$0x3FAE] =	sst s6  }
0xf: {  	[smem:$0x3FAF] =	sst s7  }
0x10: {  	[smem:$0x3FB0] =	sst s8  }
0x11: {  	[smem:$0x3FB1] =	sst s9;
	s0 =	simm.s32 @!p0 $0x0  }
0x12: {  	s1 =	sld [smem:$0x3F97];
	s0 =	simm.s32 @p0 $0x1  }
0x13: {  	[smem:$0x3FB2] =	sst s0;
	s0 =	simm.s32 @!p1 $0x0  }
0x14: {  	s2 =	sld [smem:$0x3F96];
	s0 =	simm.s32 @p1 $0x1  }
0x15: {  	[smem:$0x3FB3] =	sst s0;
	s0 =	simm.s32 @!p2 $0x0  }
0x16: {  	s3 =	sld [smem:$0x3FDB];
	s0 =	simm.s32 @p2 $0x1  }
0x17: {  	s4 =	simm.s32 $0x1BF5;
	[smem:$0x3FB5] =	sst s0  }
0x18: {  	s0 =	sld [smem:$0x3F98];
	_ =	swait.ge [sflag:s4], $0x0  }
0x19: {  	s7 =	sld [smem:$0x3F99]  }
0x1a: {  	s8 =	sadd.s32 $0xFFFFE003, lr  }
0x1b: {  	s9 =	sadd.s32 $0xFFFFFEF7, lr;
	s5 =	simm.s32 $0xFFFFFFFF;
	p2 =	slt.u32 s8, $0xFFFFF086  }
0x1c: {  	p1 =	slt.u32 s9, $0xF7A;
	s5 =	simm.s32 @!p2 $0x0  }
0x1d: {  	s5 =	simm.s32 @p1 $0x1;
	p0 =	seq.s32 s7, s2  }
0x1e: {  	s7 =	smul.u32 @!p0 $0xF7A, s2;
	p2 =	seq.s32 @!p0 s5, $0x0  }
0x1f: {  	s9 =	smul.u32 $0xF7A, s1;
	s8 =	simm.s32 @!p0 $0x1BF5;
	p2 =	por !p2, p0  }
0x20: {  	[sflag:s8] =	ssyncset.s32 @!p0 $0xFFFFF086;
	s6 =	sadd.s32 @!p0 s3, s7;
	s7 =	simm.s32 @!p0 $0x108  }
0x21: {  	s3 =	sadd.s32 s3, s9;
	s6 =	sadd.s32 @!p0 $0x88, s6;
	s7 =	simm.s32 @p2 $0x1082  }
0x22: {  	[simem:s7], [sflag:s8] =	dma.local @!p0 [hbm:s6], $0xF7A  }
0x23: {  	s9 =	sor.u32 $0xD0000000, s2;
	s6 =	simm.s32 $0x108;
	_ =	swait.ge @!p0 [sflag:s8], $0x0  }
0x24: {  	s3 =	sadd.s32 $0x88, s3;
	s6 =	simm.s32 @!p1 $0x1082;
	[sflag:s4] =	ssyncset.s32 $0xFFFFF086  }
0x25: {  	[simem:s6], [sflag:s4] =	dma.local [hbm:s3], $0xF7A  }
0x26: {  	[smem:$0x3F99] =	sst s1;
	(tag) =	ssettag s2;
	_ =	strace s9  }
0x27: {  	s1 =	sld [smem:$0x3FA9]  }
0x28: {  	s2 =	sld [smem:$0x3FAA]  }
0x29: {  	s4 =	sld [smem:$0x3FAC]  }
0x2a: {  	p0 =	seq.s32 s5, $0x0;
	s5 =	sld [smem:$0x3FAD]  }
0x2b: {  	s6 =	sld [smem:$0x3FAE]  }
0x2c: {  	s7 =	sld [smem:$0x3FAF]  }
0x2d: {  	s3 =	simm.s32 $0x108;
	s8 =	sld [smem:$0x3FB0]  }
0x2e: {  	s3 =	simm.s32 @!p0 $0x1082;
	s9 =	sld [smem:$0x3FB1]  }
0x2f: {  	lr =	sadd.s32 s0, s3;
	s0 =	sld [smem:$0x3FA8]  }
0x30: {  	s3 =	sld [smem:$0x3FAB]  }
0x31: {  	[smem:$0x3FB4] =	sst s10  }
0x32: {  	s10 =	sld [smem:$0x3FB2];
	_ =	sdelay $0x3  }
0x33: {  	p0 =	seq.s32 s10, $0x1;
	s10 =	sld [smem:$0x3FB4];
	_ =	sdelay $0x3  }
0x34: {  	[smem:$0x3FB4] =	sst s10  }
0x35: {  	s10 =	sld [smem:$0x3FB3];
	_ =	sdelay $0x3  }
0x36: {  	p1 =	seq.s32 s10, $0x1;
	s10 =	sld [smem:$0x3FB4];
	_ =	sdelay $0x3  }
0x37: {  	[smem:$0x3FB4] =	sst s10  }
0x38: {  	s10 =	sld [smem:$0x3FB5]  }
0x39: {  	_ = 	snop;
	(pc) =	sbr.ind lr, $3  }
0x3a: {  	_ = 	snop  }
0x3b: {  	_ = 	snop  }
0x3c: {  	p2 =	seq.s32 s10, $0x1;
	s10 =	sld [smem:$0x3FB4]  }
0x3d: {  	_ =	shalt  }
0x3e: {  	_ =	shalt  }
0x3f: {  	_ =	shalt  }
0x40: {  	_ =	shalt  }
0x41: {  	_ =	shalt  }
0x42: {  	_ =	shalt  }
0x43: {  	_ =	shalt  }
0x44: {  	_ =	shalt  }
0x45: {  	_ =	shalt  }
0x46: {  	_ =	shalt  }
0x47: {  	_ =	shalt  }
0x48: {  	_ =	shalt  }
0x49: {  	_ =	shalt  }
0x4a: {  	_ =	shalt  }
0x4b: {  	_ =	shalt  }
0x4c: {  	_ =	shalt  }
0x4d: {  	_ =	shalt  }
0x4e: {  	_ =	shalt  }
0x4f: {  	_ =	shalt  }
0x50: {  	_ =	shalt  }
0x51: {  	_ =	shalt  }
0x52: {  	_ =	shalt  }
0x53: {  	_ =	shalt  }
0x54: {  	_ =	shalt  }
0x55: {  	_ =	shalt  }
0x56: {  	_ =	shalt  }
0x57: {  	_ =	shalt  }
0x58: {  	_ =	shalt  }
0x59: {  	_ =	shalt  }
0x5a: {  	_ =	shalt  }
0x5b: {  	_ =	shalt  }
0x5c: {  	_ =	shalt  }
0x5d: {  	_ =	shalt  }
0x5e: {  	_ =	shalt  }
0x5f: {  	_ =	shalt  }
0x60: {  	_ =	shalt  }
0x61: {  	_ =	shalt  }
0x62: {  	_ =	shalt  }
0x63: {  	_ =	shalt  }
0x64: {  	_ =	shalt  }
0x65: {  	_ =	shalt  }
0x66: {  	_ =	shalt  }
0x67: {  	_ =	shalt  }
0x68: {  	_ =	shalt  }
0x69: {  	_ =	shalt  }
0x6a: {  	_ =	shalt  }
0x6b: {  	_ =	shalt  }
0x6c: {  	_ =	shalt  }
0x6d: {  	_ =	shalt  }
0x6e: {  	_ =	shalt  }
0x6f: {  	_ =	shalt  }
0x70: {  	_ =	shalt  }
0x71: {  	_ =	shalt  }
0x72: {  	_ =	shalt  }
0x73: {  	_ =	shalt  }
0x74: {  	_ =	shalt  }
0x75: {  	_ =	shalt  }
0x76: {  	_ =	shalt  }
0x77: {  	_ =	shalt  }
0x78: {  	_ =	shalt  }
0x79: {  	_ =	shalt  }
0x7a: {  	_ =	shalt  }
0x7b: {  	_ =	shalt  }
0x7c: {  	_ =	shalt  }
0x7d: {  	_ =	shalt  }
0x7e: {  	_ =	shalt  }
0x7f: {  	_ =	shalt  }
0x80: {  	_ =	shalt  }
0x81: {  	_ =	shalt  }
0x82: {  	_ =	shalt  }
0x83: {  	_ =	shalt  }
0x84: {  	_ =	shalt  }
0x85: {  	_ =	shalt  }
0x86: {  	_ =	shalt  }
0x87: {  	_ =	shalt  }
.Lfunc_end0:
.L_simem_size_0:
called_computation.1_lowered:
.L_overlay_start_0:
0x88: {  	s2 =	sld [smem:$0x3FD9]  }
0x89: {  	s3 =	sld [smem:$0x3FFE];
	_ =	sdelay $0x1  }
0x8a: {  	s1 =	srdreg.scid  }
0x8b: {  	s0 =	sand.u32 $0x1, s1  }
0x8c: {  	s14 =	sshll.u32 s0, $0xA;
	s2 =	sadd.s32 s3, s2  }
0x8d: {  	s2 =	sadd.s32 s2, s14  }
0x8e: {  	[smem:$0x3FC0] =	sst s2  }
0x8f: {  	_ = 	snop  }
0x90: {  	s2 =	sld [smem:$0x3FD0];
	_ =	sdelay $0x2  }
0x91: {  	s15 =	simm.s32 $0xA;
	s4 =	simm.s32 $0x10  }
0x92: {  	[smem:s4], [sflag:s15] =	dma.local [hbm:s2], $0x1  }
0x93: {  	_ =	swait.eq [sflag:s15], $0x1  }
0x94: {  	[sflag:s15] =	ssyncset.done $0x0  }
0x95: {  	[sflag:s15] =	ssyncadd.s32 $0xFFFFFFFF  }
0x96: {  	s16 =	sld [smem:$0x10];
	(tm) =	ssettm $0x1  }
0x97: {  	s17 =	sld [smem:$0x3FFB];
	_ =	sdelay $0x3  }
0x98: {  	_ =	strace s17  }
0x99: {  	s3 =	sld [smem:$0x3FFC];
	_ =	sdelay $0x3  }
0x9a: {  	_ =	strace s3  }
0x9b: {  	s3 =	sld [smem:$0x3FFD];
	_ =	sdelay $0x3  }
0x9c: {  	_ =	strace s3  }
0x9d: {  	_ =	strace $0x8FFFFFFF  }
0x9e: {  	s18 =	sld [smem:$0x3FDB];
	_ =	sdelay $0x1  }
0x9f: {  	s19 =	simm.s32 $_scs_section_size  }
0xa0: {  	s5 =	simm.s32 $_size__tile_overlayer_lowered;
	s6 =	simm.s32 $_tile_overlayer_lowered  }
0xa1: {  	s22 =	simm.s32 $0x1BFF;
	s21 =	sshll.u32 s6, $0x1;
	s3 =	sadd.s32 s19, s18  }
0xa2: {  	s7 =	simm.s32 $0x0;
	s20 =	sshll.u32 s5, $0x1;
	s5 =	sadd.s32 s21, s3  }
0xa3: {  	[timem:s7], [sflag:s22] =	dma.local [hbm:s5], s20  }
0xa4: {  	_ =	swait.ge [sflag:s22], s20  }
0xa5: {  	s4 =	ssub.s32 $0x0, s20;
	[sflag:s22] =	ssyncset.done $0x0  }
0xa6: {  	[sflag:s22] =	ssyncadd.s32 s4;
	_ =	sdelay $0x1  }
0xa7: {  	s23 =	simm.s32 $0x1B8B  }
0xa8: {  	_ =	swait.ge [sflag:s23], $0x1  }
0xa9: {  	[sflag:s23] =	ssyncset.done $0x0  }
0xaa: {  	s25 =	simm.s32 $0x1B8E;
	s24 =	sld [smem:$0x3FFE];
	[sflag:s23] =	ssyncadd.s32 $0xFFFFFFFF  }
0xab: {  	s26 =	simm.s32 $execute0_lowered;
	[smem:$0x3FD2] =	sst s25  }
0xac: {  	s5 =	sshll.u32 s26, $0x1;
	_ =	strace $0x80000049;
	[dreg:$0x1] =	wrdreg $0xFFFFFFFF  }
0xad: {  	s28 =	simm.s32 $_size_execute0_lowered;
	s3 =	sadd.s32 s3, s5;
	[dreg:$0x0] =	wrdreg $0x0  }
0xae: {  	s5 =	sshll.u32 s28, $0x1;
	[dreg:$0x2] =	wrdreg s3  }
0xaf: {  	[dreg:$0x3] =	wrdreg s5  }
0xb0: {  	[dreg:$0x4] =	wrdreg $0xC0  }
0xb1: {  	_ =	task [dreg:s7], $0x5FFFF  }
0xb2: {  	[dreg:$0x1] =	wrdreg $0xFFFFFFFF  }
0xb3: {  	[dreg:$0x0] =	wrdreg $0x60  }
0xb4: {  	[dreg:$0x2] =	wrdreg s16  }
0xb5: {  	[dreg:$0x3] =	wrdreg s24  }
0xb6: {  	[dreg:$0x4] =	wrdreg $0x7B000  }
0xb7: {  	[dreg:$0x5] =	wrdreg $0x9  }
0xb8: {  	_ =	task.clear_ibuf [dreg:s7], $0x6FFFF;
	_ =	strace $0x90000049  }
0xb9: {  	s29 =	simm.s32 $0x9;
	_ =	strace $0x8000004B  }
0xba: {  	_ =	swait.ge [sflag:s29], $0x1  }
0xbb: {  	[sflag:s29] =	ssyncadd.s32 $0xFFFFFFFF  }
0xbc: {  	_ =	strace $0x9000004B  }
0xbd: {  	_ =	sfence  }
0xbe: {  	s30 =	sld [smem:$0x0];
	_ =	sdelay $0x2  }
0xbf: {  	s31 =	sshll.u32 s1, $0xD;
	s1 =	sshrl.u32 s1, $0x2  }
0xc0: {  	s3 =	sand.u32 $0x4000, s31;
	s1 =	sadd.s32 s1, s30  }
0xc1: {  	s0 =	sor.u32 s3, s0;
	s1 =	sshll.u32 s1, $0x11  }
0xc2: {  	s0 =	sor.u32 s1, s0  }
0xc3: {  	s0 =	sadd.s32 $0x8F2B, s0  }
0xc4: {  	[sflag:s0] =	ssyncadd.remote.s32 $0x1  }
0xc5: {  	_ =	sfence.sel $0xFFFF  }
0xc6: {  	[dreg:$0x0] =	wrdreg $0xFFFFFFFF;
	(pc) =	sbr.abs _section_cstart, $3  }
0xc7: {  	[dreg:$0x1] =	wrdreg $0xFFFFFFFF  }
0xc8: {  	_ =	task.clear_ibuf [dreg:s7], $0x2FFFF;
	_ =	strace $0x9FFFFFFF  }
0xc9: {  	(tm) =	ssettm $0x7FFFFFFF  }
tec
execute0_lowered:
.L_overlay_start_1:
0x0: {  	(tag) =	ssettag $0x1  }
0x1: {  	s1 =	rddreg [dreg:$0x0]  }
0x2: {  	s0 =	rddreg [dreg:$0x1]  }
0x3: {  	s2 =	rddreg [dreg:$0x2];
	s4 =	simm.s32 $0x0;
	s3 =	srdreg.scid  }
0x4: {  	s12 =	stileid.u32;
	s28 =	simm.s32 $0x300;
	s29 =	simm.s32 $0x2  }
0x5: {  	s30 =	simm.s32 $0x5300;
	s31 =	simm.s32 $0x0;
	[smem:$0x7FF] =	sst s4  }
0x6: {  	s3 =	sand.u32 $0x1, s3;
	s5 =	sadd.s32 $0x3600, s0;
	s8 =	smul.u32 $0x4F000, s12  }
0x7: {  	s6 =	sadd.s32 $0xD400, s0;
	s10 =	sshll.u32 s12, $0x1;
	s11 =	smul.u32 $0x2780, s12  }
0x8: {  	s14 =	smul.u32 $0x4E20, s12;
	_ =	strace $0x8000004A;
	s7 =	ssub.s32 $0x2, s3  }
0x9: {  	s10 =	sor.u32 s3, s10;
	s15 =	smul.u32 $0x2710, s3;
	p0 =	seq.s32 s3, $0x1  }
0xa: {  	s3 =	simm.s32 $0x5C400;
	s9 =	sshrl.u32 s7, $0x1;
	s8 =	sshrl.u32 s8, $0x2  }
0xb: {  	s10 =	smul.u32 $0x2710, s10;
	s26 =	sadd.s32 s6, s11;
	s3 =	simm.s32 @!p0 $0x34C00  }
0xc: {  	s7 =	ssub.s32 s7, s9;
	s8 =	sadd.s32 s8, s2;
	[dreg:$0x9] =	wrdreg s26  }
0xd: {  	s9 =	sshll.u32 s12, $0x6;
	s19 =	sadd.s32 s15, s14;
	s0 =	sadd.s32 s3, s0  }
0xe: {  	[dreg:$0x8] =	wrdreg s8;
	s9 =	sor.u32 $0x1C04, s9;
	s13 =	sshrl.u32 s10, $0x3  }
0xf: {  	s10 =	sadd.s32 $0xA0, s19;
	s7 =	smax.u32 s7, $0x1;
	s22 =	sadd.s32 $0x50, s19  }
0x10: {  	s0 =	sadd.s32 s0, s11;
	s16 =	sadd.s32 s1, s13;
	[dreg:$0xe] =	wrdreg s7  }
0x11: {  	s17 =	sadd.s32 s5, s13;
	s8 =	sadd.s32 $0x4D8, s13;
	[dreg:$0xf] =	wrdreg s0  }
0x12: {  	s20 =	sshrl.u32 s10, $0x3;
	s24 =	sshrl.u32 s22, $0x3;
	[dreg:$0xa] =	wrdreg s16  }
0x13: {  	s22 =	simm.s32 $0x280;
	[dreg:$0xb] =	wrdreg s17;
	s18 =	sadd.s32 s1, s8  }
0x14: {  	s8 =	sadd.s32 s5, s8;
	s21 =	sadd.s32 s20, s5;
	[dreg:$0xc] =	wrdreg s18  }
0x15: {  	s23 =	sadd.s32 s20, s1;
	s25 =	sadd.s32 s24, s5;
	[dreg:$0xd] =	wrdreg s8  }
0x16: {  	s16 =	sadd.s32 $0xF0, s19;
	s26 =	sadd.s32 s24, s1;
	[dreg:$0x4] =	wrdreg s21  }
0x17: {  	s17 =	simm.s32 $0x4;
	s19 =	simm.s32 $0x80;
	[dreg:$0x5] =	wrdreg s23  }
0x18: {  	s20 =	simm.s32 $0x200;
	s24 =	simm.s32 $0x50;
	[dreg:$0x6] =	wrdreg s25  }
0x19: {  	[dreg:$0x7] =	wrdreg s26;
	s18 =	simm.s32 $0x180;
	s21 =	simm.s32 $0x100  }
0x1a: {  	s23 =	simm.s32 $0x3;
	s25 =	simm.s32 $0x2B00;
	s26 =	simm.s32 $0x1  }
.LBB2_1:
0x1b: {  	s0 =	rddreg [dreg:$0x8]  }
0x1c: {  	s3 =	rddreg [dreg:$0x9];
	s0 =	sshrl.u32 s0, $0x3  }
0x1d: {  	[spmem:s0], [sflag:s9] =	dma.local [hbm:s3], $0x2780  }
0x1e: {  	_ =	swait.ge [sflag:s17], $0x2780  }
0x1f: {  	[sflag:s17] =	ssyncset.done $0x0  }
0x20: {  	[sflag:s17] =	ssyncadd.s32 $0xFFFFD880  }
0x21: {  	[bflag:$0x0] =	sbarrier.arrive $0xFFFF  }
0x22: {  	s14 =	rddreg [dreg:$0xa]  }
0x23: {  	[tilespmem:s4], [sflag:$0x4] =	stream.linear.gather [hbm4b:s14+s4], $0x50, $0x38;
	[tilespmem:$0x1B700] =	vst v63  }
0x24: {  	_ =	swait.ge [sflag:s17], $0x50  }
0x25: {  	[sflag:s17] =	ssyncset.done $0x0  }
0x26: {  	s15 =	rddreg [dreg:$0xb];
	[sflag:s17] =	ssyncadd.s32 $0xFFFFFFB0  }
0x27: {  	[tilespmem:s18], [sflag:$0x4] =	stream.linear.gather [hbm4b:s15+s4], $0x50, $0x38;
	[tilespmem:$0x1B700] =	vst v63  }
0x28: {  	p0 =	por $0x1, $0x1;
	_ =	swait.ge [sflag:s17], $0x50  }
0x29: {  	p0 =	por p0, p0;
	[sflag:s17] =	ssyncset.done $0x0  }
0x2a: {  	s3 =	simm.s32 @!p0 $0x2;
	[sflag:s17] =	ssyncadd.s32 $0xFFFFFFB0  }
0x2b: {  	_ =	swait.ge @!p0 [sflag:s3], $0x2800  }
0x2c: {  	s7 =	rddreg [dreg:$0x7]  }
0x2d: {  	[sflag:s3] =	ssyncset.done @!p0 $0x0;
	s8 =	rddreg [dreg:$0x6]  }
0x2e: {  	[sflag:s3] =	ssyncadd.s32 @!p0 $0xFFFFD800;
	s7 =	sadd.s32 $0x0, s7;
	p0 =	por $0x0, $0x0  }
0x2f: {  	[tilespmem:s19], [sflag:$0x3] =	stream.linear.gather [hbm4b:s7+s4], $0x50, $0x38;
	[tilespmem:$0x1B700] =	vst v63  }
0x30: {  	s10 =	sadd.s32 $0x0, s8;
	s3 =	simm.s32 @p0 $0x3  }
0x31: {  	[tilespmem:s20], [sflag:$0x3] =	stream.linear.gather [hbm4b:s10+s4], $0x50, $0x38;
	[tilespmem:$0x1B700] =	vst v63  }
0x32: {  	_ =	swait.ge @p0 [sflag:s3], $0x50  }
0x33: {  	[sflag:s3] =	ssyncset.done @p0 $0x0  }
0x34: {  	[sflag:s3] =	ssyncadd.s32 @p0 $0xFFFFFFB0  }
0x35: {  	_ =	swait.ge @p0 [sflag:s3], $0x50  }
0x36: {  	s7 =	simm.s32 @p0 $0x300;
	s8 =	simm.s32 @p0 $0x50;
	[sflag:s3] =	ssyncset.done @p0 $0x0  }
0x37: {  	s10 =	simm.s32 @p0 $0x0;
	[sflag:s3] =	ssyncadd.s32 @p0 $0xFFFFFFB0;
	s3 =	simm.s32 @p0 $0x1  }
0x38: {  	[tilespmem:s7], [sflag:$0x1] =	stream.indirect.gather @p0 [hbm4b:s6+s8], $0x80, s10, s8, $0xb8;
	[tilespmem:$0x1B700] =	vst v63  }
0x39: {  	_ =	swait.ge @p0 [sflag:s3], $0x2800  }
0x3a: {  	s7 =	simm.s32 @p0 $0x280;
	[sflag:s3] =	ssyncset.done @p0 $0x0  }
0x3b: {  	s10 =	simm.s32 @p0 $0x5300;
	[sflag:s3] =	ssyncadd.s32 @p0 $0xFFFFD800;
	s3 =	simm.s32 @p0 $0x2  }
0x3c: {  	[spmem:s2] =	stream.indirect.scatter.add.f32 @p0 [tilespmem:s10], [sflag:$0x2], $0x80, s7, s8, $0xb8;
	[tilespmem:$0x1B700] =	vst v63  }
0x3d: {  	_ =	swait.ge @p0 [sflag:s3], $0x2800  }
0x3e: {  	s7 =	simm.s32 @!p0 $0x0;
	s8 =	simm.s32 @!p0 $0x300;
	[sflag:s3] =	ssyncset.done @p0 $0x0  }
0x3f: {  	s10 =	simm.s32 @!p0 $0x50;
	s11 =	rddreg [dreg:$0x5];
	[sflag:s3] =	ssyncadd.s32 @p0 $0xFFFFD800  }
0x40: {  	[tilespmem:s8], [sflag:$0x1] =	stream.indirect.gather @!p0 [hbm4b:s6+s10], $0x80, s7, s10, $0xb8;
	[tilespmem:$0x1B700] =	vst v63  }
0x41: {  	s12 =	rddreg [dreg:$0x4];
	s3 =	sadd.s32 $0x0, s11  }
0x42: {  	[tilespmem:s21], [sflag:$0x3] =	stream.linear.gather [hbm4b:s3+s4], $0x50, $0x38;
	[tilespmem:$0x1B700] =	vst v63  }
0x43: {  	s13 =	sadd.s32 $0x0, s12  }
0x44: {  	[tilespmem:s22], [sflag:$0x3] =	stream.linear.gather [hbm4b:s13+s4], $0x50, $0x38;
	[tilespmem:$0x1B700] =	vst v63  }
0x45: {  	_ =	swait.ge [sflag:s23], $0x50  }
0x46: {  	[sflag:s23] =	ssyncset.done $0x0  }
0x47: {  	[sflag:s23] =	ssyncadd.s32 $0xFFFFFFB0  }
0x48: {  	_ =	swait.ge [sflag:s23], $0x50  }
0x49: {  	[sflag:s23] =	ssyncset.done $0x0  }
0x4a: {  	[sflag:s23] =	ssyncadd.s32 $0xFFFFFFB0  }
0x4b: {  	[tilespmem:s25], [sflag:$0x1] =	stream.indirect.gather [hbm4b:s6+s24], $0x80, s19, s24, $0xb8;
	[tilespmem:$0x1B700] =	vst v63  }
0x4c: {  	_ =	swait.ge [sflag:s26], $0x2800  }
0x4d: {  	[sflag:s26] =	ssyncset.done $0x0  }
0x4e: {  	[sflag:s26] =	ssyncadd.s32 $0xFFFFD800  }
0x4f: {  	[spmem:s2] =	stream.indirect.scatter.add.f32 [tilespmem:s28], [sflag:$0x2], $0x80, s18, s24, $0xb8;
	[tilespmem:$0x1B700] =	vst v63  }
0x50: {  	_ =	swait.ge [sflag:s29], $0x2800  }
0x51: {  	s14 =	sshrl.u32 s16, $0x3;
	[sflag:s29] =	ssyncset.done $0x0  }
0x52: {  	s15 =	sadd.s32 s1, s14;
	[sflag:s29] =	ssyncadd.s32 $0xFFFFD800  }
0x53: {  	[tilespmem:s4], [sflag:$0x3] =	stream.linear.gather [hbm4b:s15+s4], $0x50, $0x38;
	[tilespmem:$0x1B700] =	vst v63  }
0x54: {  	s3 =	sadd.s32 s5, s14  }
0x55: {  	[tilespmem:s18], [sflag:$0x3] =	stream.linear.gather [hbm4b:s3+s4], $0x50, $0x38;
	[tilespmem:$0x1B700] =	vst v63  }
0x56: {  	_ =	swait.ge [sflag:s23], $0x50  }
0x57: {  	[sflag:s23] =	ssyncset.done $0x0  }
0x58: {  	[sflag:s23] =	ssyncadd.s32 $0xFFFFFFB0  }
0x59: {  	_ =	swait.ge [sflag:s23], $0x50  }
0x5a: {  	[sflag:s23] =	ssyncset.done $0x0  }
0x5b: {  	p6 =	por $0x0, $0x0;
	s7 =	simm.s32 $0x1E;
	[sflag:s23] =	ssyncadd.s32 $0xFFFFFFB0  }
0x5c: {  	[tilespmem:s30], [sflag:$0x1] =	stream.indirect.gather [hbm4b:s6+s24], $0x80, s21, s24, $0xb8;
	[tilespmem:$0x1B700] =	vst v63  }
0x5d: {  	s8 =	simm.s32 $0x3C;
	p0 =	por p6, p6;
	_ =	swait.ge [sflag:s26], $0x2800  }
0x5e: {  	s11 =	simm.s32 @!p0 $0x2;
	s3 =	sadd.s32 $0xF0, s16;
	[sflag:s26] =	ssyncset.done $0x0  }
.LBB2_2:
0x5f: {  	[sflag:s26] =	ssyncadd.s32 $0xFFFFD800  }
0x60: {  	[spmem:s2] =	stream.indirect.scatter.add.f32 [tilespmem:s25], [sflag:$0x2], $0x80, s20, s24, $0xb8;
	[tilespmem:$0x1B700] =	vst v63  }
0x61: {  	_ =	swait.ge @!p0 [sflag:s11], $0x2800  }
0x62: {  	s12 =	rddreg [dreg:$0x7];
	[sflag:s11] =	ssyncset.done @!p0 $0x0  }
0x63: {  	p2 =	seq.s32 s8, $0x0;
	s13 =	rddreg [dreg:$0x6];
	[sflag:s11] =	ssyncadd.s32 @!p0 $0xFFFFD800  }
0x64: {  	s15 =	sadd.s32 s7, s12;
	p0 =	por p2, p2;
	p2 =	sne.s32 s7, $0x0  }
0x65: {  	[tilespmem:s19], [sflag:$0x3] =	stream.linear.gather [hbm4b:s15+s4], $0x50, $0x38;
	[tilespmem:$0x1B700] =	vst v63  }
0x66: {  	s12 =	sadd.s32 s7, s13;
	s11 =	simm.s32 @p2 $0x3  }
0x67: {  	[tilespmem:s20], [sflag:$0x3] =	stream.linear.gather [hbm4b:s12+s4], $0x50, $0x38;
	[tilespmem:$0x1B700] =	vst v63  }
0x68: {  	_ =	swait.ge @p2 [sflag:s11], $0x50  }
0x69: {  	[sflag:s11] =	ssyncset.done @p2 $0x0  }
0x6a: {  	[sflag:s11] =	ssyncadd.s32 @p2 $0xFFFFFFB0  }
0x6b: {  	_ =	swait.ge @p2 [sflag:s11], $0x50  }
0x6c: {  	s13 =	simm.s32 @p2 $0x50;
	s14 =	simm.s32 @p2 $0x0;
	[sflag:s11] =	ssyncset.done @p2 $0x0  }
0x6d: {  	s12 =	simm.s32 @p2 $0x300;
	[sflag:s11] =	ssyncadd.s32 @p2 $0xFFFFFFB0;
	s11 =	simm.s32 @p2 $0x1  }
0x6e: {  	[tilespmem:s12], [sflag:$0x1] =	stream.indirect.gather @p2 [hbm4b:s6+s13], $0x80, s14, s13, $0xb8;
	[tilespmem:$0x1B700] =	vst v63  }
0x6f: {  	_ =	swait.ge @p2 [sflag:s11], $0x2800  }
0x70: {  	s12 =	simm.s32 @p2 $0x280;
	[sflag:s11] =	ssyncset.done @p2 $0x0  }
0x71: {  	s14 =	simm.s32 @p2 $0x5300;
	[sflag:s11] =	ssyncadd.s32 @p2 $0xFFFFD800;
	s11 =	simm.s32 @p2 $0x2  }
0x72: {  	[spmem:s2] =	stream.indirect.scatter.add.f32 @p2 [tilespmem:s14], [sflag:$0x2], $0x80, s12, s13, $0xb8;
	[tilespmem:$0x1B700] =	vst v63  }
0x73: {  	_ =	swait.ge @p2 [sflag:s11], $0x2800  }
0x74: {  	s12 =	simm.s32 @!p2 $0x0;
	s13 =	simm.s32 @!p2 $0x300;
	[sflag:s11] =	ssyncset.done @p2 $0x0  }
0x75: {  	s14 =	simm.s32 @!p2 $0x50;
	s15 =	rddreg [dreg:$0x5];
	[sflag:s11] =	ssyncadd.s32 @p2 $0xFFFFD800  }
0x76: {  	[tilespmem:s13], [sflag:$0x1] =	stream.indirect.gather @!p2 [hbm4b:s6+s14], $0x80, s12, s14, $0xb8;
	[tilespmem:$0x1B700] =	vst v63  }
0x77: {  	s11 =	rddreg [dreg:$0x4];
	s13 =	sadd.s32 s7, s15  }
0x78: {  	[tilespmem:s21], [sflag:$0x3] =	stream.linear.gather [hbm4b:s13+s4], $0x50, $0x38;
	[tilespmem:$0x1B700] =	vst v63  }
0x79: {  	s11 =	sadd.s32 s7, s11  }
0x7a: {  	[tilespmem:s22], [sflag:$0x3] =	stream.linear.gather [hbm4b:s11+s4], $0x50, $0x38;
	[tilespmem:$0x1B700] =	vst v63  }
0x7b: {  	_ =	swait.ge [sflag:s23], $0x50  }
0x7c: {  	[sflag:s23] =	ssyncset.done $0x0  }
0x7d: {  	[sflag:s23] =	ssyncadd.s32 $0xFFFFFFB0  }
0x7e: {  	_ =	swait.ge [sflag:s23], $0x50  }
0x7f: {  	[sflag:s23] =	ssyncset.done $0x0  }
0x80: {  	[sflag:s23] =	ssyncadd.s32 $0xFFFFFFB0  }
0x81: {  	[tilespmem:s25], [sflag:$0x1] =	stream.indirect.gather [hbm4b:s6+s24], $0x80, s19, s24, $0xb8;
	[tilespmem:$0x1B700] =	vst v63  }
0x82: {  	_ =	swait.ge [sflag:s26], $0x2800  }
0x83: {  	[sflag:s26] =	ssyncset.done $0x0  }
0x84: {  	[sflag:s26] =	ssyncadd.s32 $0xFFFFD800  }
0x85: {  	[spmem:s2] =	stream.indirect.scatter.add.f32 [tilespmem:s28], [sflag:$0x2], $0x80, s18, s24, $0xb8;
	[tilespmem:$0x1B700] =	vst v63  }
0x86: {  	_ =	swait.ge [sflag:s29], $0x2800  }
0x87: {  	s14 =	sshrl.u32 s3, $0x3;
	[sflag:s29] =	ssyncset.done $0x0  }
0x88: {  	s10 =	smov.u32 s8;
	s15 =	sadd.s32 s1, s14;
	[sflag:s29] =	ssyncadd.s32 $0xFFFFD800  }
0x89: {  	[tilespmem:s4], [sflag:$0x3] =	stream.linear.gather [hbm4b:s15+s4], $0x50, $0x38;
	[tilespmem:$0x1B700] =	vst v63  }
0x8a: {  	s7 =	smov.u32 s10;
	s10 =	sadd.s32 s5, s14  }
0x8b: {  	[tilespmem:s18], [sflag:$0x3] =	stream.linear.gather [hbm4b:s10+s4], $0x50, $0x38;
	[tilespmem:$0x1B700] =	vst v63  }
0x8c: {  	_ =	swait.ge [sflag:s23], $0x50  }
0x8d: {  	[sflag:s23] =	ssyncset.done $0x0  }
0x8e: {  	s8 =	sadd.s32 $0x1E, s8;
	[sflag:s23] =	ssyncadd.s32 $0xFFFFFFB0  }
0x8f: {  	p1 =	sne.s32 s8, $0x4CE;
	_ =	swait.ge [sflag:s23], $0x50  }
.Ltmp0:
0x90: {  	[sflag:s23] =	ssyncset.done $0x0;
	(pc) =	sbr.rel @p1 .LBB2_2-.Ltmp0, $4  }
0x91: {  	[sflag:s23] =	ssyncadd.s32 $0xFFFFFFB0  }
0x92: {  	[tilespmem:s30], [sflag:$0x1] =	stream.indirect.gather [hbm4b:s6+s24], $0x80, s21, s24, $0xb8;
	[tilespmem:$0x1B700] =	vst v63  }
0x93: {  	_ =	swait.ge [sflag:s26], $0x2800  }
0x94: {  	s3 =	sadd.s32 $0xF0, s3;
	s11 =	simm.s32 @!p0 $0x2;
	[sflag:s26] =	ssyncset.done $0x0  }
0x95: {  	[sflag:s26] =	ssyncadd.s32 $0xFFFFD800  }
0x96: {  	[spmem:s2] =	stream.indirect.scatter.add.f32 [tilespmem:s25], [sflag:$0x2], $0x80, s20, s24, $0xb8;
	[tilespmem:$0x1B700] =	vst v63  }
0x97: {  	_ =	swait.ge @!p0 [sflag:s11], $0x2800  }
0x98: {  	s8 =	rddreg [dreg:$0x7]  }
0x99: {  	[sflag:s11] =	ssyncset.done @!p0 $0x0;
	s10 =	rddreg [dreg:$0x6]  }
0x9a: {  	[sflag:s11] =	ssyncadd.s32 @!p0 $0xFFFFD800;
	s8 =	sadd.s32 s7, s8;
	p0 =	sne.s32 s7, $0x0  }
0x9b: {  	[tilespmem:s19], [sflag:$0x3] =	stream.linear.gather [hbm4b:s8+s4], $0x50, $0x38;
	[tilespmem:$0x1B700] =	vst v63  }
0x9c: {  	s13 =	sadd.s32 s7, s10;
	s8 =	simm.s32 @p0 $0x3  }
0x9d: {  	[tilespmem:s20], [sflag:$0x3] =	stream.linear.gather [hbm4b:s13+s4], $0x50, $0x38;
	[tilespmem:$0x1B700] =	vst v63  }
0x9e: {  	_ =	swait.ge @p0 [sflag:s8], $0x50  }
0x9f: {  	[sflag:s8] =	ssyncset.done @p0 $0x0  }
0xa0: {  	[sflag:s8] =	ssyncadd.s32 @p0 $0xFFFFFFB0  }
0xa1: {  	_ =	swait.ge @p0 [sflag:s8], $0x50  }
0xa2: {  	s10 =	simm.s32 @p0 $0x300;
	s11 =	simm.s32 @p0 $0x50;
	[sflag:s8] =	ssyncset.done @p0 $0x0  }
0xa3: {  	s12 =	simm.s32 @p0 $0x0;
	[sflag:s8] =	ssyncadd.s32 @p0 $0xFFFFFFB0;
	s8 =	simm.s32 @p0 $0x1  }
0xa4: {  	[tilespmem:s10], [sflag:$0x1] =	stream.indirect.gather @p0 [hbm4b:s6+s11], $0x80, s12, s11, $0xb8;
	[tilespmem:$0x1B700] =	vst v63  }
0xa5: {  	_ =	swait.ge @p0 [sflag:s8], $0x2800  }
0xa6: {  	s10 =	simm.s32 @p0 $0x280;
	[sflag:s8] =	ssyncset.done @p0 $0x0  }
0xa7: {  	s12 =	simm.s32 @p0 $0x5300;
	[sflag:s8] =	ssyncadd.s32 @p0 $0xFFFFD800;
	s8 =	simm.s32 @p0 $0x2  }
0xa8: {  	[spmem:s2] =	stream.indirect.scatter.add.f32 @p0 [tilespmem:s12], [sflag:$0x2], $0x80, s10, s11, $0xb8;
	[tilespmem:$0x1B700] =	vst v63  }
0xa9: {  	_ =	swait.ge @p0 [sflag:s8], $0x2800  }
0xaa: {  	s10 =	simm.s32 @!p0 $0x0;
	s11 =	simm.s32 @!p0 $0x300;
	[sflag:s8] =	ssyncset.done @p0 $0x0  }
0xab: {  	s12 =	simm.s32 @!p0 $0x50;
	s14 =	rddreg [dreg:$0x5];
	[sflag:s8] =	ssyncadd.s32 @p0 $0xFFFFD800  }
0xac: {  	[tilespmem:s11], [sflag:$0x1] =	stream.indirect.gather @!p0 [hbm4b:s6+s12], $0x80, s10, s12, $0xb8;
	[tilespmem:$0x1B700] =	vst v63  }
0xad: {  	s15 =	rddreg [dreg:$0x4];
	s8 =	sadd.s32 s7, s14  }
0xae: {  	[tilespmem:s21], [sflag:$0x3] =	stream.linear.gather [hbm4b:s8+s4], $0x50, $0x38;
	[tilespmem:$0x1B700] =	vst v63  }
0xaf: {  	s10 =	sadd.s32 s7, s15  }
0xb0: {  	[tilespmem:s22], [sflag:$0x3] =	stream.linear.gather [hbm4b:s10+s4], $0x50, $0x38;
	[tilespmem:$0x1B700] =	vst v63  }
0xb1: {  	_ =	swait.ge [sflag:s23], $0x50  }
0xb2: {  	[sflag:s23] =	ssyncset.done $0x0  }
0xb3: {  	[sflag:s23] =	ssyncadd.s32 $0xFFFFFFB0  }
0xb4: {  	_ =	swait.ge [sflag:s23], $0x50  }
0xb5: {  	[sflag:s23] =	ssyncset.done $0x0  }
0xb6: {  	[sflag:s23] =	ssyncadd.s32 $0xFFFFFFB0  }
0xb7: {  	[tilespmem:s25], [sflag:$0x1] =	stream.indirect.gather [hbm4b:s6+s24], $0x80, s19, s24, $0xb8;
	[tilespmem:$0x1B700] =	vst v63  }
0xb8: {  	_ =	swait.ge [sflag:s26], $0x2800  }
0xb9: {  	[sflag:s26] =	ssyncset.done $0x0  }
0xba: {  	[sflag:s26] =	ssyncadd.s32 $0xFFFFD800  }
0xbb: {  	[spmem:s2] =	stream.indirect.scatter.add.f32 [tilespmem:s28], [sflag:$0x2], $0x80, s18, s24, $0xb8;
	[tilespmem:$0x1B700] =	vst v63  }
0xbc: {  	_ =	swait.ge [sflag:s29], $0x2800  }
0xbd: {  	s3 =	sshrl.u32 s3, $0x3;
	[sflag:s29] =	ssyncset.done $0x0  }
0xbe: {  	s11 =	sadd.s32 s1, s3;
	[sflag:s29] =	ssyncadd.s32 $0xFFFFD800  }
0xbf: {  	[tilespmem:s4], [sflag:$0x3] =	stream.linear.gather [hbm4b:s11+s4], $0x50, $0x38;
	[tilespmem:$0x1B700] =	vst v63  }
0xc0: {  	s3 =	sadd.s32 s5, s3  }
0xc1: {  	[tilespmem:s18], [sflag:$0x3] =	stream.linear.gather [hbm4b:s3+s4], $0x50, $0x38;
	[tilespmem:$0x1B700] =	vst v63  }
0xc2: {  	_ =	swait.ge [sflag:s23], $0x50  }
0xc3: {  	[sflag:s23] =	ssyncset.done $0x0  }
0xc4: {  	[sflag:s23] =	ssyncadd.s32 $0xFFFFFFB0  }
0xc5: {  	_ =	swait.ge [sflag:s23], $0x50  }
0xc6: {  	[sflag:s23] =	ssyncset.done $0x0  }
0xc7: {  	[sflag:s23] =	ssyncadd.s32 $0xFFFFFFB0  }
0xc8: {  	[tilespmem:s30], [sflag:$0x1] =	stream.indirect.gather [hbm4b:s6+s24], $0x80, s21, s24, $0xb8;
	[tilespmem:$0x1B700] =	vst v63  }
0xc9: {  	_ =	swait.ge [sflag:s26], $0x2800  }
0xca: {  	[sflag:s26] =	ssyncset.done $0x0  }
0xcb: {  	[sflag:s26] =	ssyncadd.s32 $0xFFFFD800  }
0xcc: {  	[spmem:s2] =	stream.indirect.scatter.add.f32 [tilespmem:s25], [sflag:$0x2], $0x80, s20, s24, $0xb8;
	[tilespmem:$0x1B700] =	vst v63  }
0xcd: {  	_ =	swait.ge [sflag:s29], $0x2800  }
0xce: {  	[sflag:s29] =	ssyncset.done $0x0  }
0xcf: {  	s12 =	rddreg [dreg:$0xc];
	[sflag:s29] =	ssyncadd.s32 $0xFFFFD800  }
0xd0: {  	[tilespmem:s19], [sflag:$0x3] =	stream.linear.gather [hbm4b:s12+s4], $0x50, $0x38;
	[tilespmem:$0x1B700] =	vst v63  }
0xd1: {  	s13 =	rddreg [dreg:$0xd]  }
0xd2: {  	[tilespmem:s20], [sflag:$0x3] =	stream.linear.gather [hbm4b:s13+s4], $0x50, $0x38;
	[tilespmem:$0x1B700] =	vst v63  }
0xd3: {  	_ =	swait.ge [sflag:s23], $0x50  }
0xd4: {  	[sflag:s23] =	ssyncset.done $0x0  }
0xd5: {  	[sflag:s23] =	ssyncadd.s32 $0xFFFFFFB0  }
0xd6: {  	_ =	swait.ge [sflag:s23], $0x50  }
0xd7: {  	[sflag:s23] =	ssyncset.done $0x0  }
0xd8: {  	[sflag:s23] =	ssyncadd.s32 $0xFFFFFFB0  }
0xd9: {  	[tilespmem:s28], [sflag:$0x1] =	stream.indirect.gather [hbm4b:s6+s24], $0x80, s4, s24, $0xb8;
	[tilespmem:$0x1B700] =	vst v63  }
0xda: {  	_ =	swait.ge [sflag:s26], $0x2800  }
0xdb: {  	[sflag:s26] =	ssyncset.done $0x0  }
0xdc: {  	[sflag:s26] =	ssyncadd.s32 $0xFFFFD800  }
0xdd: {  	[spmem:s2] =	stream.indirect.scatter.add.f32 [tilespmem:s30], [sflag:$0x2], $0x80, s22, s24, $0xb8;
	[tilespmem:$0x1B700] =	vst v63  }
0xde: {  	_ =	swait.ge [sflag:s29], $0x2800  }
0xdf: {  	[sflag:s29] =	ssyncset.done $0x0  }
0xe0: {  	[sflag:s29] =	ssyncadd.s32 $0xFFFFD800  }
0xe1: {  	_ =	swait.ge [sflag:s23], $0x50  }
0xe2: {  	[sflag:s23] =	ssyncset.done $0x0  }
0xe3: {  	[sflag:s23] =	ssyncadd.s32 $0xFFFFFFB0  }
0xe4: {  	_ =	swait.ge [sflag:s23], $0x50  }
0xe5: {  	[sflag:s23] =	ssyncset.done $0x0  }
0xe6: {  	[sflag:s23] =	ssyncadd.s32 $0xFFFFFFB0  }
0xe7: {  	[tilespmem:s25], [sflag:$0x1] =	stream.indirect.gather [hbm4b:s6+s24], $0x80, s19, s24, $0xb8;
	[tilespmem:$0x1B700] =	vst v63  }
0xe8: {  	_ =	swait.ge [sflag:s26], $0x2800  }
0xe9: {  	[sflag:s26] =	ssyncset.done $0x0  }
0xea: {  	[sflag:s26] =	ssyncadd.s32 $0xFFFFD800  }
0xeb: {  	[spmem:s2] =	stream.indirect.scatter.add.f32 [tilespmem:s28], [sflag:$0x2], $0x80, s18, s24, $0xb8;
	[tilespmem:$0x1B700] =	vst v63  }
0xec: {  	_ =	swait.ge [sflag:s26], $0x2800  }
0xed: {  	[sflag:s26] =	ssyncset.done $0x0  }
0xee: {  	[sflag:s26] =	ssyncadd.s32 $0xFFFFD800  }
0xef: {  	[spmem:s2] =	stream.indirect.scatter.add.f32 [tilespmem:s25], [sflag:$0x2], $0x80, s20, s24, $0xb8;
	[tilespmem:$0x1B700] =	vst v63  }
0xf0: {  	_ =	swait.ge [sflag:s29], $0x2800  }
0xf1: {  	[sflag:s29] =	ssyncset.done $0x0  }
0xf2: {  	[sflag:s29] =	ssyncadd.s32 $0xFFFFD800  }
0xf3: {  	_ =	swait.ge [sflag:s29], $0x2800  }
0xf4: {  	[sflag:s29] =	ssyncset.done $0x0  }
0xf5: {  	[sflag:s29] =	ssyncadd.s32 $0xFFFFD800  }
0xf6: {  	[bflag:$0x0] =	sbarrier.arrive $0xFFFF  }
0xf7: {  	s14 =	rddreg [dreg:$0xf]  }
0xf8: {  	[hbm:s14], [sflag:s9] =	dma.local [spmem:s0], $0x2780  }
0xf9: {  	_ =	swait.ge [sflag:s17], $0x2780  }
0xfa: {  	s31 =	sadd.s32 $0x1, s31;
	s15 =	rddreg [dreg:$0xe]  }
0xfb: {  	p0 =	sne.s32 s31, s15  }
.Ltmp1:
0xfc: {  	_ = 	snop;
	(pc) =	sbr.rel @p0 .LBB2_1-.Ltmp1, $3  }
0xfd: {  	_ =	sdelay $0x1  }
0xfe: {  	[sflag:s17] =	ssyncset.done $0x0  }
0xff: {  	[sflag:s17] =	ssyncadd.s32 $0xFFFFD880  }
0x100: {  	_ =	sfence.sel $0x180000  }
0x101: {  	[bflag:$0x0] =	sbarrier.arrive $0xFFFF  }
0x102: {  	_ =	strace $0x9000004A  }
0x103: {  	s0 =	stileid.u32;
	[bflag:$0x2] =	sbarrier.arrive $0xFFFF  }
0x104: {  	p0 =	sne.s32 s0, $0x0;
	s0 =	rddreg [dreg:$0x3]  }
0x105: {  	s0 =	sadd.s32 @!p0 $0x100000, s0  }
0x106: {  	[sflag:s0] =	ssyncadd.tile.s32 @!p0 $0x1;
	_ =	shalt  }
.Lfunc_end2:
_tile_overlayer_lowered:
.L_overlay_start_2:
0x107: {  	(tag) =	ssettag $0x2  }
0x108: {  	s0 =	rddreg [dreg:$0x0];
	s2 =	stileid.u32  }
0x109: {  	s1 =	rddreg [dreg:$0x1];
	p0 =	sne.s32 s2, $0x0  }
0x10a: {  	s3 =	rddreg [dreg:$0x2];
	[bflag:$0x3] =	sbarrier.arrive $0xFFFF;
	s2 =	simm.s32 @!p0 $0x1C04  }
0x10b: {  	[timem:s3], [sflag:s2] =	dma.local @!p0 [hbm:s0], s1  }
0x10c: {  	s0 =	simm.s32 @!p0 $0x4  }
0x10d: {  	_ =	swait.ge @!p0 [sflag:s0], s1  }
0x10e: {  	s1 =	ssub.s32 @!p0 $0x0, s1;
	[sflag:s0] =	ssyncset.done @!p0 $0x0  }
0x10f: {  	[sflag:s0] =	ssyncadd.s32 @!p0 s1  }
0x110: {  	[bflag:$0x3] =	sbarrier.arrive $0xFFFF  }
0x111: {  	_ =	shalt  }

// kernel: kernel.14.cloned.1.call-start
scs
__scs_entry_jumppad:
0x0: {  	(pc) =	sbr.rel $0x88, $3  }
0x1: {  	(tag) =	ssettag $0x0;
	lr =	simm.s32 $0x1  }
0x2: {  	[smem:$0x3F99] =	sst lr;
	_ =	strace $0xD0000000  }
0x3: {  	_ = 	snop  }
0x4: {  	_ = 	snop  }
0x5: {  	_ = 	snop  }
0x6: {  	_ = 	snop  }
0x7: {  	_ = 	snop  }
__scs_overlays_trampoline_lowered:
0x8: {  	[smem:$0x3FA8] =	sst s0  }
0x9: {  	[smem:$0x3FA9] =	sst s1  }
0xa: {  	[smem:$0x3FAA] =	sst s2  }
0xb: {  	[smem:$0x3FAB] =	sst s3  }
0xc: {  	[smem:$0x3FAC] =	sst s4  }
0xd: {  	[smem:$0x3FAD] =	sst s5  }
0xe: {  	[smem:$0x3FAE] =	sst s6  }
0xf: {  	[smem:$0x3FAF] =	sst s7  }
0x10: {  	[smem:$0x3FB0] =	sst s8  }
0x11: {  	[smem:$0x3FB1] =	sst s9;
	s0 =	simm.s32 @!p0 $0x0  }
0x12: {  	s1 =	sld [smem:$0x3F97];
	s0 =	simm.s32 @p0 $0x1  }
0x13: {  	[smem:$0x3FB2] =	sst s0;
	s0 =	simm.s32 @!p1 $0x0  }
0x14: {  	s2 =	sld [smem:$0x3F96];
	s0 =	simm.s32 @p1 $0x1  }
0x15: {  	[smem:$0x3FB3] =	sst s0;
	s0 =	simm.s32 @!p2 $0x0  }
0x16: {  	s3 =	sld [smem:$0x3FDB];
	s0 =	simm.s32 @p2 $0x1  }
0x17: {  	s4 =	simm.s32 $0x1BF5;
	[smem:$0x3FB5] =	sst s0  }
0x18: {  	s0 =	sld [smem:$0x3F98];
	_ =	swait.ge [sflag:s4], $0x0  }
0x19: {  	s7 =	sld [smem:$0x3F99]  }
0x1a: {  	s8 =	sadd.s32 $0xFFFFE003, lr  }
0x1b: {  	s9 =	sadd.s32 $0xFFFFFEF7, lr;
	s5 =	simm.s32 $0xFFFFFFFF;
	p2 =	slt.u32 s8, $0xFFFFF086  }
0x1c: {  	p1 =	slt.u32 s9, $0xF7A;
	s5 =	simm.s32 @!p2 $0x0  }
0x1d: {  	s5 =	simm.s32 @p1 $0x1;
	p0 =	seq.s32 s7, s2  }
0x1e: {  	s7 =	smul.u32 @!p0 $0xF7A, s2;
	p2 =	seq.s32 @!p0 s5, $0x0  }
0x1f: {  	s9 =	smul.u32 $0xF7A, s1;
	s8 =	simm.s32 @!p0 $0x1BF5;
	p2 =	por !p2, p0  }
0x20: {  	[sflag:s8] =	ssyncset.s32 @!p0 $0xFFFFF086;
	s6 =	sadd.s32 @!p0 s3, s7;
	s7 =	simm.s32 @!p0 $0x108  }
0x21: {  	s3 =	sadd.s32 s3, s9;
	s6 =	sadd.s32 @!p0 $0x88, s6;
	s7 =	simm.s32 @p2 $0x1082  }
0x22: {  	[simem:s7], [sflag:s8] =	dma.local @!p0 [hbm:s6], $0xF7A  }
0x23: {  	s9 =	sor.u32 $0xD0000000, s2;
	s6 =	simm.s32 $0x108;
	_ =	swait.ge @!p0 [sflag:s8], $0x0  }
0x24: {  	s3 =	sadd.s32 $0x88, s3;
	s6 =	simm.s32 @!p1 $0x1082;
	[sflag:s4] =	ssyncset.s32 $0xFFFFF086  }
0x25: {  	[simem:s6], [sflag:s4] =	dma.local [hbm:s3], $0xF7A  }
0x26: {  	[smem:$0x3F99] =	sst s1;
	(tag) =	ssettag s2;
	_ =	strace s9  }
0x27: {  	s1 =	sld [smem:$0x3FA9]  }
0x28: {  	s2 =	sld [smem:$0x3FAA]  }
0x29: {  	s4 =	sld [smem:$0x3FAC]  }
0x2a: {  	p0 =	seq.s32 s5, $0x0;
	s5 =	sld [smem:$0x3FAD]  }
0x2b: {  	s6 =	sld [smem:$0x3FAE]  }
0x2c: {  	s7 =	sld [smem:$0x3FAF]  }
0x2d: {  	s3 =	simm.s32 $0x108;
	s8 =	sld [smem:$0x3FB0]  }
0x2e: {  	s3 =	simm.s32 @!p0 $0x1082;
	s9 =	sld [smem:$0x3FB1]  }
0x2f: {  	lr =	sadd.s32 s0, s3;
	s0 =	sld [smem:$0x3FA8]  }
0x30: {  	s3 =	sld [smem:$0x3FAB]  }
0x31: {  	[smem:$0x3FB4] =	sst s10  }
0x32: {  	s10 =	sld [smem:$0x3FB2];
	_ =	sdelay $0x3  }
0x33: {  	p0 =	seq.s32 s10, $0x1;
	s10 =	sld [smem:$0x3FB4];
	_ =	sdelay $0x3  }
0x34: {  	[smem:$0x3FB4] =	sst s10  }
0x35: {  	s10 =	sld [smem:$0x3FB3];
	_ =	sdelay $0x3  }
0x36: {  	p1 =	seq.s32 s10, $0x1;
	s10 =	sld [smem:$0x3FB4];
	_ =	sdelay $0x3  }
0x37: {  	[smem:$0x3FB4] =	sst s10  }
0x38: {  	s10 =	sld [smem:$0x3FB5]  }
0x39: {  	_ = 	snop;
	(pc) =	sbr.ind lr, $3  }
0x3a: {  	_ = 	snop  }
0x3b: {  	_ = 	snop  }
0x3c: {  	p2 =	seq.s32 s10, $0x1;
	s10 =	sld [smem:$0x3FB4]  }
0x3d: {  	_ =	shalt  }
0x3e: {  	_ =	shalt  }
0x3f: {  	_ =	shalt  }
0x40: {  	_ =	shalt  }
0x41: {  	_ =	shalt  }
0x42: {  	_ =	shalt  }
0x43: {  	_ =	shalt  }
0x44: {  	_ =	shalt  }
0x45: {  	_ =	shalt  }
0x46: {  	_ =	shalt  }
0x47: {  	_ =	shalt  }
0x48: {  	_ =	shalt  }
0x49: {  	_ =	shalt  }
0x4a: {  	_ =	shalt  }
0x4b: {  	_ =	shalt  }
0x4c: {  	_ =	shalt  }
0x4d: {  	_ =	shalt  }
0x4e: {  	_ =	shalt  }
0x4f: {  	_ =	shalt  }
0x50: {  	_ =	shalt  }
0x51: {  	_ =	shalt  }
0x52: {  	_ =	shalt  }
0x53: {  	_ =	shalt  }
0x54: {  	_ =	shalt  }
0x55: {  	_ =	shalt  }
0x56: {  	_ =	shalt  }
0x57: {  	_ =	shalt  }
0x58: {  	_ =	shalt  }
0x59: {  	_ =	shalt  }
0x5a: {  	_ =	shalt  }
0x5b: {  	_ =	shalt  }
0x5c: {  	_ =	shalt  }
0x5d: {  	_ =	shalt  }
0x5e: {  	_ =	shalt  }
0x5f: {  	_ =	shalt  }
0x60: {  	_ =	shalt  }
0x61: {  	_ =	shalt  }
0x62: {  	_ =	shalt  }
0x63: {  	_ =	shalt  }
0x64: {  	_ =	shalt  }
0x65: {  	_ =	shalt  }
0x66: {  	_ =	shalt  }
0x67: {  	_ =	shalt  }
0x68: {  	_ =	shalt  }
0x69: {  	_ =	shalt  }
0x6a: {  	_ =	shalt  }
0x6b: {  	_ =	shalt  }
0x6c: {  	_ =	shalt  }
0x6d: {  	_ =	shalt  }
0x6e: {  	_ =	shalt  }
0x6f: {  	_ =	shalt  }
0x70: {  	_ =	shalt  }
0x71: {  	_ =	shalt  }
0x72: {  	_ =	shalt  }
0x73: {  	_ =	shalt  }
0x74: {  	_ =	shalt  }
0x75: {  	_ =	shalt  }
0x76: {  	_ =	shalt  }
0x77: {  	_ =	shalt  }
0x78: {  	_ =	shalt  }
0x79: {  	_ =	shalt  }
0x7a: {  	_ =	shalt  }
0x7b: {  	_ =	shalt  }
0x7c: {  	_ =	shalt  }
0x7d: {  	_ =	shalt  }
0x7e: {  	_ =	shalt  }
0x7f: {  	_ =	shalt  }
0x80: {  	_ =	shalt  }
0x81: {  	_ =	shalt  }
0x82: {  	_ =	shalt  }
0x83: {  	_ =	shalt  }
0x84: {  	_ =	shalt  }
0x85: {  	_ =	shalt  }
0x86: {  	_ =	shalt  }
0x87: {  	_ =	shalt  }
.Lfunc_end0:
.L_simem_size_0:
called_computation.2_lowered:
.L_overlay_start_0:
0x88: {  	s2 =	sld [smem:$0x3FD9]  }
0x89: {  	s3 =	sld [smem:$0x3FFE];
	_ =	sdelay $0x1  }
0x8a: {  	s1 =	srdreg.scid  }
0x8b: {  	s0 =	sand.u32 $0x1, s1  }
0x8c: {  	s14 =	sshll.u32 s0, $0xA;
	s2 =	sadd.s32 s3, s2  }
0x8d: {  	s2 =	sadd.s32 s2, s14  }
0x8e: {  	[smem:$0x3FC0] =	sst s2  }
0x8f: {  	_ = 	snop  }
0x90: {  	s2 =	sld [smem:$0x3FD0];
	_ =	sdelay $0x2  }
0x91: {  	s15 =	simm.s32 $0xA;
	s4 =	simm.s32 $0x10  }
0x92: {  	[smem:s4], [sflag:s15] =	dma.local [hbm:s2], $0x1  }
0x93: {  	_ =	swait.eq [sflag:s15], $0x1  }
0x94: {  	[sflag:s15] =	ssyncset.done $0x0  }
0x95: {  	[sflag:s15] =	ssyncadd.s32 $0xFFFFFFFF  }
0x96: {  	s16 =	sld [smem:$0x10];
	(tm) =	ssettm $0x1  }
0x97: {  	s17 =	sld [smem:$0x3FFB];
	_ =	sdelay $0x3  }
0x98: {  	_ =	strace s17  }
0x99: {  	s3 =	sld [smem:$0x3FFC];
	_ =	sdelay $0x3  }
0x9a: {  	_ =	strace s3  }
0x9b: {  	s3 =	sld [smem:$0x3FFD];
	_ =	sdelay $0x3  }
0x9c: {  	_ =	strace s3  }
0x9d: {  	_ =	strace $0x8FFFFFFF  }
0x9e: {  	s18 =	sld [smem:$0x3FDB];
	_ =	sdelay $0x1  }
0x9f: {  	s19 =	simm.s32 $_scs_section_size  }
0xa0: {  	s5 =	simm.s32 $_size__tile_overlayer_lowered;
	s6 =	simm.s32 $_tile_overlayer_lowered  }
0xa1: {  	s22 =	simm.s32 $0x1BFF;
	s21 =	sshll.u32 s6, $0x1;
	s3 =	sadd.s32 s19, s18  }
0xa2: {  	s7 =	simm.s32 $0x0;
	s20 =	sshll.u32 s5, $0x1;
	s5 =	sadd.s32 s21, s3  }
0xa3: {  	[timem:s7], [sflag:s22] =	dma.local [hbm:s5], s20  }
0xa4: {  	_ =	swait.ge [sflag:s22], s20  }
0xa5: {  	s4 =	ssub.s32 $0x0, s20;
	[sflag:s22] =	ssyncset.done $0x0  }
0xa6: {  	[sflag:s22] =	ssyncadd.s32 s4;
	_ =	sdelay $0x1  }
0xa7: {  	s23 =	simm.s32 $0x1B8B  }
0xa8: {  	_ =	swait.ge [sflag:s23], $0x1  }
0xa9: {  	[sflag:s23] =	ssyncset.done $0x0  }
0xaa: {  	s25 =	simm.s32 $0x1B8E;
	s24 =	sld [smem:$0x3FFE];
	[sflag:s23] =	ssyncadd.s32 $0xFFFFFFFF  }
0xab: {  	s26 =	simm.s32 $execute0_lowered;
	[smem:$0x3FD2] =	sst s25  }
0xac: {  	s5 =	sshll.u32 s26, $0x1;
	_ =	strace $0x8000004C;
	[dreg:$0x1] =	wrdreg $0xFFFFFFFF  }
0xad: {  	s28 =	simm.s32 $_size_execute0_lowered;
	s3 =	sadd.s32 s3, s5;
	[dreg:$0x0] =	wrdreg $0x0  }
0xae: {  	s5 =	sshll.u32 s28, $0x1;
	[dreg:$0x2] =	wrdreg s3  }
0xaf: {  	[dreg:$0x3] =	wrdreg s5  }
0xb0: {  	[dreg:$0x4] =	wrdreg $0xC0  }
0xb1: {  	_ =	task [dreg:s7], $0x5FFFF  }
0xb2: {  	[dreg:$0x1] =	wrdreg $0xFFFFFFFF  }
0xb3: {  	[dreg:$0x0] =	wrdreg $0x60  }
0xb4: {  	[dreg:$0x2] =	wrdreg s16  }
0xb5: {  	[dreg:$0x3] =	wrdreg s24  }
0xb6: {  	[dreg:$0x4] =	wrdreg $0x7B000  }
0xb7: {  	[dreg:$0x5] =	wrdreg $0x9  }
0xb8: {  	_ =	task.clear_ibuf [dreg:s7], $0x6FFFF;
	_ =	strace $0x9000004C  }
0xb9: {  	s29 =	simm.s32 $0x9;
	_ =	strace $0x8000004E  }
0xba: {  	_ =	swait.ge [sflag:s29], $0x1  }
0xbb: {  	[sflag:s29] =	ssyncadd.s32 $0xFFFFFFFF  }
0xbc: {  	_ =	strace $0x9000004E  }
0xbd: {  	_ =	sfence  }
0xbe: {  	s30 =	sld [smem:$0x0];
	_ =	sdelay $0x2  }
0xbf: {  	s31 =	sshll.u32 s1, $0xD;
	s1 =	sshrl.u32 s1, $0x2  }
0xc0: {  	s3 =	sand.u32 $0x4000, s31;
	s1 =	sadd.s32 s1, s30  }
0xc1: {  	s0 =	sor.u32 s3, s0;
	s1 =	sshll.u32 s1, $0x11  }
0xc2: {  	s0 =	sor.u32 s1, s0  }
0xc3: {  	s0 =	sadd.s32 $0x8F2B, s0  }
0xc4: {  	[sflag:s0] =	ssyncadd.remote.s32 $0x1  }
0xc5: {  	_ =	sfence.sel $0xFFFF  }
0xc6: {  	[dreg:$0x0] =	wrdreg $0xFFFFFFFF;
	(pc) =	sbr.abs _section_cstart, $3  }
0xc7: {  	[dreg:$0x1] =	wrdreg $0xFFFFFFFF  }
0xc8: {  	_ =	task.clear_ibuf [dreg:s7], $0x2FFFF;
	_ =	strace $0x9FFFFFFF  }
0xc9: {  	(tm) =	ssettm $0x7FFFFFFF  }
tec
execute0_lowered:
.L_overlay_start_1:
0x0: {  	(tag) =	ssettag $0x1  }
0x1: {  	s1 =	rddreg [dreg:$0x0]  }
0x2: {  	s0 =	rddreg [dreg:$0x1]  }
0x3: {  	s2 =	rddreg [dreg:$0x2];
	s4 =	simm.s32 $0x0;
	s3 =	srdreg.scid  }
0x4: {  	s12 =	stileid.u32;
	s28 =	simm.s32 $0x300;
	s29 =	simm.s32 $0x2  }
0x5: {  	s30 =	simm.s32 $0x5300;
	s31 =	simm.s32 $0x0;
	[smem:$0x7FF] =	sst s4  }
0x6: {  	s3 =	sand.u32 $0x1, s3;
	s5 =	sadd.s32 $0x3600, s0;
	s8 =	smul.u32 $0x4F000, s12  }
0x7: {  	s6 =	sadd.s32 $0xD400, s0;
	s10 =	sshll.u32 s12, $0x1;
	s11 =	smul.u32 $0x2780, s12  }
0x8: {  	s14 =	smul.u32 $0x4E20, s12;
	_ =	strace $0x8000004D;
	s7 =	ssub.s32 $0x2, s3  }
0x9: {  	s10 =	sor.u32 s3, s10;
	s15 =	smul.u32 $0x2710, s3;
	p0 =	seq.s32 s3, $0x1  }
0xa: {  	s3 =	simm.s32 $0x5C400;
	s9 =	sshrl.u32 s7, $0x1;
	s8 =	sshrl.u32 s8, $0x2  }
0xb: {  	s10 =	smul.u32 $0x2710, s10;
	s26 =	sadd.s32 s6, s11;
	s3 =	simm.s32 @!p0 $0x34C00  }
0xc: {  	s7 =	ssub.s32 s7, s9;
	s8 =	sadd.s32 s8, s2;
	[dreg:$0x9] =	wrdreg s26  }
0xd: {  	s9 =	sshll.u32 s12, $0x6;
	s19 =	sadd.s32 s15, s14;
	s0 =	sadd.s32 s3, s0  }
0xe: {  	[dreg:$0x8] =	wrdreg s8;
	s9 =	sor.u32 $0x1C04, s9;
	s13 =	sshrl.u32 s10, $0x3  }
0xf: {  	s10 =	sadd.s32 $0xA0, s19;
	s7 =	smax.u32 s7, $0x1;
	s22 =	sadd.s32 $0x50, s19  }
0x10: {  	s0 =	sadd.s32 s0, s11;
	s16 =	sadd.s32 s1, s13;
	[dreg:$0xe] =	wrdreg s7  }
0x11: {  	s17 =	sadd.s32 s5, s13;
	s8 =	sadd.s32 $0x4D8, s13;
	[dreg:$0xf] =	wrdreg s0  }
0x12: {  	s20 =	sshrl.u32 s10, $0x3;
	s24 =	sshrl.u32 s22, $0x3;
	[dreg:$0xa] =	wrdreg s16  }
0x13: {  	s22 =	simm.s32 $0x280;
	[dreg:$0xb] =	wrdreg s17;
	s18 =	sadd.s32 s1, s8  }
0x14: {  	s8 =	sadd.s32 s5, s8;
	s21 =	sadd.s32 s20, s5;
	[dreg:$0xc] =	wrdreg s18  }
0x15: {  	s23 =	sadd.s32 s20, s1;
	s25 =	sadd.s32 s24, s5;
	[dreg:$0xd] =	wrdreg s8  }
0x16: {  	s16 =	sadd.s32 $0xF0, s19;
	s26 =	sadd.s32 s24, s1;
	[dreg:$0x4] =	wrdreg s21  }
0x17: {  	s17 =	simm.s32 $0x4;
	s19 =	simm.s32 $0x80;
	[dreg:$0x5] =	wrdreg s23  }
0x18: {  	s20 =	simm.s32 $0x200;
	s24 =	simm.s32 $0x50;
	[dreg:$0x6] =	wrdreg s25  }
0x19: {  	[dreg:$0x7] =	wrdreg s26;
	s18 =	simm.s32 $0x180;
	s21 =	simm.s32 $0x100  }
0x1a: {  	s23 =	simm.s32 $0x3;
	s25 =	simm.s32 $0x2B00;
	s26 =	simm.s32 $0x1  }
.LBB2_1:
0x1b: {  	s0 =	rddreg [dreg:$0x8]  }
0x1c: {  	s3 =	rddreg [dreg:$0x9];
	s0 =	sshrl.u32 s0, $0x3  }
0x1d: {  	[spmem:s0], [sflag:s9] =	dma.local [hbm:s3], $0x2780  }
0x1e: {  	_ =	swait.ge [sflag:s17], $0x2780  }
0x1f: {  	[sflag:s17] =	ssyncset.done $0x0  }
0x20: {  	[sflag:s17] =	ssyncadd.s32 $0xFFFFD880  }
0x21: {  	[bflag:$0x0] =	sbarrier.arrive $0xFFFF  }
0x22: {  	s14 =	rddreg [dreg:$0xa]  }
0x23: {  	[tilespmem:s4], [sflag:$0x4] =	stream.linear.gather [hbm4b:s14+s4], $0x50, $0x38;
	[tilespmem:$0x1B700] =	vst v63  }
0x24: {  	_ =	swait.ge [sflag:s17], $0x50  }
0x25: {  	[sflag:s17] =	ssyncset.done $0x0  }
0x26: {  	s15 =	rddreg [dreg:$0xb];
	[sflag:s17] =	ssyncadd.s32 $0xFFFFFFB0  }
0x27: {  	[tilespmem:s18], [sflag:$0x4] =	stream.linear.gather [hbm4b:s15+s4], $0x50, $0x38;
	[tilespmem:$0x1B700] =	vst v63  }
0x28: {  	p0 =	por $0x1, $0x1;
	_ =	swait.ge [sflag:s17], $0x50  }
0x29: {  	p0 =	por p0, p0;
	[sflag:s17] =	ssyncset.done $0x0  }
0x2a: {  	s3 =	simm.s32 @!p0 $0x2;
	[sflag:s17] =	ssyncadd.s32 $0xFFFFFFB0  }
0x2b: {  	_ =	swait.ge @!p0 [sflag:s3], $0x2800  }
0x2c: {  	s7 =	rddreg [dreg:$0x7]  }
0x2d: {  	[sflag:s3] =	ssyncset.done @!p0 $0x0;
	s8 =	rddreg [dreg:$0x6]  }
0x2e: {  	[sflag:s3] =	ssyncadd.s32 @!p0 $0xFFFFD800;
	s7 =	sadd.s32 $0x0, s7;
	p0 =	por $0x0, $0x0  }
0x2f: {  	[tilespmem:s19], [sflag:$0x3] =	stream.linear.gather [hbm4b:s7+s4], $0x50, $0x38;
	[tilespmem:$0x1B700] =	vst v63  }
0x30: {  	s10 =	sadd.s32 $0x0, s8;
	s3 =	simm.s32 @p0 $0x3  }
0x31: {  	[tilespmem:s20], [sflag:$0x3] =	stream.linear.gather [hbm4b:s10+s4], $0x50, $0x38;
	[tilespmem:$0x1B700] =	vst v63  }
0x32: {  	_ =	swait.ge @p0 [sflag:s3], $0x50  }
0x33: {  	[sflag:s3] =	ssyncset.done @p0 $0x0  }
0x34: {  	[sflag:s3] =	ssyncadd.s32 @p0 $0xFFFFFFB0  }
0x35: {  	_ =	swait.ge @p0 [sflag:s3], $0x50  }
0x36: {  	s7 =	simm.s32 @p0 $0x300;
	s8 =	simm.s32 @p0 $0x50;
	[sflag:s3] =	ssyncset.done @p0 $0x0  }
0x37: {  	s10 =	simm.s32 @p0 $0x0;
	[sflag:s3] =	ssyncadd.s32 @p0 $0xFFFFFFB0;
	s3 =	simm.s32 @p0 $0x1  }
0x38: {  	[tilespmem:s7], [sflag:$0x1] =	stream.indirect.gather @p0 [hbm4b:s6+s8], $0x80, s10, s8, $0xb8;
	[tilespmem:$0x1B700] =	vst v63  }
0x39: {  	_ =	swait.ge @p0 [sflag:s3], $0x2800  }
0x3a: {  	s7 =	simm.s32 @p0 $0x280;
	[sflag:s3] =	ssyncset.done @p0 $0x0  }
0x3b: {  	s10 =	simm.s32 @p0 $0x5300;
	[sflag:s3] =	ssyncadd.s32 @p0 $0xFFFFD800;
	s3 =	simm.s32 @p0 $0x2  }
0x3c: {  	[spmem:s2] =	stream.indirect.scatter.add.f32 @p0 [tilespmem:s10], [sflag:$0x2], $0x80, s7, s8, $0xb8;
	[tilespmem:$0x1B700] =	vst v63  }
0x3d: {  	_ =	swait.ge @p0 [sflag:s3], $0x2800  }
0x3e: {  	s7 =	simm.s32 @!p0 $0x0;
	s8 =	simm.s32 @!p0 $0x300;
	[sflag:s3] =	ssyncset.done @p0 $0x0  }
0x3f: {  	s10 =	simm.s32 @!p0 $0x50;
	s11 =	rddreg [dreg:$0x5];
	[sflag:s3] =	ssyncadd.s32 @p0 $0xFFFFD800  }
0x40: {  	[tilespmem:s8], [sflag:$0x1] =	stream.indirect.gather @!p0 [hbm4b:s6+s10], $0x80, s7, s10, $0xb8;
	[tilespmem:$0x1B700] =	vst v63  }
0x41: {  	s12 =	rddreg [dreg:$0x4];
	s3 =	sadd.s32 $0x0, s11  }
0x42: {  	[tilespmem:s21], [sflag:$0x3] =	stream.linear.gather [hbm4b:s3+s4], $0x50, $0x38;
	[tilespmem:$0x1B700] =	vst v63  }
0x43: {  	s13 =	sadd.s32 $0x0, s12  }
0x44: {  	[tilespmem:s22], [sflag:$0x3] =	stream.linear.gather [hbm4b:s13+s4], $0x50, $0x38;
	[tilespmem:$0x1B700] =	vst v63  }
0x45: {  	_ =	swait.ge [sflag:s23], $0x50  }
0x46: {  	[sflag:s23] =	ssyncset.done $0x0  }
0x47: {  	[sflag:s23] =	ssyncadd.s32 $0xFFFFFFB0  }
0x48: {  	_ =	swait.ge [sflag:s23], $0x50  }
0x49: {  	[sflag:s23] =	ssyncset.done $0x0  }
0x4a: {  	[sflag:s23] =	ssyncadd.s32 $0xFFFFFFB0  }
0x4b: {  	[tilespmem:s25], [sflag:$0x1] =	stream.indirect.gather [hbm4b:s6+s24], $0x80, s19, s24, $0xb8;
	[tilespmem:$0x1B700] =	vst v63  }
0x4c: {  	_ =	swait.ge [sflag:s26], $0x2800  }
0x4d: {  	[sflag:s26] =	ssyncset.done $0x0  }
0x4e: {  	[sflag:s26] =	ssyncadd.s32 $0xFFFFD800  }
0x4f: {  	[spmem:s2] =	stream.indirect.scatter.add.f32 [tilespmem:s28], [sflag:$0x2], $0x80, s18, s24, $0xb8;
	[tilespmem:$0x1B700] =	vst v63  }
0x50: {  	_ =	swait.ge [sflag:s29], $0x2800  }
0x51: {  	s14 =	sshrl.u32 s16, $0x3;
	[sflag:s29] =	ssyncset.done $0x0  }
0x52: {  	s15 =	sadd.s32 s1, s14;
	[sflag:s29] =	ssyncadd.s32 $0xFFFFD800  }
0x53: {  	[tilespmem:s4], [sflag:$0x3] =	stream.linear.gather [hbm4b:s15+s4], $0x50, $0x38;
	[tilespmem:$0x1B700] =	vst v63  }
0x54: {  	s3 =	sadd.s32 s5, s14  }
0x55: {  	[tilespmem:s18], [sflag:$0x3] =	stream.linear.gather [hbm4b:s3+s4], $0x50, $0x38;
	[tilespmem:$0x1B700] =	vst v63  }
0x56: {  	_ =	swait.ge [sflag:s23], $0x50  }
0x57: {  	[sflag:s23] =	ssyncset.done $0x0  }
0x58: {  	[sflag:s23] =	ssyncadd.s32 $0xFFFFFFB0  }
0x59: {  	_ =	swait.ge [sflag:s23], $0x50  }
0x5a: {  	[sflag:s23] =	ssyncset.done $0x0  }
0x5b: {  	p6 =	por $0x0, $0x0;
	s7 =	simm.s32 $0x1E;
	[sflag:s23] =	ssyncadd.s32 $0xFFFFFFB0  }
0x5c: {  	[tilespmem:s30], [sflag:$0x1] =	stream.indirect.gather [hbm4b:s6+s24], $0x80, s21, s24, $0xb8;
	[tilespmem:$0x1B700] =	vst v63  }
0x5d: {  	s8 =	simm.s32 $0x3C;
	p0 =	por p6, p6;
	_ =	swait.ge [sflag:s26], $0x2800  }
0x5e: {  	s11 =	simm.s32 @!p0 $0x2;
	s3 =	sadd.s32 $0xF0, s16;
	[sflag:s26] =	ssyncset.done $0x0  }
.LBB2_2:
0x5f: {  	[sflag:s26] =	ssyncadd.s32 $0xFFFFD800  }
0x60: {  	[spmem:s2] =	stream.indirect.scatter.add.f32 [tilespmem:s25], [sflag:$0x2], $0x80, s20, s24, $0xb8;
	[tilespmem:$0x1B700] =	vst v63  }
0x61: {  	_ =	swait.ge @!p0 [sflag:s11], $0x2800  }
0x62: {  	s12 =	rddreg [dreg:$0x7];
	[sflag:s11] =	ssyncset.done @!p0 $0x0  }
0x63: {  	p2 =	seq.s32 s8, $0x0;
	s13 =	rddreg [dreg:$0x6];
	[sflag:s11] =	ssyncadd.s32 @!p0 $0xFFFFD800  }
0x64: {  	s15 =	sadd.s32 s7, s12;
	p0 =	por p2, p2;
	p2 =	sne.s32 s7, $0x0  }
0x65: {  	[tilespmem:s19], [sflag:$0x3] =	stream.linear.gather [hbm4b:s15+s4], $0x50, $0x38;
	[tilespmem:$0x1B700] =	vst v63  }
0x66: {  	s12 =	sadd.s32 s7, s13;
	s11 =	simm.s32 @p2 $0x3  }
0x67: {  	[tilespmem:s20], [sflag:$0x3] =	stream.linear.gather [hbm4b:s12+s4], $0x50, $0x38;
	[tilespmem:$0x1B700] =	vst v63  }
0x68: {  	_ =	swait.ge @p2 [sflag:s11], $0x50  }
0x69: {  	[sflag:s11] =	ssyncset.done @p2 $0x0  }
0x6a: {  	[sflag:s11] =	ssyncadd.s32 @p2 $0xFFFFFFB0  }
0x6b: {  	_ =	swait.ge @p2 [sflag:s11], $0x50  }
0x6c: {  	s13 =	simm.s32 @p2 $0x50;
	s14 =	simm.s32 @p2 $0x0;
	[sflag:s11] =	ssyncset.done @p2 $0x0  }
0x6d: {  	s12 =	simm.s32 @p2 $0x300;
	[sflag:s11] =	ssyncadd.s32 @p2 $0xFFFFFFB0;
	s11 =	simm.s32 @p2 $0x1  }
0x6e: {  	[tilespmem:s12], [sflag:$0x1] =	stream.indirect.gather @p2 [hbm4b:s6+s13], $0x80, s14, s13, $0xb8;
	[tilespmem:$0x1B700] =	vst v63  }
0x6f: {  	_ =	swait.ge @p2 [sflag:s11], $0x2800  }
0x70: {  	s12 =	simm.s32 @p2 $0x280;
	[sflag:s11] =	ssyncset.done @p2 $0x0  }
0x71: {  	s14 =	simm.s32 @p2 $0x5300;
	[sflag:s11] =	ssyncadd.s32 @p2 $0xFFFFD800;
	s11 =	simm.s32 @p2 $0x2  }
0x72: {  	[spmem:s2] =	stream.indirect.scatter.add.f32 @p2 [tilespmem:s14], [sflag:$0x2], $0x80, s12, s13, $0xb8;
	[tilespmem:$0x1B700] =	vst v63  }
0x73: {  	_ =	swait.ge @p2 [sflag:s11], $0x2800  }
0x74: {  	s12 =	simm.s32 @!p2 $0x0;
	s13 =	simm.s32 @!p2 $0x300;
	[sflag:s11] =	ssyncset.done @p2 $0x0  }
0x75: {  	s14 =	simm.s32 @!p2 $0x50;
	s15 =	rddreg [dreg:$0x5];
	[sflag:s11] =	ssyncadd.s32 @p2 $0xFFFFD800  }
0x76: {  	[tilespmem:s13], [sflag:$0x1] =	stream.indirect.gather @!p2 [hbm4b:s6+s14], $0x80, s12, s14, $0xb8;
	[tilespmem:$0x1B700] =	vst v63  }
0x77: {  	s11 =	rddreg [dreg:$0x4];
	s13 =	sadd.s32 s7, s15  }
0x78: {  	[tilespmem:s21], [sflag:$0x3] =	stream.linear.gather [hbm4b:s13+s4], $0x50, $0x38;
	[tilespmem:$0x1B700] =	vst v63  }
0x79: {  	s11 =	sadd.s32 s7, s11  }
0x7a: {  	[tilespmem:s22], [sflag:$0x3] =	stream.linear.gather [hbm4b:s11+s4], $0x50, $0x38;
	[tilespmem:$0x1B700] =	vst v63  }
0x7b: {  	_ =	swait.ge [sflag:s23], $0x50  }
0x7c: {  	[sflag:s23] =	ssyncset.done $0x0  }
0x7d: {  	[sflag:s23] =	ssyncadd.s32 $0xFFFFFFB0  }
0x7e: {  	_ =	swait.ge [sflag:s23], $0x50  }
0x7f: {  	[sflag:s23] =	ssyncset.done $0x0  }
0x80: {  	[sflag:s23] =	ssyncadd.s32 $0xFFFFFFB0  }
0x81: {  	[tilespmem:s25], [sflag:$0x1] =	stream.indirect.gather [hbm4b:s6+s24], $0x80, s19, s24, $0xb8;
	[tilespmem:$0x1B700] =	vst v63  }
0x82: {  	_ =	swait.ge [sflag:s26], $0x2800  }
0x83: {  	[sflag:s26] =	ssyncset.done $0x0  }
0x84: {  	[sflag:s26] =	ssyncadd.s32 $0xFFFFD800  }
0x85: {  	[spmem:s2] =	stream.indirect.scatter.add.f32 [tilespmem:s28], [sflag:$0x2], $0x80, s18, s24, $0xb8;
	[tilespmem:$0x1B700] =	vst v63  }
0x86: {  	_ =	swait.ge [sflag:s29], $0x2800  }
0x87: {  	s14 =	sshrl.u32 s3, $0x3;
	[sflag:s29] =	ssyncset.done $0x0  }
0x88: {  	s10 =	smov.u32 s8;
	s15 =	sadd.s32 s1, s14;
	[sflag:s29] =	ssyncadd.s32 $0xFFFFD800  }
0x89: {  	[tilespmem:s4], [sflag:$0x3] =	stream.linear.gather [hbm4b:s15+s4], $0x50, $0x38;
	[tilespmem:$0x1B700] =	vst v63  }
0x8a: {  	s7 =	smov.u32 s10;
	s10 =	sadd.s32 s5, s14  }
0x8b: {  	[tilespmem:s18], [sflag:$0x3] =	stream.linear.gather [hbm4b:s10+s4], $0x50, $0x38;
	[tilespmem:$0x1B700] =	vst v63  }
0x8c: {  	_ =	swait.ge [sflag:s23], $0x50  }
0x8d: {  	[sflag:s23] =	ssyncset.done $0x0  }
0x8e: {  	s8 =	sadd.s32 $0x1E, s8;
	[sflag:s23] =	ssyncadd.s32 $0xFFFFFFB0  }
0x8f: {  	p1 =	sne.s32 s8, $0x4CE;
	_ =	swait.ge [sflag:s23], $0x50  }
.Ltmp0:
0x90: {  	[sflag:s23] =	ssyncset.done $0x0;
	(pc) =	sbr.rel @p1 .LBB2_2-.Ltmp0, $4  }
0x91: {  	[sflag:s23] =	ssyncadd.s32 $0xFFFFFFB0  }
0x92: {  	[tilespmem:s30], [sflag:$0x1] =	stream.indirect.gather [hbm4b:s6+s24], $0x80, s21, s24, $0xb8;
	[tilespmem:$0x1B700] =	vst v63  }
0x93: {  	_ =	swait.ge [sflag:s26], $0x2800  }
0x94: {  	s3 =	sadd.s32 $0xF0, s3;
	s11 =	simm.s32 @!p0 $0x2;
	[sflag:s26] =	ssyncset.done $0x0  }
0x95: {  	[sflag:s26] =	ssyncadd.s32 $0xFFFFD800  }
0x96: {  	[spmem:s2] =	stream.indirect.scatter.add.f32 [tilespmem:s25], [sflag:$0x2], $0x80, s20, s24, $0xb8;
	[tilespmem:$0x1B700] =	vst v63  }
0x97: {  	_ =	swait.ge @!p0 [sflag:s11], $0x2800  }
0x98: {  	s8 =	rddreg [dreg:$0x7]  }
0x99: {  	[sflag:s11] =	ssyncset.done @!p0 $0x0;
	s10 =	rddreg [dreg:$0x6]  }
0x9a: {  	[sflag:s11] =	ssyncadd.s32 @!p0 $0xFFFFD800;
	s8 =	sadd.s32 s7, s8;
	p0 =	sne.s32 s7, $0x0  }
0x9b: {  	[tilespmem:s19], [sflag:$0x3] =	stream.linear.gather [hbm4b:s8+s4], $0x50, $0x38;
	[tilespmem:$0x1B700] =	vst v63  }
0x9c: {  	s13 =	sadd.s32 s7, s10;
	s8 =	simm.s32 @p0 $0x3  }
0x9d: {  	[tilespmem:s20], [sflag:$0x3] =	stream.linear.gather [hbm4b:s13+s4], $0x50, $0x38;
	[tilespmem:$0x1B700] =	vst v63  }
0x9e: {  	_ =	swait.ge @p0 [sflag:s8], $0x50  }
0x9f: {  	[sflag:s8] =	ssyncset.done @p0 $0x0  }
0xa0: {  	[sflag:s8] =	ssyncadd.s32 @p0 $0xFFFFFFB0  }
0xa1: {  	_ =	swait.ge @p0 [sflag:s8], $0x50  }
0xa2: {  	s10 =	simm.s32 @p0 $0x300;
	s11 =	simm.s32 @p0 $0x50;
	[sflag:s8] =	ssyncset.done @p0 $0x0  }
0xa3: {  	s12 =	simm.s32 @p0 $0x0;
	[sflag:s8] =	ssyncadd.s32 @p0 $0xFFFFFFB0;
	s8 =	simm.s32 @p0 $0x1  }
0xa4: {  	[tilespmem:s10], [sflag:$0x1] =	stream.indirect.gather @p0 [hbm4b:s6+s11], $0x80, s12, s11, $0xb8;
	[tilespmem:$0x1B700] =	vst v63  }
0xa5: {  	_ =	swait.ge @p0 [sflag:s8], $0x2800  }
0xa6: {  	s10 =	simm.s32 @p0 $0x280;
	[sflag:s8] =	ssyncset.done @p0 $0x0  }
0xa7: {  	s12 =	simm.s32 @p0 $0x5300;
	[sflag:s8] =	ssyncadd.s32 @p0 $0xFFFFD800;
	s8 =	simm.s32 @p0 $0x2  }
0xa8: {  	[spmem:s2] =	stream.indirect.scatter.add.f32 @p0 [tilespmem:s12], [sflag:$0x2], $0x80, s10, s11, $0xb8;
	[tilespmem:$0x1B700] =	vst v63  }
0xa9: {  	_ =	swait.ge @p0 [sflag:s8], $0x2800  }
0xaa: {  	s10 =	simm.s32 @!p0 $0x0;
	s11 =	simm.s32 @!p0 $0x300;
	[sflag:s8] =	ssyncset.done @p0 $0x0  }
0xab: {  	s12 =	simm.s32 @!p0 $0x50;
	s14 =	rddreg [dreg:$0x5];
	[sflag:s8] =	ssyncadd.s32 @p0 $0xFFFFD800  }
0xac: {  	[tilespmem:s11], [sflag:$0x1] =	stream.indirect.gather @!p0 [hbm4b:s6+s12], $0x80, s10, s12, $0xb8;
	[tilespmem:$0x1B700] =	vst v63  }
0xad: {  	s15 =	rddreg [dreg:$0x4];
	s8 =	sadd.s32 s7, s14  }
0xae: {  	[tilespmem:s21], [sflag:$0x3] =	stream.linear.gather [hbm4b:s8+s4], $0x50, $0x38;
	[tilespmem:$0x1B700] =	vst v63  }
0xaf: {  	s10 =	sadd.s32 s7, s15  }
0xb0: {  	[tilespmem:s22], [sflag:$0x3] =	stream.linear.gather [hbm4b:s10+s4], $0x50, $0x38;
	[tilespmem:$0x1B700] =	vst v63  }
0xb1: {  	_ =	swait.ge [sflag:s23], $0x50  }
0xb2: {  	[sflag:s23] =	ssyncset.done $0x0  }
0xb3: {  	[sflag:s23] =	ssyncadd.s32 $0xFFFFFFB0  }
0xb4: {  	_ =	swait.ge [sflag:s23], $0x50  }
0xb5: {  	[sflag:s23] =	ssyncset.done $0x0  }
0xb6: {  	[sflag:s23] =	ssyncadd.s32 $0xFFFFFFB0  }
0xb7: {  	[tilespmem:s25], [sflag:$0x1] =	stream.indirect.gather [hbm4b:s6+s24], $0x80, s19, s24, $0xb8;
	[tilespmem:$0x1B700] =	vst v63  }
0xb8: {  	_ =	swait.ge [sflag:s26], $0x2800  }
0xb9: {  	[sflag:s26] =	ssyncset.done $0x0  }
0xba: {  	[sflag:s26] =	ssyncadd.s32 $0xFFFFD800  }
0xbb: {  	[spmem:s2] =	stream.indirect.scatter.add.f32 [tilespmem:s28], [sflag:$0x2], $0x80, s18, s24, $0xb8;
	[tilespmem:$0x1B700] =	vst v63  }
0xbc: {  	_ =	swait.ge [sflag:s29], $0x2800  }
0xbd: {  	s3 =	sshrl.u32 s3, $0x3;
	[sflag:s29] =	ssyncset.done $0x0  }
0xbe: {  	s11 =	sadd.s32 s1, s3;
	[sflag:s29] =	ssyncadd.s32 $0xFFFFD800  }
0xbf: {  	[tilespmem:s4], [sflag:$0x3] =	stream.linear.gather [hbm4b:s11+s4], $0x50, $0x38;
	[tilespmem:$0x1B700] =	vst v63  }
0xc0: {  	s3 =	sadd.s32 s5, s3  }
0xc1: {  	[tilespmem:s18], [sflag:$0x3] =	stream.linear.gather [hbm4b:s3+s4], $0x50, $0x38;
	[tilespmem:$0x1B700] =	vst v63  }
0xc2: {  	_ =	swait.ge [sflag:s23], $0x50  }
0xc3: {  	[sflag:s23] =	ssyncset.done $0x0  }
0xc4: {  	[sflag:s23] =	ssyncadd.s32 $0xFFFFFFB0  }
0xc5: {  	_ =	swait.ge [sflag:s23], $0x50  }
0xc6: {  	[sflag:s23] =	ssyncset.done $0x0  }
0xc7: {  	[sflag:s23] =	ssyncadd.s32 $0xFFFFFFB0  }
0xc8: {  	[tilespmem:s30], [sflag:$0x1] =	stream.indirect.gather [hbm4b:s6+s24], $0x80, s21, s24, $0xb8;
	[tilespmem:$0x1B700] =	vst v63  }
0xc9: {  	_ =	swait.ge [sflag:s26], $0x2800  }
0xca: {  	[sflag:s26] =	ssyncset.done $0x0  }
0xcb: {  	[sflag:s26] =	ssyncadd.s32 $0xFFFFD800  }
0xcc: {  	[spmem:s2] =	stream.indirect.scatter.add.f32 [tilespmem:s25], [sflag:$0x2], $0x80, s20, s24, $0xb8;
	[tilespmem:$0x1B700] =	vst v63  }
0xcd: {  	_ =	swait.ge [sflag:s29], $0x2800  }
0xce: {  	[sflag:s29] =	ssyncset.done $0x0  }
0xcf: {  	s12 =	rddreg [dreg:$0xc];
	[sflag:s29] =	ssyncadd.s32 $0xFFFFD800  }
0xd0: {  	[tilespmem:s19], [sflag:$0x3] =	stream.linear.gather [hbm4b:s12+s4], $0x50, $0x38;
	[tilespmem:$0x1B700] =	vst v63  }
0xd1: {  	s13 =	rddreg [dreg:$0xd]  }
0xd2: {  	[tilespmem:s20], [sflag:$0x3] =	stream.linear.gather [hbm4b:s13+s4], $0x50, $0x38;
	[tilespmem:$0x1B700] =	vst v63  }
0xd3: {  	_ =	swait.ge [sflag:s23], $0x50  }
0xd4: {  	[sflag:s23] =	ssyncset.done $0x0  }
0xd5: {  	[sflag:s23] =	ssyncadd.s32 $0xFFFFFFB0  }
0xd6: {  	_ =	swait.ge [sflag:s23], $0x50  }
0xd7: {  	[sflag:s23] =	ssyncset.done $0x0  }
0xd8: {  	[sflag:s23] =	ssyncadd.s32 $0xFFFFFFB0  }
0xd9: {  	[tilespmem:s28], [sflag:$0x1] =	stream.indirect.gather [hbm4b:s6+s24], $0x80, s4, s24, $0xb8;
	[tilespmem:$0x1B700] =	vst v63  }
0xda: {  	_ =	swait.ge [sflag:s26], $0x2800  }
0xdb: {  	[sflag:s26] =	ssyncset.done $0x0  }
0xdc: {  	[sflag:s26] =	ssyncadd.s32 $0xFFFFD800  }
0xdd: {  	[spmem:s2] =	stream.indirect.scatter.add.f32 [tilespmem:s30], [sflag:$0x2], $0x80, s22, s24, $0xb8;
	[tilespmem:$0x1B700] =	vst v63  }
0xde: {  	_ =	swait.ge [sflag:s29], $0x2800  }
0xdf: {  	[sflag:s29] =	ssyncset.done $0x0  }
0xe0: {  	[sflag:s29] =	ssyncadd.s32 $0xFFFFD800  }
0xe1: {  	_ =	swait.ge [sflag:s23], $0x50  }
0xe2: {  	[sflag:s23] =	ssyncset.done $0x0  }
0xe3: {  	[sflag:s23] =	ssyncadd.s32 $0xFFFFFFB0  }
0xe4: {  	_ =	swait.ge [sflag:s23], $0x50  }
0xe5: {  	[sflag:s23] =	ssyncset.done $0x0  }
0xe6: {  	[sflag:s23] =	ssyncadd.s32 $0xFFFFFFB0  }
0xe7: {  	[tilespmem:s25], [sflag:$0x1] =	stream.indirect.gather [hbm4b:s6+s24], $0x80, s19, s24, $0xb8;
	[tilespmem:$0x1B700] =	vst v63  }
0xe8: {  	_ =	swait.ge [sflag:s26], $0x2800  }
0xe9: {  	[sflag:s26] =	ssyncset.done $0x0  }
0xea: {  	[sflag:s26] =	ssyncadd.s32 $0xFFFFD800  }
0xeb: {  	[spmem:s2] =	stream.indirect.scatter.add.f32 [tilespmem:s28], [sflag:$0x2], $0x80, s18, s24, $0xb8;
	[tilespmem:$0x1B700] =	vst v63  }
0xec: {  	_ =	swait.ge [sflag:s26], $0x2800  }
0xed: {  	[sflag:s26] =	ssyncset.done $0x0  }
0xee: {  	[sflag:s26] =	ssyncadd.s32 $0xFFFFD800  }
0xef: {  	[spmem:s2] =	stream.indirect.scatter.add.f32 [tilespmem:s25], [sflag:$0x2], $0x80, s20, s24, $0xb8;
	[tilespmem:$0x1B700] =	vst v63  }
0xf0: {  	_ =	swait.ge [sflag:s29], $0x2800  }
0xf1: {  	[sflag:s29] =	ssyncset.done $0x0  }
0xf2: {  	[sflag:s29] =	ssyncadd.s32 $0xFFFFD800  }
0xf3: {  	_ =	swait.ge [sflag:s29], $0x2800  }
0xf4: {  	[sflag:s29] =	ssyncset.done $0x0  }
0xf5: {  	[sflag:s29] =	ssyncadd.s32 $0xFFFFD800  }
0xf6: {  	[bflag:$0x0] =	sbarrier.arrive $0xFFFF  }
0xf7: {  	s14 =	rddreg [dreg:$0xf]  }
0xf8: {  	[hbm:s14], [sflag:s9] =	dma.local [spmem:s0], $0x2780  }
0xf9: {  	_ =	swait.ge [sflag:s17], $0x2780  }
0xfa: {  	s31 =	sadd.s32 $0x1, s31;
	s15 =	rddreg [dreg:$0xe]  }
0xfb: {  	p0 =	sne.s32 s31, s15  }
.Ltmp1:
0xfc: {  	_ = 	snop;
	(pc) =	sbr.rel @p0 .LBB2_1-.Ltmp1, $3  }
0xfd: {  	_ =	sdelay $0x1  }
0xfe: {  	[sflag:s17] =	ssyncset.done $0x0  }
0xff: {  	[sflag:s17] =	ssyncadd.s32 $0xFFFFD880  }
0x100: {  	_ =	sfence.sel $0x180000  }
0x101: {  	[bflag:$0x0] =	sbarrier.arrive $0xFFFF  }
0x102: {  	_ =	strace $0x9000004D  }
0x103: {  	s0 =	stileid.u32;
	[bflag:$0x2] =	sbarrier.arrive $0xFFFF  }
0x104: {  	p0 =	sne.s32 s0, $0x0;
	s0 =	rddreg [dreg:$0x3]  }
0x105: {  	s0 =	sadd.s32 @!p0 $0x100000, s0  }
0x106: {  	[sflag:s0] =	ssyncadd.tile.s32 @!p0 $0x1;
	_ =	shalt  }
.Lfunc_end2:
_tile_overlayer_lowered:
.L_overlay_start_2:
0x107: {  	(tag) =	ssettag $0x2  }
0x108: {  	s0 =	rddreg [dreg:$0x0];
	s2 =	stileid.u32  }
0x109: {  	s1 =	rddreg [dreg:$0x1];
	p0 =	sne.s32 s2, $0x0  }
0x10a: {  	s3 =	rddreg [dreg:$0x2];
	[bflag:$0x3] =	sbarrier.arrive $0xFFFF;
	s2 =	simm.s32 @!p0 $0x1C04  }
0x10b: {  	[timem:s3], [sflag:s2] =	dma.local @!p0 [hbm:s0], s1  }
0x10c: {  	s0 =	simm.s32 @!p0 $0x4  }
0x10d: {  	_ =	swait.ge @!p0 [sflag:s0], s1  }
0x10e: {  	s1 =	ssub.s32 @!p0 $0x0, s1;
	[sflag:s0] =	ssyncset.done @!p0 $0x0  }
0x10f: {  	[sflag:s0] =	ssyncadd.s32 @!p0 s1  }
0x110: {  	[bflag:$0x3] =	sbarrier.arrive $0xFFFF  }
0x111: {  	_ =	shalt  }

// kernel: kernel.8.cloned.1.call-start
scs
__scs_entry_jumppad:
0x0: {  	(pc) =	sbr.rel $0x88, $3  }
0x1: {  	(tag) =	ssettag $0x0;
	lr =	simm.s32 $0x1  }
0x2: {  	[smem:$0x3F99] =	sst lr;
	_ =	strace $0xD0000000  }
0x3: {  	_ = 	snop  }
0x4: {  	_ = 	snop  }
0x5: {  	_ = 	snop  }
0x6: {  	_ = 	snop  }
0x7: {  	_ = 	snop  }
__scs_overlays_trampoline_lowered:
0x8: {  	[smem:$0x3FA8] =	sst s0  }
0x9: {  	[smem:$0x3FA9] =	sst s1  }
0xa: {  	[smem:$0x3FAA] =	sst s2  }
0xb: {  	[smem:$0x3FAB] =	sst s3  }
0xc: {  	[smem:$0x3FAC] =	sst s4  }
0xd: {  	[smem:$0x3FAD] =	sst s5  }
0xe: {  	[smem:$0x3FAE] =	sst s6  }
0xf: {  	[smem:$0x3FAF] =	sst s7  }
0x10: {  	[smem:$0x3FB0] =	sst s8  }
0x11: {  	[smem:$0x3FB1] =	sst s9;
	s0 =	simm.s32 @!p0 $0x0  }
0x12: {  	s1 =	sld [smem:$0x3F97];
	s0 =	simm.s32 @p0 $0x1  }
0x13: {  	[smem:$0x3FB2] =	sst s0;
	s0 =	simm.s32 @!p1 $0x0  }
0x14: {  	s2 =	sld [smem:$0x3F96];
	s0 =	simm.s32 @p1 $0x1  }
0x15: {  	[smem:$0x3FB3] =	sst s0;
	s0 =	simm.s32 @!p2 $0x0  }
0x16: {  	s3 =	sld [smem:$0x3FDB];
	s0 =	simm.s32 @p2 $0x1  }
0x17: {  	s4 =	simm.s32 $0x1BF5;
	[smem:$0x3FB5] =	sst s0  }
0x18: {  	s0 =	sld [smem:$0x3F98];
	_ =	swait.ge [sflag:s4], $0x0  }
0x19: {  	s7 =	sld [smem:$0x3F99]  }
0x1a: {  	s8 =	sadd.s32 $0xFFFFE003, lr  }
0x1b: {  	s9 =	sadd.s32 $0xFFFFFEF7, lr;
	s5 =	simm.s32 $0xFFFFFFFF;
	p2 =	slt.u32 s8, $0xFFFFF086  }
0x1c: {  	p1 =	slt.u32 s9, $0xF7A;
	s5 =	simm.s32 @!p2 $0x0  }
0x1d: {  	s5 =	simm.s32 @p1 $0x1;
	p0 =	seq.s32 s7, s2  }
0x1e: {  	s7 =	smul.u32 @!p0 $0xF7A, s2;
	p2 =	seq.s32 @!p0 s5, $0x0  }
0x1f: {  	s9 =	smul.u32 $0xF7A, s1;
	s8 =	simm.s32 @!p0 $0x1BF5;
	p2 =	por !p2, p0  }
0x20: {  	[sflag:s8] =	ssyncset.s32 @!p0 $0xFFFFF086;
	s6 =	sadd.s32 @!p0 s3, s7;
	s7 =	simm.s32 @!p0 $0x108  }
0x21: {  	s3 =	sadd.s32 s3, s9;
	s6 =	sadd.s32 @!p0 $0x88, s6;
	s7 =	simm.s32 @p2 $0x1082  }
0x22: {  	[simem:s7], [sflag:s8] =	dma.local @!p0 [hbm:s6], $0xF7A  }
0x23: {  	s9 =	sor.u32 $0xD0000000, s2;
	s6 =	simm.s32 $0x108;
	_ =	swait.ge @!p0 [sflag:s8], $0x0  }
0x24: {  	s3 =	sadd.s32 $0x88, s3;
	s6 =	simm.s32 @!p1 $0x1082;
	[sflag:s4] =	ssyncset.s32 $0xFFFFF086  }
0x25: {  	[simem:s6], [sflag:s4] =	dma.local [hbm:s3], $0xF7A  }
0x26: {  	[smem:$0x3F99] =	sst s1;
	(tag) =	ssettag s2;
	_ =	strace s9  }
0x27: {  	s1 =	sld [smem:$0x3FA9]  }
0x28: {  	s2 =	sld [smem:$0x3FAA]  }
0x29: {  	s4 =	sld [smem:$0x3FAC]  }
0x2a: {  	p0 =	seq.s32 s5, $0x0;
	s5 =	sld [smem:$0x3FAD]  }
0x2b: {  	s6 =	sld [smem:$0x3FAE]  }
0x2c: {  	s7 =	sld [smem:$0x3FAF]  }
0x2d: {  	s3 =	simm.s32 $0x108;
	s8 =	sld [smem:$0x3FB0]  }
0x2e: {  	s3 =	simm.s32 @!p0 $0x1082;
	s9 =	sld [smem:$0x3FB1]  }
0x2f: {  	lr =	sadd.s32 s0, s3;
	s0 =	sld [smem:$0x3FA8]  }
0x30: {  	s3 =	sld [smem:$0x3FAB]  }
0x31: {  	[smem:$0x3FB4] =	sst s10  }
0x32: {  	s10 =	sld [smem:$0x3FB2];
	_ =	sdelay $0x3  }
0x33: {  	p0 =	seq.s32 s10, $0x1;
	s10 =	sld [smem:$0x3FB4];
	_ =	sdelay $0x3  }
0x34: {  	[smem:$0x3FB4] =	sst s10  }
0x35: {  	s10 =	sld [smem:$0x3FB3];
	_ =	sdelay $0x3  }
0x36: {  	p1 =	seq.s32 s10, $0x1;
	s10 =	sld [smem:$0x3FB4];
	_ =	sdelay $0x3  }
0x37: {  	[smem:$0x3FB4] =	sst s10  }
0x38: {  	s10 =	sld [smem:$0x3FB5]  }
0x39: {  	_ = 	snop;
	(pc) =	sbr.ind lr, $3  }
0x3a: {  	_ = 	snop  }
0x3b: {  	_ = 	snop  }
0x3c: {  	p2 =	seq.s32 s10, $0x1;
	s10 =	sld [smem:$0x3FB4]  }
0x3d: {  	_ =	shalt  }
0x3e: {  	_ =	shalt  }
0x3f: {  	_ =	shalt  }
0x40: {  	_ =	shalt  }
0x41: {  	_ =	shalt  }
0x42: {  	_ =	shalt  }
0x43: {  	_ =	shalt  }
0x44: {  	_ =	shalt  }
0x45: {  	_ =	shalt  }
0x46: {  	_ =	shalt  }
0x47: {  	_ =	shalt  }
0x48: {  	_ =	shalt  }
0x49: {  	_ =	shalt  }
0x4a: {  	_ =	shalt  }
0x4b: {  	_ =	shalt  }
0x4c: {  	_ =	shalt  }
0x4d: {  	_ =	shalt  }
0x4e: {  	_ =	shalt  }
0x4f: {  	_ =	shalt  }
0x50: {  	_ =	shalt  }
0x51: {  	_ =	shalt  }
0x52: {  	_ =	shalt  }
0x53: {  	_ =	shalt  }
0x54: {  	_ =	shalt  }
0x55: {  	_ =	shalt  }
0x56: {  	_ =	shalt  }
0x57: {  	_ =	shalt  }
0x58: {  	_ =	shalt  }
0x59: {  	_ =	shalt  }
0x5a: {  	_ =	shalt  }
0x5b: {  	_ =	shalt  }
0x5c: {  	_ =	shalt  }
0x5d: {  	_ =	shalt  }
0x5e: {  	_ =	shalt  }
0x5f: {  	_ =	shalt  }
0x60: {  	_ =	shalt  }
0x61: {  	_ =	shalt  }
0x62: {  	_ =	shalt  }
0x63: {  	_ =	shalt  }
0x64: {  	_ =	shalt  }
0x65: {  	_ =	shalt  }
0x66: {  	_ =	shalt  }
0x67: {  	_ =	shalt  }
0x68: {  	_ =	shalt  }
0x69: {  	_ =	shalt  }
0x6a: {  	_ =	shalt  }
0x6b: {  	_ =	shalt  }
0x6c: {  	_ =	shalt  }
0x6d: {  	_ =	shalt  }
0x6e: {  	_ =	shalt  }
0x6f: {  	_ =	shalt  }
0x70: {  	_ =	shalt  }
0x71: {  	_ =	shalt  }
0x72: {  	_ =	shalt  }
0x73: {  	_ =	shalt  }
0x74: {  	_ =	shalt  }
0x75: {  	_ =	shalt  }
0x76: {  	_ =	shalt  }
0x77: {  	_ =	shalt  }
0x78: {  	_ =	shalt  }
0x79: {  	_ =	shalt  }
0x7a: {  	_ =	shalt  }
0x7b: {  	_ =	shalt  }
0x7c: {  	_ =	shalt  }
0x7d: {  	_ =	shalt  }
0x7e: {  	_ =	shalt  }
0x7f: {  	_ =	shalt  }
0x80: {  	_ =	shalt  }
0x81: {  	_ =	shalt  }
0x82: {  	_ =	shalt  }
0x83: {  	_ =	shalt  }
0x84: {  	_ =	shalt  }
0x85: {  	_ =	shalt  }
0x86: {  	_ =	shalt  }
0x87: {  	_ =	shalt  }
.Lfunc_end0:
.L_simem_size_0:
called_computation_lowered:
.L_overlay_start_0:
0x88: {  	s2 =	sld [smem:$0x3FD9]  }
0x89: {  	s3 =	sld [smem:$0x3FFE];
	_ =	sdelay $0x1  }
0x8a: {  	s1 =	srdreg.scid  }
0x8b: {  	s0 =	sand.u32 $0x1, s1  }
0x8c: {  	s14 =	sshll.u32 s0, $0xA;
	s2 =	sadd.s32 s3, s2  }
0x8d: {  	s2 =	sadd.s32 s2, s14  }
0x8e: {  	[smem:$0x3FC0] =	sst s2  }
0x8f: {  	_ = 	snop  }
0x90: {  	s2 =	sld [smem:$0x3FD0];
	_ =	sdelay $0x2  }
0x91: {  	s15 =	simm.s32 $0xA;
	s4 =	simm.s32 $0x10  }
0x92: {  	[smem:s4], [sflag:s15] =	dma.local [hbm:s2], $0x1  }
0x93: {  	_ =	swait.eq [sflag:s15], $0x1  }
0x94: {  	[sflag:s15] =	ssyncset.done $0x0  }
0x95: {  	[sflag:s15] =	ssyncadd.s32 $0xFFFFFFFF  }
0x96: {  	s16 =	sld [smem:$0x11];
	(tm) =	ssettm $0x1  }
0x97: {  	s17 =	sld [smem:$0x3FFB];
	_ =	sdelay $0x3  }
0x98: {  	_ =	strace s17  }
0x99: {  	s3 =	sld [smem:$0x3FFC];
	_ =	sdelay $0x3  }
0x9a: {  	_ =	strace s3  }
0x9b: {  	s3 =	sld [smem:$0x3FFD];
	_ =	sdelay $0x3  }
0x9c: {  	_ =	strace s3  }
0x9d: {  	_ =	strace $0x8FFFFFFF  }
0x9e: {  	s18 =	sld [smem:$0x3FDB];
	_ =	sdelay $0x1  }
0x9f: {  	s19 =	simm.s32 $_scs_section_size  }
0xa0: {  	s5 =	simm.s32 $_size__tile_overlayer_lowered;
	s6 =	simm.s32 $_tile_overlayer_lowered  }
0xa1: {  	s22 =	simm.s32 $0x1BFF;
	s21 =	sshll.u32 s6, $0x1;
	s3 =	sadd.s32 s19, s18  }
0xa2: {  	s7 =	simm.s32 $0x0;
	s20 =	sshll.u32 s5, $0x1;
	s5 =	sadd.s32 s21, s3  }
0xa3: {  	[timem:s7], [sflag:s22] =	dma.local [hbm:s5], s20  }
0xa4: {  	_ =	swait.ge [sflag:s22], s20  }
0xa5: {  	s4 =	ssub.s32 $0x0, s20;
	[sflag:s22] =	ssyncset.done $0x0  }
0xa6: {  	[sflag:s22] =	ssyncadd.s32 s4;
	_ =	sdelay $0x1  }
0xa7: {  	s23 =	simm.s32 $0x1B8B  }
0xa8: {  	_ =	swait.ge [sflag:s23], $0x1  }
0xa9: {  	[sflag:s23] =	ssyncset.done $0x0  }
0xaa: {  	s25 =	simm.s32 $0x1B8E;
	s24 =	sld [smem:$0x3FFE];
	[sflag:s23] =	ssyncadd.s32 $0xFFFFFFFF  }
0xab: {  	s26 =	simm.s32 $execute0_lowered;
	[smem:$0x3FD2] =	sst s25  }
0xac: {  	s5 =	sshll.u32 s26, $0x1;
	_ =	strace $0x80000046;
	[dreg:$0x1] =	wrdreg $0xFFFFFFFF  }
0xad: {  	s28 =	simm.s32 $_size_execute0_lowered;
	s3 =	sadd.s32 s3, s5;
	[dreg:$0x0] =	wrdreg $0x0  }
0xae: {  	s5 =	sshll.u32 s28, $0x1;
	[dreg:$0x2] =	wrdreg s3  }
0xaf: {  	[dreg:$0x3] =	wrdreg s5  }
0xb0: {  	[dreg:$0x4] =	wrdreg $0xC0  }
0xb1: {  	_ =	task [dreg:s7], $0x5FFFF  }
0xb2: {  	[dreg:$0x1] =	wrdreg $0xFFFFFFFF  }
0xb3: {  	[dreg:$0x0] =	wrdreg $0x60  }
0xb4: {  	[dreg:$0x2] =	wrdreg s16  }
0xb5: {  	[dreg:$0x3] =	wrdreg s24  }
0xb6: {  	[dreg:$0x4] =	wrdreg $0x48000  }
0xb7: {  	[dreg:$0x5] =	wrdreg $0x9  }
0xb8: {  	_ =	task.clear_ibuf [dreg:s7], $0x6FFFF;
	_ =	strace $0x90000046  }
0xb9: {  	s29 =	simm.s32 $0x9;
	_ =	strace $0x80000048  }
0xba: {  	_ =	swait.ge [sflag:s29], $0x1  }
0xbb: {  	[sflag:s29] =	ssyncadd.s32 $0xFFFFFFFF  }
0xbc: {  	_ =	strace $0x90000048  }
0xbd: {  	_ =	sfence  }
0xbe: {  	s30 =	sld [smem:$0x0];
	_ =	sdelay $0x2  }
0xbf: {  	s31 =	sshll.u32 s1, $0xD;
	s1 =	sshrl.u32 s1, $0x2  }
0xc0: {  	s3 =	sand.u32 $0x4000, s31;
	s1 =	sadd.s32 s1, s30  }
0xc1: {  	s0 =	sor.u32 s3, s0;
	s1 =	sshll.u32 s1, $0x11  }
0xc2: {  	s0 =	sor.u32 s1, s0  }
0xc3: {  	s0 =	sadd.s32 $0x8F2B, s0  }
0xc4: {  	[sflag:s0] =	ssyncadd.remote.s32 $0x1  }
0xc5: {  	_ =	sfence.sel $0xFFFF  }
0xc6: {  	[dreg:$0x0] =	wrdreg $0xFFFFFFFF;
	(pc) =	sbr.abs _section_cstart, $3  }
0xc7: {  	[dreg:$0x1] =	wrdreg $0xFFFFFFFF  }
0xc8: {  	_ =	task.clear_ibuf [dreg:s7], $0x2FFFF;
	_ =	strace $0x9FFFFFFF  }
0xc9: {  	(tm) =	ssettm $0x7FFFFFFF  }
tec
execute0_lowered:
.L_overlay_start_1:
0x0: {  	(tag) =	ssettag $0x1  }
0x1: {  	s6 =	rddreg [dreg:$0x0]  }
0x2: {  	s4 =	rddreg [dreg:$0x1]  }
0x3: {  	s2 =	rddreg [dreg:$0x2];
	s3 =	srdreg.scid  }
0x4: {  	s0 =	rddreg [dreg:$0x3];
	s1 =	stileid.u32;
	s14 =	simm.s32 $0x5C400  }
0x5: {  	s15 =	simm.s32 $0x1000;
	s16 =	simm.s32 $0x50;
	s17 =	simm.s32 $0x2000  }
0x6: {  	s18 =	simm.s32 $0x80;
	s19 =	simm.s32 $0x1;
	s20 =	simm.s32 $0x1080  }
0x7: {  	s21 =	simm.s32 $0x0;
	s8 =	sand.u32 $0x1, s3;
	s5 =	smul.u32 $0x2780, s1  }
0x8: {  	s3 =	simm.s32 $0x0;
	s10 =	smul.u32 $0x4F000, s1;
	s29 =	sshll.u32 s1, $0xC  }
0x9: {  	s31 =	sshll.u32 s1, $0x6;
	s7 =	ssub.s32 $0x2, s8;
	[smem:$0x7FF] =	sst s3  }
0xa: {  	s30 =	sshll.u32 s8, $0xB;
	p0 =	seq.s32 s8, $0x1;
	s9 =	sshrl.u32 s7, $0x1  }
0xb: {  	_ =	strace $0x80000047;
	s11 =	sadd.s32 s5, s4;
	s28 =	sshrl.u32 s10, $0x2  }
0xc: {  	s5 =	sor.u32 $0x1C03, s31;
	s14 =	simm.s32 @!p0 $0x34C00;
	s12 =	ssub.s32 s7, s9  }
0xd: {  	s13 =	sadd.s32 s28, s2;
	s7 =	sor.u32 s30, s29;
	s4 =	sadd.s32 $0xD400, s11  }
0xe: {  	s11 =	sadd.s32 s14, s11;
	s14 =	simm.s32 $0x2;
	s6 =	sadd.s32 s6, s7  }
0xf: {  	s10 =	smax.u32 s12, $0x1;
	s12 =	sshrl.u32 s13, $0x3;
	s13 =	simm.s32 $0x3  }
0x10: {  	v0 =	vimm.f32 $1.000000000e+00;
	s7 =	sadd.s32 $0x200, s6;
	s8 =	sadd.s32 $0x400, s6;
	s9 =	sadd.s32 $0x600, s6  }
.LBB2_1:
0x11: {  	[spmem:s12], [sflag:s5] =	dma.local [hbm:s4], $0x2780  }
0x12: {  	_ =	swait.ge [sflag:s13], $0x2780  }
0x13: {  	[sflag:s13] =	ssyncset.done $0x0  }
0x14: {  	s22 =	simm.s32 $0x200;
	s23 =	simm.s32 $0x0;
	[sflag:s13] =	ssyncadd.s32 $0xFFFFD880  }
0x15: {  	[tilespmem:s3], [sflag:$0x2] =	stream.linear.gather [hbm4b:s6+s3], $0x1000, $0x38;
	[tilespmem:$0x6F80] =	vst v63  }
.LBB2_2:
0x16: {  	p0 =	sne.s32 s22, $0x9E00;
	[tilespmem:s23+$0x2000] =	vst v0;
	s23 =	smov.u32 s22;
	s22 =	sadd.s32 $0x200, s22  }
.Ltmp0:
0x17: {  	(pc) =	sbr.rel @p0 .LBB2_2-.Ltmp0, $2  }
0x18: {  	_ =	sdelay $0x2  }
0x19: {  	s23 =	sshra.s32 s23, $0x2  }
0x1a: {  	[tilespmem:s23+$0x2000] =	vst v0  }
0x1b: {  	[bflag:$0x0] =	sbarrier.arrive $0xFFFF  }
0x1c: {  	_ =	swait.ge [sflag:s14], $0x1000  }
0x1d: {  	[sflag:s14] =	ssyncset.done $0x0  }
0x1e: {  	[sflag:s14] =	ssyncadd.s32 $0xFFFFF000  }
0x1f: {  	[tilespmem:s15], [sflag:$0x2] =	stream.linear.gather [hbm4b:s7+s3], $0x1000, $0x38;
	[tilespmem:$0x6F80] =	vst v63  }
0x20: {  	_ = 	snop  }
0x21: {  	[spmem:s2] =	stream.indirect.scatter.add.f32 [tilespmem:s17], [sflag:$0x1], $0x10, s3, s16, $0xb8;
	[tilespmem:$0x6F80] =	vst v63  }
0x22: {  	_ = 	snop  }
0x23: {  	[spmem:s2] =	stream.indirect.scatter.add.f32 [tilespmem:s17], [sflag:$0x1], $0x10, s18, s16, $0xb8;
	[tilespmem:$0x6F80] =	vst v63  }
0x24: {  	s22 =	simm.s32 $0x100  }
0x25: {  	[spmem:s2] =	stream.indirect.scatter.add.f32 [tilespmem:s17], [sflag:$0x1], $0x10, s22, s16, $0xb8;
	[tilespmem:$0x6F80] =	vst v63  }
0x26: {  	_ =	swait.ge [sflag:s19], $0x500  }
0x27: {  	s22 =	simm.s32 $0x600;
	[sflag:s19] =	ssyncset.done $0x0  }
.LBB2_4:
0x28: {  	s23 =	sshra.s32 s22, $0x2;
	[sflag:s19] =	ssyncadd.s32 $0xFFFFFB00;
	p0 =	sne.s32 s22, $0x3E00  }
0x29: {  	[spmem:s2] =	stream.indirect.scatter.add.f32 [tilespmem:s17], [sflag:$0x1], $0x10, s23, s16, $0xb8;
	[tilespmem:$0x6F80] =	vst v63  }
.Ltmp1:
0x2a: {  	_ = 	snop;
	(pc) =	sbr.rel @p0 .LBB2_4-.Ltmp1, $4  }
0x2b: {  	_ = 	snop  }
0x2c: {  	s22 =	sadd.s32 $0x200, s22  }
0x2d: {  	_ =	swait.ge [sflag:s19], $0x500  }
0x2e: {  	[sflag:s19] =	ssyncset.done $0x0  }
0x2f: {  	[sflag:s19] =	ssyncadd.s32 $0xFFFFFB00  }
0x30: {  	_ =	swait.ge [sflag:s19], $0x500  }
0x31: {  	[sflag:s19] =	ssyncset.done $0x0  }
0x32: {  	[sflag:s19] =	ssyncadd.s32 $0xFFFFFB00  }
0x33: {  	_ =	swait.ge [sflag:s19], $0x500  }
0x34: {  	[sflag:s19] =	ssyncset.done $0x0  }
0x35: {  	[sflag:s19] =	ssyncadd.s32 $0xFFFFFB00  }
0x36: {  	_ =	swait.ge [sflag:s14], $0x1000  }
0x37: {  	[sflag:s14] =	ssyncset.done $0x0  }
0x38: {  	[sflag:s14] =	ssyncadd.s32 $0xFFFFF000  }
0x39: {  	[tilespmem:s3], [sflag:$0x2] =	stream.linear.gather [hbm4b:s8+s3], $0x1000, $0x38;
	[tilespmem:$0x6F80] =	vst v63  }
0x3a: {  	_ = 	snop  }
0x3b: {  	[spmem:s2] =	stream.indirect.scatter.add.f32 [tilespmem:s17], [sflag:$0x1], $0x10, s15, s16, $0xb8;
	[tilespmem:$0x6F80] =	vst v63  }
0x3c: {  	_ = 	snop  }
0x3d: {  	[spmem:s2] =	stream.indirect.scatter.add.f32 [tilespmem:s17], [sflag:$0x1], $0x10, s20, s16, $0xb8;
	[tilespmem:$0x6F80] =	vst v63  }
0x3e: {  	s22 =	simm.s32 $0x1100  }
0x3f: {  	[spmem:s2] =	stream.indirect.scatter.add.f32 [tilespmem:s17], [sflag:$0x1], $0x10, s22, s16, $0xb8;
	[tilespmem:$0x6F80] =	vst v63  }
0x40: {  	s22 =	simm.s32 $0x600;
	_ =	swait.ge [sflag:s19], $0x500  }
.LBB2_6:
0x41: {  	s23 =	sshra.s32 s22, $0x2;
	[sflag:s19] =	ssyncset.done $0x0;
	p0 =	sne.s32 s22, $0x3E00  }
.Ltmp2:
0x42: {  	s23 =	sadd.s32 $0x1000, s23;
	[sflag:s19] =	ssyncadd.s32 $0xFFFFFB00;
	(pc) =	sbr.rel @p0 .LBB2_6-.Ltmp2, $3  }
0x43: {  	[spmem:s2] =	stream.indirect.scatter.add.f32 [tilespmem:s17], [sflag:$0x1], $0x10, s23, s16, $0xb8;
	[tilespmem:$0x6F80] =	vst v63  }
0x44: {  	s22 =	sadd.s32 $0x200, s22;
	_ =	sdelay $0x1  }
0x45: {  	_ =	swait.ge [sflag:s19], $0x500  }
0x46: {  	[sflag:s19] =	ssyncset.done $0x0  }
0x47: {  	[sflag:s19] =	ssyncadd.s32 $0xFFFFFB00  }
0x48: {  	_ =	swait.ge [sflag:s19], $0x500  }
0x49: {  	[sflag:s19] =	ssyncset.done $0x0  }
0x4a: {  	[sflag:s19] =	ssyncadd.s32 $0xFFFFFB00  }
0x4b: {  	_ =	swait.ge [sflag:s19], $0x500  }
0x4c: {  	[sflag:s19] =	ssyncset.done $0x0  }
0x4d: {  	[sflag:s19] =	ssyncadd.s32 $0xFFFFFB00  }
0x4e: {  	_ =	swait.ge [sflag:s14], $0x1000  }
0x4f: {  	[sflag:s14] =	ssyncset.done $0x0  }
0x50: {  	[sflag:s14] =	ssyncadd.s32 $0xFFFFF000  }
0x51: {  	[tilespmem:s15], [sflag:$0x2] =	stream.linear.gather [hbm4b:s9+s3], $0x1000, $0x38;
	[tilespmem:$0x6F80] =	vst v63  }
0x52: {  	_ = 	snop  }
0x53: {  	[spmem:s2] =	stream.indirect.scatter.add.f32 [tilespmem:s17], [sflag:$0x1], $0x10, s3, s16, $0xb8;
	[tilespmem:$0x6F80] =	vst v63  }
0x54: {  	_ = 	snop  }
0x55: {  	[spmem:s2] =	stream.indirect.scatter.add.f32 [tilespmem:s17], [sflag:$0x1], $0x10, s18, s16, $0xb8;
	[tilespmem:$0x6F80] =	vst v63  }
0x56: {  	s22 =	simm.s32 $0x100  }
0x57: {  	[spmem:s2] =	stream.indirect.scatter.add.f32 [tilespmem:s17], [sflag:$0x1], $0x10, s22, s16, $0xb8;
	[tilespmem:$0x6F80] =	vst v63  }
0x58: {  	_ =	swait.ge [sflag:s19], $0x500  }
0x59: {  	s22 =	simm.s32 $0x600;
	[sflag:s19] =	ssyncset.done $0x0  }
.LBB2_8:
0x5a: {  	s23 =	sshra.s32 s22, $0x2;
	[sflag:s19] =	ssyncadd.s32 $0xFFFFFB00;
	p0 =	sne.s32 s22, $0x3E00  }
0x5b: {  	[spmem:s2] =	stream.indirect.scatter.add.f32 [tilespmem:s17], [sflag:$0x1], $0x10, s23, s16, $0xb8;
	[tilespmem:$0x6F80] =	vst v63  }
.Ltmp3:
0x5c: {  	_ = 	snop;
	(pc) =	sbr.rel @p0 .LBB2_8-.Ltmp3, $4  }
0x5d: {  	_ = 	snop  }
0x5e: {  	s22 =	sadd.s32 $0x200, s22  }
0x5f: {  	_ =	swait.ge [sflag:s19], $0x500  }
0x60: {  	[sflag:s19] =	ssyncset.done $0x0  }
0x61: {  	[sflag:s19] =	ssyncadd.s32 $0xFFFFFB00  }
0x62: {  	_ =	swait.ge [sflag:s19], $0x500  }
0x63: {  	[sflag:s19] =	ssyncset.done $0x0  }
0x64: {  	[sflag:s19] =	ssyncadd.s32 $0xFFFFFB00  }
0x65: {  	_ =	swait.ge [sflag:s19], $0x500  }
0x66: {  	[sflag:s19] =	ssyncset.done $0x0  }
0x67: {  	[sflag:s19] =	ssyncadd.s32 $0xFFFFFB00  }
0x68: {  	_ =	swait.ge [sflag:s14], $0x1000  }
0x69: {  	[sflag:s14] =	ssyncset.done $0x0  }
0x6a: {  	[sflag:s14] =	ssyncadd.s32 $0xFFFFF000  }
0x6b: {  	[spmem:s2] =	stream.indirect.scatter.add.f32 [tilespmem:s17], [sflag:$0x1], $0x10, s15, s16, $0xb8;
	[tilespmem:$0x6F80] =	vst v63  }
0x6c: {  	_ = 	snop  }
0x6d: {  	[spmem:s2] =	stream.indirect.scatter.add.f32 [tilespmem:s17], [sflag:$0x1], $0x10, s20, s16, $0xb8;
	[tilespmem:$0x6F80] =	vst v63  }
0x6e: {  	s22 =	simm.s32 $0x1100  }
0x6f: {  	[spmem:s2] =	stream.indirect.scatter.add.f32 [tilespmem:s17], [sflag:$0x1], $0x10, s22, s16, $0xb8;
	[tilespmem:$0x6F80] =	vst v63  }
0x70: {  	s22 =	simm.s32 $0x600;
	_ =	swait.ge [sflag:s19], $0x500  }
.LBB2_10:
0x71: {  	s23 =	sshra.s32 s22, $0x2;
	[sflag:s19] =	ssyncset.done $0x0;
	p0 =	sne.s32 s22, $0x3E00  }
.Ltmp4:
0x72: {  	s23 =	sadd.s32 $0x1000, s23;
	[sflag:s19] =	ssyncadd.s32 $0xFFFFFB00;
	(pc) =	sbr.rel @p0 .LBB2_10-.Ltmp4, $3  }
0x73: {  	[spmem:s2] =	stream.indirect.scatter.add.f32 [tilespmem:s17], [sflag:$0x1], $0x10, s23, s16, $0xb8;
	[tilespmem:$0x6F80] =	vst v63  }
0x74: {  	s22 =	sadd.s32 $0x200, s22;
	_ =	sdelay $0x1  }
0x75: {  	_ =	swait.ge [sflag:s19], $0x500  }
0x76: {  	[sflag:s19] =	ssyncset.done $0x0  }
0x77: {  	[sflag:s19] =	ssyncadd.s32 $0xFFFFFB00  }
0x78: {  	_ =	swait.ge [sflag:s19], $0x500  }
0x79: {  	[sflag:s19] =	ssyncset.done $0x0  }
0x7a: {  	[sflag:s19] =	ssyncadd.s32 $0xFFFFFB00  }
0x7b: {  	_ =	swait.ge [sflag:s19], $0x500  }
0x7c: {  	s21 =	sadd.s32 $0x1, s21;
	[sflag:s19] =	ssyncset.done $0x0  }
0x7d: {  	p0 =	sne.s32 s21, s10;
	[sflag:s19] =	ssyncadd.s32 $0xFFFFFB00  }
.Ltmp5:
0x7e: {  	[bflag:$0x0] =	sbarrier.arrive $0xFFFF;
	(pc) =	sbr.rel @p0 .LBB2_1-.Ltmp5, $4  }
0x7f: {  	[hbm:s11], [sflag:s5] =	dma.local [spmem:s12], $0x2780  }
0x80: {  	_ =	swait.ge [sflag:s13], $0x2780  }
0x81: {  	[sflag:s13] =	ssyncset.done $0x0  }
0x82: {  	[sflag:s13] =	ssyncadd.s32 $0xFFFFD880  }
0x83: {  	_ =	sfence.sel $0x180000  }
0x84: {  	[bflag:$0x0] =	sbarrier.arrive $0xFFFF  }
0x85: {  	p0 =	sne.s32 s1, $0x0;
	_ =	strace $0x90000047  }
0x86: {  	s0 =	sadd.s32 @!p0 $0x100000, s0;
	[bflag:$0x2] =	sbarrier.arrive $0xFFFF  }
0x87: {  	[sflag:s0] =	ssyncadd.tile.s32 @!p0 $0x1;
	_ =	shalt  }
.Lfunc_end2:
_tile_overlayer_lowered:
.L_overlay_start_2:
0x88: {  	(tag) =	ssettag $0x2  }
0x89: {  	s0 =	rddreg [dreg:$0x0];
	s2 =	stileid.u32  }
0x8a: {  	s1 =	rddreg [dreg:$0x1];
	p0 =	sne.s32 s2, $0x0  }
0x8b: {  	s3 =	rddreg [dreg:$0x2];
	[bflag:$0x3] =	sbarrier.arrive $0xFFFF;
	s2 =	simm.s32 @!p0 $0x1C03  }
0x8c: {  	[timem:s3], [sflag:s2] =	dma.local @!p0 [hbm:s0], s1  }
0x8d: {  	s0 =	simm.s32 @!p0 $0x3  }
0x8e: {  	_ =	swait.ge @!p0 [sflag:s0], s1  }
0x8f: {  	s1 =	ssub.s32 @!p0 $0x0, s1;
	[sflag:s0] =	ssyncset.done @!p0 $0x0  }
0x90: {  	[sflag:s0] =	ssyncadd.s32 @!p0 s1  }
0x91: {  	[bflag:$0x3] =	sbarrier.arrive $0xFFFF  }
0x92: {  	_ =	shalt  }

</sc_bundles>
